<compile_context>
chip_gen: v7x
topology: tpu7x:2x2x1
jax: 0.10.2.dev20260603
libtpu: 0.0.44.dev20260713+nightly
codegen_flags: <defaults>
</compile_context>

<pallas_src>
import functools

import jax
import jax.numpy as jnp
from jax import lax
from jax.experimental import pallas as pl
from jax.experimental.pallas import tpu as pltpu
from jax.experimental.pallas import tpu_sc as plsc

B_, S_, D_ = 1024, 200, 4
EMBED = 64
N = B_ * S_
NW = 32
ROWS_W = N // NW
C = 128
G = C * D_
NCHUNK = ROWS_W // C
SUB = 128
NSUB = G // SUB
NSUPER = NCHUNK // 2
LANES = 16
QE = EMBED // LANES

_mesh = plsc.VectorSubcoreMesh(core_axis_name="c", subcore_axis_name="s")


@functools.partial(
    pl.kernel,
    out_type=jax.ShapeDtypeStruct((N, 2 * EMBED), jnp.float32),
    mesh=_mesh,
    compiler_params=pltpu.CompilerParams(use_tc_tiling_on_sc=False),
    scratch_types=[
        pltpu.VMEM((2 * NSUB, SUB), jnp.int32),
        pltpu.VMEM((G, EMBED), jnp.float32),
        pltpu.VMEM((G, EMBED), jnp.float32),
        pltpu.VMEM((C, 2 * EMBED), jnp.float32),
        pltpu.VMEM((C, 2 * EMBED), jnp.float32),
        pltpu.SemaphoreType.DMA,
        pltpu.SemaphoreType.DMA,
    ],
)
def _emb_pool(idx_hbm, table_hbm, out_hbm, idx_v, gbuf0, gbuf1, obuf0, obuf1,
              gsem, osem):
    wid = lax.axis_index("s") * 2 + lax.axis_index("c")
    base = wid * ROWS_W
    gbufs = (gbuf0, gbuf1)
    obufs = (obuf0, obuf1)

    def stage(s):
        irow = pl.multiple_of(base * D_ // SUB + s * 2 * NSUB, 2 * NSUB)
        pltpu.sync_copy(idx_hbm.at[pl.ds(irow, 2 * NSUB)], idx_v)

    def fire(g, p):
        for j in range(NSUB):
            pltpu.async_copy(
                table_hbm.at[idx_v.at[(g % 2) * NSUB + j]],
                gbufs[p].at[pl.ds(j * SUB, SUB)],
                gsem,
            )

    def wait_gathers(p):
        for j in range(NSUB):
            pltpu.make_async_copy(
                table_hbm.at[idx_v.at[j]],
                gbufs[p].at[pl.ds(j * SUB, SUB)],
                gsem,
            ).wait()

    def obase(g):
        return pl.multiple_of(base + g * C, C)

    def wait_out(p):
        pltpu.make_async_copy(
            obufs[p], out_hbm.at[pl.ds(0, C)], osem).wait()

    def pool(p):
        gbuf, obuf = gbufs[p], obufs[p]

        def row(n, carry):
            r = n * D_
            for q in range(QE):
                sl = pl.ds(q * LANES, LANES)
                acc = gbuf[r, sl]
                for k in range(1, D_):
                    acc = acc + gbuf[r + k, sl]
                obuf[n, sl] = acc
            return carry

        lax.fori_loop(0, C, row, 0, unroll=2)

    def out_copy(g, p):
        pltpu.async_copy(obufs[p], out_hbm.at[pl.ds(obase(g), C)], osem)

    stage(0)
    fire(0, 0)

    def super_body(go, carry):
        g = 2 * go
        fire(g + 1, 1)
        wait_gathers(0)

        @pl.when(go >= 1)
        def _():
            wait_out(0)

        pool(0)
        out_copy(g, 0)

        wait_gathers(1)
        stage(go + 1)
        fire(g + 2, 0)

        @pl.when(go >= 1)
        def _():
            wait_out(1)

        pool(1)
        out_copy(g + 1, 1)
        return carry

    lax.fori_loop(0, NSUPER - 1, super_body, 0)

    fire(NCHUNK - 1, 1)
    wait_gathers(0)
    wait_out(0)
    pool(0)
    out_copy(NCHUNK - 2, 0)
    wait_gathers(1)
    wait_out(1)
    pool(1)
    out_copy(NCHUNK - 1, 1)
    wait_out(0)
    wait_out(1)


def kernel(input, table):
    b, s, d = input.shape
    flat_idx = input.reshape(b * s * d // SUB, SUB)
    out = _emb_pool(flat_idx, table)
    return out[:, :EMBED].reshape(b, s, EMBED)

# --- scband reference (transcript-rebuilt; emitter-appended) ---
"""Pipeline reference for scband-repr-w-a-c-40767829574349 (READ-ONLY COPY).

The authoritative reference and input builder live on the scoring server;
editing this copy changes nothing except your own understanding.
"""

import jax, jax.numpy as jnp
import numpy as np

VOCAB = 1000000
EMBED = 64
B, S, D = 1024, 200, 4

def setup_inputs(seed: int = 0) -> dict:
    key = jax.random.key(seed)
    k_idx, k_tab = jax.random.split(key)
    inp = jax.random.randint(k_idx, (B, S, D), 0, VOCAB, dtype=jnp.int64 if jax.config.jax_enable_x64 else jnp.int32).astype(jnp.int32)
    table = jax.random.normal(k_tab, (VOCAB, EMBED), dtype=jnp.float32)
    # padding_idx=0: row 0 is zeros, matching torch.nn.Embedding(padding_idx=0) init
    table = table.at[0].set(0.0)
    return {"input": inp, "table": table}

def reference(input, table):
    # torch.stack(input, 0) on a 3D tensor reproduces the same [B, S, D] tensor
    b_, s_, d_ = input.shape
    flat = input.reshape(-1, s_ * d_)            # b = a.view(-1, seq_len*words_depth)
    c = jnp.take(table, flat, axis=0)            # embedding lookup
    d = c.reshape(-1, s_, d_, table.shape[1])    # [B, S, D, E]
    e = d.sum(axis=2)                            # sum over words_depth
    return e

if __name__ == "__main__":
    import jax
    _d = setup_inputs()
    print(jax.jit(kernel)(*tuple(_d.values())))

</pallas_src>

<mosaic_0001>
#map = affine_map<(d0, d1) -> (0, 0)>
module attributes {stable_mosaic.version = 14 : i64} {
  func.func @_emb_pool(%arg0: i32, %arg1: i32, %arg2: memref<6400x128xi32, #tpu.memory_space<hbm>>, %arg3: memref<1000000x64xf32, #tpu.memory_space<hbm>>, %arg4: memref<204800x128xf32, #tpu.memory_space<hbm>>, %arg5: memref<8x128xi32, #tpu.memory_space<vmem>>, %arg6: memref<512x64xf32, #tpu.memory_space<vmem>>, %arg7: memref<512x64xf32, #tpu.memory_space<vmem>>, %arg8: memref<128x128xf32, #tpu.memory_space<vmem>>, %arg9: memref<128x128xf32, #tpu.memory_space<vmem>>, %arg10: memref<!tpu.dma_semaphore, #tpu.memory_space<semaphore_mem>>, %arg11: memref<!tpu.dma_semaphore, #tpu.memory_space<semaphore_mem>>) attributes {dimension_semantics = [#tpu.dimension_semantics<core_parallel>, #tpu.dimension_semantics<subcore_parallel>], iteration_bounds = array<i64: 2, 16>, scalar_prefetch = 0 : i64, scratch_operands = 7 : i64, tpu.core_type = #tpu.core_type<sc_vector_subcore>, window_params = [{transform_indices = #map}, {transform_indices = #map}, {transform_indices = #map}]} {
    %mul3A = arith.constant 2 : i32
    %mul3A_0 = arith.muli %arg1, %mul3A : i32
    %add3A = arith.addi %mul3A_0, %arg0 : i32
    %mul3A_1 = arith.constant 6400 : i32
    %mul3A_2 = arith.muli %add3A, %mul3A_1 : i32
    %mul3A_3 = arith.constant 4 : i32
    %mul3A_4 = arith.muli %mul3A_2, %mul3A_3 : i32
    %jit3A = arith.constant 128 : i32
    %div3A = arith.divsi %mul3A_4, %jit3A : i32
    %sign3A = arith.constant 0 : i32
    %sign3A_5 = arith.cmpi sgt, %mul3A_4, %sign3A : i32
    %sign3A_6 = arith.extui %sign3A_5 : i1 to i32
    %sign3A_7 = arith.constant 0 : i32
    %sign3A_8 = arith.cmpi slt, %mul3A_4, %sign3A_7 : i32
    %sign3A_9 = arith.extui %sign3A_8 : i1 to i32
    %sign3A_10 = arith.subi %sign3A_6, %sign3A_9 : i32
    %sign3A_11 = arith.constant 0 : i32
    %sign3A_12 = arith.cmpi sgt, %jit3A, %sign3A_11 : i32
    %sign3A_13 = arith.extui %sign3A_12 : i1 to i32
    %sign3A_14 = arith.constant 0 : i32
    %sign3A_15 = arith.cmpi slt, %jit3A, %sign3A_14 : i32
    %sign3A_16 = arith.extui %sign3A_15 : i1 to i32
    %sign3A_17 = arith.subi %sign3A_13, %sign3A_16 : i32
    %ne3A = arith.cmpi ne, %sign3A_10, %sign3A_17 : i32
    %rem3A = arith.remsi %mul3A_4, %jit3A : i32
    %ne3A_18 = arith.constant 0 : i32
    %ne3A_19 = arith.cmpi ne, %rem3A, %ne3A_18 : i32
    %and3A = arith.andi %ne3A, %ne3A_19 : i1
    %sub3A = arith.constant 1 : i32
    %sub3A_20 = arith.subi %div3A, %sub3A : i32
    %select_n3A = arith.select %and3A, %sub3A_20, %div3A : i32
    %add3A_21 = arith.constant 0 : i32
    %add3A_22 = arith.addi %select_n3A, %add3A_21 : i32
    %multiple_of3A = tpu.assume_multiple %add3A_22, 8 : i32
    "tpu.region"() ({
      %run_scoped3A = tpu.sem_alloc : memref<!tpu.dma_semaphore, #tpu.memory_space<semaphore_mem>>
      %dma_start3A_236 = arith.constant 0 : i32
      %dma_start3A_237 = tpu.memref_slice %arg2[%multiple_of3A, %dma_start3A_236] : memref<6400x128xi32, #tpu.memory_space<hbm>> -> memref<8x128xi32, #tpu.memory_space<hbm>>
      %dma_start3A_238 = arith.constant 0 : i32
      %dma_start3A_239 = tpu.memref_slice %arg2[%multiple_of3A, %dma_start3A_238] : memref<6400x128xi32, #tpu.memory_space<hbm>> -> memref<8x128xi32, #tpu.memory_space<hbm>>
      tpu.enqueue_dma source(%dma_start3A_239 : memref<8x128xi32, #tpu.memory_space<hbm>>) target(%arg5 : memref<8x128xi32, #tpu.memory_space<vmem>>) target_semaphore(%run_scoped3A : memref<!tpu.dma_semaphore, #tpu.memory_space<semaphore_mem>>)
      %dma_wait3A_240 = arith.constant 0 : i32
      %dma_wait3A_241 = tpu.memref_slice %arg2[%multiple_of3A, %dma_wait3A_240] : memref<6400x128xi32, #tpu.memory_space<hbm>> -> memref<8x128xi32, #tpu.memory_space<hbm>>
      %dma_wait3A_242 = arith.constant 0 : i32
      %dma_wait3A_243 = tpu.memref_slice %arg2[%multiple_of3A, %dma_wait3A_242] : memref<6400x128xi32, #tpu.memory_space<hbm>> -> memref<8x128xi32, #tpu.memory_space<hbm>>
      tpu.wait_dma2 semaphore(%run_scoped3A : memref<!tpu.dma_semaphore, #tpu.memory_space<semaphore_mem>>) src(%dma_wait3A_243 : memref<8x128xi32, #tpu.memory_space<hbm>>) dst(%arg5 : memref<8x128xi32, #tpu.memory_space<vmem>>)
      tpu.yield
    }) : () -> ()
    %dma_start3A = arith.constant 0 : i32
    %dma_start3A_23 = arith.constant 0 : i32
    %dma_start3A_24 = arith.constant 0 : i32
    %dma_start3A_25 = tpu.memref_slice %arg6[%dma_start3A_23, %dma_start3A_24] : memref<512x64xf32, #tpu.memory_space<vmem>> -> memref<128x64xf32, #tpu.memory_space<vmem>>
    %dma_start3A_26 = arith.constant 0 : i32
    %dma_start3A_27 = tpu.memref_slice %arg5[%dma_start3A, %dma_start3A_26] : memref<8x128xi32, #tpu.memory_space<vmem>> -> memref<1x128xi32, #tpu.memory_space<vmem>>
    %dma_start3A_28 = tpu.memref_squeeze %dma_start3A_27 : memref<1x128xi32, #tpu.memory_space<vmem>> -> memref<128xi32, #tpu.memory_space<vmem>>
    %dma_start3A_29 = arith.constant 0 : i32
    %dma_start3A_30 = arith.constant 0 : i32
    %dma_start3A_31 = tpu.memref_slice %arg3[%dma_start3A_29, %dma_start3A_30] : memref<1000000x64xf32, #tpu.memory_space<hbm>> -> memref<1000000x64xf32, #tpu.memory_space<hbm>>
    tpu.enqueue_indirect_dma source(%dma_start3A_31 : memref<1000000x64xf32, #tpu.memory_space<hbm>>) target(%dma_start3A_25 : memref<128x64xf32, #tpu.memory_space<vmem>>) offsets(%dma_start3A_28 : memref<128xi32, #tpu.memory_space<vmem>>) semaphore(%arg10 : memref<!tpu.dma_semaphore, #tpu.memory_space<semaphore_mem>>)
    %dma_start3A_32 = arith.constant 1 : i32
    %dma_start3A_33 = arith.constant 128 : i32
    %dma_start3A_34 = arith.constant 0 : i32
    %dma_start3A_35 = tpu.memref_slice %arg6[%dma_start3A_33, %dma_start3A_34] : memref<512x64xf32, #tpu.memory_space<vmem>> -> memref<128x64xf32, #tpu.memory_space<vmem>>
    %dma_start3A_36 = arith.constant 0 : i32
    %dma_start3A_37 = tpu.memref_slice %arg5[%dma_start3A_32, %dma_start3A_36] : memref<8x128xi32, #tpu.memory_space<vmem>> -> memref<1x128xi32, #tpu.memory_space<vmem>>
    %dma_start3A_38 = tpu.memref_squeeze %dma_start3A_37 : memref<1x128xi32, #tpu.memory_space<vmem>> -> memref<128xi32, #tpu.memory_space<vmem>>
    %dma_start3A_39 = arith.constant 0 : i32
    %dma_start3A_40 = arith.constant 0 : i32
    %dma_start3A_41 = tpu.memref_slice %arg3[%dma_start3A_39, %dma_start3A_40] : memref<1000000x64xf32, #tpu.memory_space<hbm>> -> memref<1000000x64xf32, #tpu.memory_space<hbm>>
    tpu.enqueue_indirect_dma source(%dma_start3A_41 : memref<1000000x64xf32, #tpu.memory_space<hbm>>) target(%dma_start3A_35 : memref<128x64xf32, #tpu.memory_space<vmem>>) offsets(%dma_start3A_38 : memref<128xi32, #tpu.memory_space<vmem>>) semaphore(%arg10 : memref<!tpu.dma_semaphore, #tpu.memory_space<semaphore_mem>>)
    %dma_start3A_42 = arith.constant 2 : i32
    %dma_start3A_43 = arith.constant 256 : i32
    %dma_start3A_44 = arith.constant 0 : i32
    %dma_start3A_45 = tpu.memref_slice %arg6[%dma_start3A_43, %dma_start3A_44] : memref<512x64xf32, #tpu.memory_space<vmem>> -> memref<128x64xf32, #tpu.memory_space<vmem>>
    %dma_start3A_46 = arith.constant 0 : i32
    %dma_start3A_47 = tpu.memref_slice %arg5[%dma_start3A_42, %dma_start3A_46] : memref<8x128xi32, #tpu.memory_space<vmem>> -> memref<1x128xi32, #tpu.memory_space<vmem>>
    %dma_start3A_48 = tpu.memref_squeeze %dma_start3A_47 : memref<1x128xi32, #tpu.memory_space<vmem>> -> memref<128xi32, #tpu.memory_space<vmem>>
    %dma_start3A_49 = arith.constant 0 : i32
    %dma_start3A_50 = arith.constant 0 : i32
    %dma_start3A_51 = tpu.memref_slice %arg3[%dma_start3A_49, %dma_start3A_50] : memref<1000000x64xf32, #tpu.memory_space<hbm>> -> memref<1000000x64xf32, #tpu.memory_space<hbm>>
    tpu.enqueue_indirect_dma source(%dma_start3A_51 : memref<1000000x64xf32, #tpu.memory_space<hbm>>) target(%dma_start3A_45 : memref<128x64xf32, #tpu.memory_space<vmem>>) offsets(%dma_start3A_48 : memref<128xi32, #tpu.memory_space<vmem>>) semaphore(%arg10 : memref<!tpu.dma_semaphore, #tpu.memory_space<semaphore_mem>>)
    %dma_start3A_52 = arith.constant 3 : i32
    %dma_start3A_53 = arith.constant 384 : i32
    %dma_start3A_54 = arith.constant 0 : i32
    %dma_start3A_55 = tpu.memref_slice %arg6[%dma_start3A_53, %dma_start3A_54] : memref<512x64xf32, #tpu.memory_space<vmem>> -> memref<128x64xf32, #tpu.memory_space<vmem>>
    %dma_start3A_56 = arith.constant 0 : i32
    %dma_start3A_57 = tpu.memref_slice %arg5[%dma_start3A_52, %dma_start3A_56] : memref<8x128xi32, #tpu.memory_space<vmem>> -> memref<1x128xi32, #tpu.memory_space<vmem>>
    %dma_start3A_58 = tpu.memref_squeeze %dma_start3A_57 : memref<1x128xi32, #tpu.memory_space<vmem>> -> memref<128xi32, #tpu.memory_space<vmem>>
    %dma_start3A_59 = arith.constant 0 : i32
    %dma_start3A_60 = arith.constant 0 : i32
    %dma_start3A_61 = tpu.memref_slice %arg3[%dma_start3A_59, %dma_start3A_60] : memref<1000000x64xf32, #tpu.memory_space<hbm>> -> memref<1000000x64xf32, #tpu.memory_space<hbm>>
    tpu.enqueue_indirect_dma source(%dma_start3A_61 : memref<1000000x64xf32, #tpu.memory_space<hbm>>) target(%dma_start3A_55 : memref<128x64xf32, #tpu.memory_space<vmem>>) offsets(%dma_start3A_58 : memref<128xi32, #tpu.memory_space<vmem>>) semaphore(%arg10 : memref<!tpu.dma_semaphore, #tpu.memory_space<semaphore_mem>>)
    %scan3A = arith.constant 0 : i32
    %scan3A_62 = arith.constant 0 : i32
    %scan3A_63 = arith.constant 24 : i32
    %scan3A_64 = arith.addi %scan3A_62, %scan3A_63 : i32
    %scan3A_65 = arith.constant 1 : i32
    scf.for %scan3A_236 = %scan3A_62 to %scan3A_64 step %scan3A_65  : i32 {
      %mul3A_237 = arith.constant 2 : i32
      %mul3A_238 = arith.muli %mul3A_237, %scan3A_236 : i32
      %add3A_239 = arith.constant 1 : i32
      %add3A_240 = arith.addi %mul3A_238, %add3A_239 : i32
      %jit3A_241 = arith.constant 2 : i32
      %eq3A = arith.constant 0 : i32
      %eq3A_242 = arith.cmpi eq, %jit3A_241, %eq3A : i32
      %jit3A_243 = arith.constant 1 : i32
      %select_n3A_244 = arith.select %eq3A_242, %jit3A_243, %jit3A_241 : i32
      %rem3A_245 = arith.remsi %add3A_240, %select_n3A_244 : i32
      %ne3A_246 = arith.constant 0 : i32
      %ne3A_247 = arith.cmpi ne, %rem3A_245, %ne3A_246 : i32
      %lt3A = arith.constant 0 : i32
      %lt3A_248 = arith.cmpi slt, %rem3A_245, %lt3A : i32
      %lt3A_249 = arith.constant 0 : i32
      %lt3A_250 = arith.cmpi slt, %select_n3A_244, %lt3A_249 : i32
      %ne3A_251 = arith.xori %lt3A_248, %lt3A_250 : i1
      %and3A_252 = arith.andi %ne3A_251, %ne3A_247 : i1
      %add3A_253 = arith.addi %rem3A_245, %select_n3A_244 : i32
      %select_n3A_254 = arith.select %and3A_252, %add3A_253, %rem3A_245 : i32
      %mul3A_255 = arith.constant 4 : i32
      %mul3A_256 = arith.muli %select_n3A_254, %mul3A_255 : i32
      %add3A_257 = arith.constant 0 : i32
      %add3A_258 = arith.addi %mul3A_256, %add3A_257 : i32
      %dma_start3A_259 = arith.constant 0 : i32
      %dma_start3A_260 = arith.constant 0 : i32
      %dma_start3A_261 = tpu.memref_slice %arg7[%dma_start3A_259, %dma_start3A_260] : memref<512x64xf32, #tpu.memory_space<vmem>> -> memref<128x64xf32, #tpu.memory_space<vmem>>
      %dma_start3A_262 = arith.constant 0 : i32
      %dma_start3A_263 = tpu.memref_slice %arg5[%add3A_258, %dma_start3A_262] : memref<8x128xi32, #tpu.memory_space<vmem>> -> memref<1x128xi32, #tpu.memory_space<vmem>>
      %dma_start3A_264 = tpu.memref_squeeze %dma_start3A_263 : memref<1x128xi32, #tpu.memory_space<vmem>> -> memref<128xi32, #tpu.memory_space<vmem>>
      %dma_start3A_265 = arith.constant 0 : i32
      %dma_start3A_266 = arith.constant 0 : i32
      %dma_start3A_267 = tpu.memref_slice %arg3[%dma_start3A_265, %dma_start3A_266] : memref<1000000x64xf32, #tpu.memory_space<hbm>> -> memref<1000000x64xf32, #tpu.memory_space<hbm>>
      tpu.enqueue_indirect_dma source(%dma_start3A_267 : memref<1000000x64xf32, #tpu.memory_space<hbm>>) target(%dma_start3A_261 : memref<128x64xf32, #tpu.memory_space<vmem>>) offsets(%dma_start3A_264 : memref<128xi32, #tpu.memory_space<vmem>>) semaphore(%arg10 : memref<!tpu.dma_semaphore, #tpu.memory_space<semaphore_mem>>)
      %jit3A_268 = arith.constant 2 : i32
      %eq3A_269 = arith.constant 0 : i32
      %eq3A_270 = arith.cmpi eq, %jit3A_268, %eq3A_269 : i32
      %jit3A_271 = arith.constant 1 : i32
      %select_n3A_272 = arith.select %eq3A_270, %jit3A_271, %jit3A_268 : i32
      %rem3A_273 = arith.remsi %add3A_240, %select_n3A_272 : i32
      %ne3A_274 = arith.constant 0 : i32
      %ne3A_275 = arith.cmpi ne, %rem3A_273, %ne3A_274 : i32
      %lt3A_276 = arith.constant 0 : i32
      %lt3A_277 = arith.cmpi slt, %rem3A_273, %lt3A_276 : i32
      %lt3A_278 = arith.constant 0 : i32
      %lt3A_279 = arith.cmpi slt, %select_n3A_272, %lt3A_278 : i32
      %ne3A_280 = arith.xori %lt3A_277, %lt3A_279 : i1
      %and3A_281 = arith.andi %ne3A_280, %ne3A_275 : i1
      %add3A_282 = arith.addi %rem3A_273, %select_n3A_272 : i32
      %select_n3A_283 = arith.select %and3A_281, %add3A_282, %rem3A_273 : i32
      %mul3A_284 = arith.constant 4 : i32
      %mul3A_285 = arith.muli %select_n3A_283, %mul3A_284 : i32
      %add3A_286 = arith.constant 1 : i32
      %add3A_287 = arith.addi %mul3A_285, %add3A_286 : i32
      %dma_start3A_288 = arith.constant 128 : i32
      %dma_start3A_289 = arith.constant 0 : i32
      %dma_start3A_290 = tpu.memref_slice %arg7[%dma_start3A_288, %dma_start3A_289] : memref<512x64xf32, #tpu.memory_space<vmem>> -> memref<128x64xf32, #tpu.memory_space<vmem>>
      %dma_start3A_291 = arith.constant 0 : i32
      %dma_start3A_292 = tpu.memref_slice %arg5[%add3A_287, %dma_start3A_291] : memref<8x128xi32, #tpu.memory_space<vmem>> -> memref<1x128xi32, #tpu.memory_space<vmem>>
      %dma_start3A_293 = tpu.memref_squeeze %dma_start3A_292 : memref<1x128xi32, #tpu.memory_space<vmem>> -> memref<128xi32, #tpu.memory_space<vmem>>
      %dma_start3A_294 = arith.constant 0 : i32
      %dma_start3A_295 = arith.constant 0 : i32
      %dma_start3A_296 = tpu.memref_slice %arg3[%dma_start3A_294, %dma_start3A_295] : memref<1000000x64xf32, #tpu.memory_space<hbm>> -> memref<1000000x64xf32, #tpu.memory_space<hbm>>
      tpu.enqueue_indirect_dma source(%dma_start3A_296 : memref<1000000x64xf32, #tpu.memory_space<hbm>>) target(%dma_start3A_290 : memref<128x64xf32, #tpu.memory_space<vmem>>) offsets(%dma_start3A_293 : memref<128xi32, #tpu.memory_space<vmem>>) semaphore(%arg10 : memref<!tpu.dma_semaphore, #tpu.memory_space<semaphore_mem>>)
      %jit3A_297 = arith.constant 2 : i32
      %eq3A_298 = arith.constant 0 : i32
      %eq3A_299 = arith.cmpi eq, %jit3A_297, %eq3A_298 : i32
      %jit3A_300 = arith.constant 1 : i32
      %select_n3A_301 = arith.select %eq3A_299, %jit3A_300, %jit3A_297 : i32
      %rem3A_302 = arith.remsi %add3A_240, %select_n3A_301 : i32
      %ne3A_303 = arith.constant 0 : i32
      %ne3A_304 = arith.cmpi ne, %rem3A_302, %ne3A_303 : i32
      %lt3A_305 = arith.constant 0 : i32
      %lt3A_306 = arith.cmpi slt, %rem3A_302, %lt3A_305 : i32
      %lt3A_307 = arith.constant 0 : i32
      %lt3A_308 = arith.cmpi slt, %select_n3A_301, %lt3A_307 : i32
      %ne3A_309 = arith.xori %lt3A_306, %lt3A_308 : i1
      %and3A_310 = arith.andi %ne3A_309, %ne3A_304 : i1
      %add3A_311 = arith.addi %rem3A_302, %select_n3A_301 : i32
      %select_n3A_312 = arith.select %and3A_310, %add3A_311, %rem3A_302 : i32
      %mul3A_313 = arith.constant 4 : i32
      %mul3A_314 = arith.muli %select_n3A_312, %mul3A_313 : i32
      %add3A_315 = arith.constant 2 : i32
      %add3A_316 = arith.addi %mul3A_314, %add3A_315 : i32
      %dma_start3A_317 = arith.constant 256 : i32
      %dma_start3A_318 = arith.constant 0 : i32
      %dma_start3A_319 = tpu.memref_slice %arg7[%dma_start3A_317, %dma_start3A_318] : memref<512x64xf32, #tpu.memory_space<vmem>> -> memref<128x64xf32, #tpu.memory_space<vmem>>
      %dma_start3A_320 = arith.constant 0 : i32
      %dma_start3A_321 = tpu.memref_slice %arg5[%add3A_316, %dma_start3A_320] : memref<8x128xi32, #tpu.memory_space<vmem>> -> memref<1x128xi32, #tpu.memory_space<vmem>>
      %dma_start3A_322 = tpu.memref_squeeze %dma_start3A_321 : memref<1x128xi32, #tpu.memory_space<vmem>> -> memref<128xi32, #tpu.memory_space<vmem>>
      %dma_start3A_323 = arith.constant 0 : i32
      %dma_start3A_324 = arith.constant 0 : i32
      %dma_start3A_325 = tpu.memref_slice %arg3[%dma_start3A_323, %dma_start3A_324] : memref<1000000x64xf32, #tpu.memory_space<hbm>> -> memref<1000000x64xf32, #tpu.memory_space<hbm>>
      tpu.enqueue_indirect_dma source(%dma_start3A_325 : memref<1000000x64xf32, #tpu.memory_space<hbm>>) target(%dma_start3A_319 : memref<128x64xf32, #tpu.memory_space<vmem>>) offsets(%dma_start3A_322 : memref<128xi32, #tpu.memory_space<vmem>>) semaphore(%arg10 : memref<!tpu.dma_semaphore, #tpu.memory_space<semaphore_mem>>)
      %jit3A_326 = arith.constant 2 : i32
      %eq3A_327 = arith.constant 0 : i32
      %eq3A_328 = arith.cmpi eq, %jit3A_326, %eq3A_327 : i32
      %jit3A_329 = arith.constant 1 : i32
      %select_n3A_330 = arith.select %eq3A_328, %jit3A_329, %jit3A_326 : i32
      %rem3A_331 = arith.remsi %add3A_240, %select_n3A_330 : i32
      %ne3A_332 = arith.constant 0 : i32
      %ne3A_333 = arith.cmpi ne, %rem3A_331, %ne3A_332 : i32
      %lt3A_334 = arith.constant 0 : i32
      %lt3A_335 = arith.cmpi slt, %rem3A_331, %lt3A_334 : i32
      %lt3A_336 = arith.constant 0 : i32
      %lt3A_337 = arith.cmpi slt, %select_n3A_330, %lt3A_336 : i32
      %ne3A_338 = arith.xori %lt3A_335, %lt3A_337 : i1
      %and3A_339 = arith.andi %ne3A_338, %ne3A_333 : i1
      %add3A_340 = arith.addi %rem3A_331, %select_n3A_330 : i32
      %select_n3A_341 = arith.select %and3A_339, %add3A_340, %rem3A_331 : i32
      %mul3A_342 = arith.constant 4 : i32
      %mul3A_343 = arith.muli %select_n3A_341, %mul3A_342 : i32
      %add3A_344 = arith.constant 3 : i32
      %add3A_345 = arith.addi %mul3A_343, %add3A_344 : i32
      %dma_start3A_346 = arith.constant 384 : i32
      %dma_start3A_347 = arith.constant 0 : i32
      %dma_start3A_348 = tpu.memref_slice %arg7[%dma_start3A_346, %dma_start3A_347] : memref<512x64xf32, #tpu.memory_space<vmem>> -> memref<128x64xf32, #tpu.memory_space<vmem>>
      %dma_start3A_349 = arith.constant 0 : i32
      %dma_start3A_350 = tpu.memref_slice %arg5[%add3A_345, %dma_start3A_349] : memref<8x128xi32, #tpu.memory_space<vmem>> -> memref<1x128xi32, #tpu.memory_space<vmem>>
      %dma_start3A_351 = tpu.memref_squeeze %dma_start3A_350 : memref<1x128xi32, #tpu.memory_space<vmem>> -> memref<128xi32, #tpu.memory_space<vmem>>
      %dma_start3A_352 = arith.constant 0 : i32
      %dma_start3A_353 = arith.constant 0 : i32
      %dma_start3A_354 = tpu.memref_slice %arg3[%dma_start3A_352, %dma_start3A_353] : memref<1000000x64xf32, #tpu.memory_space<hbm>> -> memref<1000000x64xf32, #tpu.memory_space<hbm>>
      tpu.enqueue_indirect_dma source(%dma_start3A_354 : memref<1000000x64xf32, #tpu.memory_space<hbm>>) target(%dma_start3A_348 : memref<128x64xf32, #tpu.memory_space<vmem>>) offsets(%dma_start3A_351 : memref<128xi32, #tpu.memory_space<vmem>>) semaphore(%arg10 : memref<!tpu.dma_semaphore, #tpu.memory_space<semaphore_mem>>)
      %dma_wait3A_355 = arith.constant 0 : i32
      %dma_wait3A_356 = arith.constant 0 : i32
      %dma_wait3A_357 = arith.constant 0 : i32
      %dma_wait3A_358 = tpu.memref_slice %arg6[%dma_wait3A_356, %dma_wait3A_357] : memref<512x64xf32, #tpu.memory_space<vmem>> -> memref<128x64xf32, #tpu.memory_space<vmem>>
      %dma_wait3A_359 = arith.constant 0 : i32
      %dma_wait3A_360 = tpu.memref_slice %arg5[%dma_wait3A_355, %dma_wait3A_359] : memref<8x128xi32, #tpu.memory_space<vmem>> -> memref<1x128xi32, #tpu.memory_space<vmem>>
      %dma_wait3A_361 = tpu.memref_squeeze %dma_wait3A_360 : memref<1x128xi32, #tpu.memory_space<vmem>> -> memref<128xi32, #tpu.memory_space<vmem>>
      %dma_wait3A_362 = arith.constant 0 : i32
      %dma_wait3A_363 = arith.constant 0 : i32
      %dma_wait3A_364 = tpu.memref_slice %arg3[%dma_wait3A_362, %dma_wait3A_363] : memref<1000000x64xf32, #tpu.memory_space<hbm>> -> memref<1000000x64xf32, #tpu.memory_space<hbm>>
      tpu.wait_indirect_dma semaphore(%arg10 : memref<!tpu.dma_semaphore, #tpu.memory_space<semaphore_mem>>) src(%dma_wait3A_364 : memref<1000000x64xf32, #tpu.memory_space<hbm>>) dst(%dma_wait3A_358 : memref<128x64xf32, #tpu.memory_space<vmem>>)
      %dma_wait3A_365 = arith.constant 1 : i32
      %dma_wait3A_366 = arith.constant 128 : i32
      %dma_wait3A_367 = arith.constant 0 : i32
      %dma_wait3A_368 = tpu.memref_slice %arg6[%dma_wait3A_366, %dma_wait3A_367] : memref<512x64xf32, #tpu.memory_space<vmem>> -> memref<128x64xf32, #tpu.memory_space<vmem>>
      %dma_wait3A_369 = arith.constant 0 : i32
      %dma_wait3A_370 = tpu.memref_slice %arg5[%dma_wait3A_365, %dma_wait3A_369] : memref<8x128xi32, #tpu.memory_space<vmem>> -> memref<1x128xi32, #tpu.memory_space<vmem>>
      %dma_wait3A_371 = tpu.memref_squeeze %dma_wait3A_370 : memref<1x128xi32, #tpu.memory_space<vmem>> -> memref<128xi32, #tpu.memory_space<vmem>>
      %dma_wait3A_372 = arith.constant 0 : i32
      %dma_wait3A_373 = arith.constant 0 : i32
      %dma_wait3A_374 = tpu.memref_slice %arg3[%dma_wait3A_372, %dma_wait3A_373] : memref<1000000x64xf32, #tpu.memory_space<hbm>> -> memref<1000000x64xf32, #tpu.memory_space<hbm>>
      tpu.wait_indirect_dma semaphore(%arg10 : memref<!tpu.dma_semaphore, #tpu.memory_space<semaphore_mem>>) src(%dma_wait3A_374 : memref<1000000x64xf32, #tpu.memory_space<hbm>>) dst(%dma_wait3A_368 : memref<128x64xf32, #tpu.memory_space<vmem>>)
      %dma_wait3A_375 = arith.constant 2 : i32
      %dma_wait3A_376 = arith.constant 256 : i32
      %dma_wait3A_377 = arith.constant 0 : i32
      %dma_wait3A_378 = tpu.memref_slice %arg6[%dma_wait3A_376, %dma_wait3A_377] : memref<512x64xf32, #tpu.memory_space<vmem>> -> memref<128x64xf32, #tpu.memory_space<vmem>>
      %dma_wait3A_379 = arith.constant 0 : i32
      %dma_wait3A_380 = tpu.memref_slice %arg5[%dma_wait3A_375, %dma_wait3A_379] : memref<8x128xi32, #tpu.memory_space<vmem>> -> memref<1x128xi32, #tpu.memory_space<vmem>>
      %dma_wait3A_381 = tpu.memref_squeeze %dma_wait3A_380 : memref<1x128xi32, #tpu.memory_space<vmem>> -> memref<128xi32, #tpu.memory_space<vmem>>
      %dma_wait3A_382 = arith.constant 0 : i32
      %dma_wait3A_383 = arith.constant 0 : i32
      %dma_wait3A_384 = tpu.memref_slice %arg3[%dma_wait3A_382, %dma_wait3A_383] : memref<1000000x64xf32, #tpu.memory_space<hbm>> -> memref<1000000x64xf32, #tpu.memory_space<hbm>>
      tpu.wait_indirect_dma semaphore(%arg10 : memref<!tpu.dma_semaphore, #tpu.memory_space<semaphore_mem>>) src(%dma_wait3A_384 : memref<1000000x64xf32, #tpu.memory_space<hbm>>) dst(%dma_wait3A_378 : memref<128x64xf32, #tpu.memory_space<vmem>>)
      %dma_wait3A_385 = arith.constant 3 : i32
      %dma_wait3A_386 = arith.constant 384 : i32
      %dma_wait3A_387 = arith.constant 0 : i32
      %dma_wait3A_388 = tpu.memref_slice %arg6[%dma_wait3A_386, %dma_wait3A_387] : memref<512x64xf32, #tpu.memory_space<vmem>> -> memref<128x64xf32, #tpu.memory_space<vmem>>
      %dma_wait3A_389 = arith.constant 0 : i32
      %dma_wait3A_390 = tpu.memref_slice %arg5[%dma_wait3A_385, %dma_wait3A_389] : memref<8x128xi32, #tpu.memory_space<vmem>> -> memref<1x128xi32, #tpu.memory_space<vmem>>
      %dma_wait3A_391 = tpu.memref_squeeze %dma_wait3A_390 : memref<1x128xi32, #tpu.memory_space<vmem>> -> memref<128xi32, #tpu.memory_space<vmem>>
      %dma_wait3A_392 = arith.constant 0 : i32
      %dma_wait3A_393 = arith.constant 0 : i32
      %dma_wait3A_394 = tpu.memref_slice %arg3[%dma_wait3A_392, %dma_wait3A_393] : memref<1000000x64xf32, #tpu.memory_space<hbm>> -> memref<1000000x64xf32, #tpu.memory_space<hbm>>
      tpu.wait_indirect_dma semaphore(%arg10 : memref<!tpu.dma_semaphore, #tpu.memory_space<semaphore_mem>>) src(%dma_wait3A_394 : memref<1000000x64xf32, #tpu.memory_space<hbm>>) dst(%dma_wait3A_388 : memref<128x64xf32, #tpu.memory_space<vmem>>)
      %ge3A = arith.constant 1 : i32
      %ge3A_395 = arith.cmpi sge, %scan3A_236, %ge3A : i32
      %convert_element_type3A = arith.extui %ge3A_395 : i1 to i32
      %cond3A = arith.constant 0 : i32
      %cond3A_396 = arith.cmpi ne, %convert_element_type3A, %cond3A : i32
      scf.if %cond3A_396 {
        %dma_wait3A_624 = arith.constant 0 : i32
        %dma_wait3A_625 = arith.constant 0 : i32
        %dma_wait3A_626 = tpu.memref_slice %arg4[%dma_wait3A_624, %dma_wait3A_625] : memref<204800x128xf32, #tpu.memory_space<hbm>> -> memref<128x128xf32, #tpu.memory_space<hbm>>
        %dma_wait3A_627 = arith.constant 0 : i32
        %dma_wait3A_628 = arith.constant 0 : i32
        %dma_wait3A_629 = tpu.memref_slice %arg4[%dma_wait3A_627, %dma_wait3A_628] : memref<204800x128xf32, #tpu.memory_space<hbm>> -> memref<128x128xf32, #tpu.memory_space<hbm>>
        tpu.wait_dma2 semaphore(%arg11 : memref<!tpu.dma_semaphore, #tpu.memory_space<semaphore_mem>>) src(%arg8 : memref<128x128xf32, #tpu.memory_space<vmem>>) dst(%dma_wait3A_629 : memref<128x128xf32, #tpu.memory_space<hbm>>)
      } else {
      }
      %scan3A_397 = arith.constant 0 : i32
      %scan3A_398 = arith.constant 0 : i32
      %scan3A_399 = arith.constant 128 : i32
      %scan3A_400 = arith.addi %scan3A_398, %scan3A_399 : i32
      %scan3A_401 = arith.constant 2 : i32
      scf.for %scan3A_624 = %scan3A_398 to %scan3A_400 step %scan3A_401  : i32 {
        %mul3A_625 = arith.constant 4 : i32
        %mul3A_626 = arith.muli %scan3A_624, %mul3A_625 : i32
        %get3A = arith.index_cast %mul3A_626 : i32 to index
        %get3A_627 = arith.constant 0 : index
        %get3A_628 = tpu.vector_load %arg6[%get3A, %get3A_627] {strides = array<i32>} : memref<512x64xf32, #tpu.memory_space<vmem>>, vector<1x16xf32>,
        %get3A_629 = vector.shape_cast %get3A_628 : vector<1x16xf32> to vector<16xf32>
        %add3A_630 = arith.constant 1 : i32
        %add3A_631 = arith.addi %mul3A_626, %add3A_630 : i32
        %get3A_632 = arith.index_cast %add3A_631 : i32 to index
        %get3A_633 = arith.constant 0 : index
        %get3A_634 = tpu.vector_load %arg6[%get3A_632, %get3A_633] {strides = array<i32>} : memref<512x64xf32, #tpu.memory_space<vmem>>, vector<1x16xf32>,
        %get3A_635 = vector.shape_cast %get3A_634 : vector<1x16xf32> to vector<16xf32>
        %add3A_636 = arith.addf %get3A_629, %get3A_635 : vector<16xf32>
        %add3A_637 = arith.constant 2 : i32
        %add3A_638 = arith.addi %mul3A_626, %add3A_637 : i32
        %get3A_639 = arith.index_cast %add3A_638 : i32 to index
        %get3A_640 = arith.constant 0 : index
        %get3A_641 = tpu.vector_load %arg6[%get3A_639, %get3A_640] {strides = array<i32>} : memref<512x64xf32, #tpu.memory_space<vmem>>, vector<1x16xf32>,
        %get3A_642 = vector.shape_cast %get3A_641 : vector<1x16xf32> to vector<16xf32>
        %add3A_643 = arith.addf %add3A_636, %get3A_642 : vector<16xf32>
        %add3A_644 = arith.constant 3 : i32
        %add3A_645 = arith.addi %mul3A_626, %add3A_644 : i32
        %get3A_646 = arith.index_cast %add3A_645 : i32 to index
        %get3A_647 = arith.constant 0 : index
        %get3A_648 = tpu.vector_load %arg6[%get3A_646, %get3A_647] {strides = array<i32>} : memref<512x64xf32, #tpu.memory_space<vmem>>, vector<1x16xf32>,
        %get3A_649 = vector.shape_cast %get3A_648 : vector<1x16xf32> to vector<16xf32>
        %add3A_650 = arith.addf %add3A_643, %get3A_649 : vector<16xf32>
        %swap3A = arith.index_cast %scan3A_624 : i32 to index
        %swap3A_651 = arith.constant 0 : index
        %swap3A_652 = tpu.vector_load %arg8[%swap3A, %swap3A_651] {strides = array<i32>} : memref<128x128xf32, #tpu.memory_space<vmem>>, vector<1x16xf32>,
        %swap3A_653 = vector.shape_cast %swap3A_652 : vector<1x16xf32> to vector<16xf32>
        %swap3A_654 = vector.shape_cast %add3A_650 : vector<16xf32> to vector<1x16xf32>
        tpu.vector_store %arg8[%swap3A, %swap3A_651], %swap3A_654 {strides = array<i32>} : memref<128x128xf32, #tpu.memory_space<vmem>>, vector<1x16xf32>,
        %get3A_655 = arith.index_cast %mul3A_626 : i32 to index
        %get3A_656 = arith.constant 16 : index
        %get3A_657 = tpu.vector_load %arg6[%get3A_655, %get3A_656] {strides = array<i32>} : memref<512x64xf32, #tpu.memory_space<vmem>>, vector<1x16xf32>,
        %get3A_658 = vector.shape_cast %get3A_657 : vector<1x16xf32> to vector<16xf32>
        %add3A_659 = arith.constant 1 : i32
        %add3A_660 = arith.addi %mul3A_626, %add3A_659 : i32
        %get3A_661 = arith.index_cast %add3A_660 : i32 to index
        %get3A_662 = arith.constant 16 : index
        %get3A_663 = tpu.vector_load %arg6[%get3A_661, %get3A_662] {strides = array<i32>} : memref<512x64xf32, #tpu.memory_space<vmem>>, vector<1x16xf32>,
        %get3A_664 = vector.shape_cast %get3A_663 : vector<1x16xf32> to vector<16xf32>
        %add3A_665 = arith.addf %get3A_658, %get3A_664 : vector<16xf32>
        %add3A_666 = arith.constant 2 : i32
        %add3A_667 = arith.addi %mul3A_626, %add3A_666 : i32
        %get3A_668 = arith.index_cast %add3A_667 : i32 to index
        %get3A_669 = arith.constant 16 : index
        %get3A_670 = tpu.vector_load %arg6[%get3A_668, %get3A_669] {strides = array<i32>} : memref<512x64xf32, #tpu.memory_space<vmem>>, vector<1x16xf32>,
        %get3A_671 = vector.shape_cast %get3A_670 : vector<1x16xf32> to vector<16xf32>
        %add3A_672 = arith.addf %add3A_665, %get3A_671 : vector<16xf32>
        %add3A_673 = arith.constant 3 : i32
        %add3A_674 = arith.addi %mul3A_626, %add3A_673 : i32
        %get3A_675 = arith.index_cast %add3A_674 : i32 to index
        %get3A_676 = arith.constant 16 : index
        %get3A_677 = tpu.vector_load %arg6[%get3A_675, %get3A_676] {strides = array<i32>} : memref<512x64xf32, #tpu.memory_space<vmem>>, vector<1x16xf32>,
        %get3A_678 = vector.shape_cast %get3A_677 : vector<1x16xf32> to vector<16xf32>
        %add3A_679 = arith.addf %add3A_672, %get3A_678 : vector<16xf32>
        %swap3A_680 = arith.index_cast %scan3A_624 : i32 to index
        %swap3A_681 = arith.constant 16 : index
        %swap3A_682 = tpu.vector_load %arg8[%swap3A_680, %swap3A_681] {strides = array<i32>} : memref<128x128xf32, #tpu.memory_space<vmem>>, vector<1x16xf32>,
        %swap3A_683 = vector.shape_cast %swap3A_682 : vector<1x16xf32> to vector<16xf32>
        %swap3A_684 = vector.shape_cast %add3A_679 : vector<16xf32> to vector<1x16xf32>
        tpu.vector_store %arg8[%swap3A_680, %swap3A_681], %swap3A_684 {strides = array<i32>} : memref<128x128xf32, #tpu.memory_space<vmem>>, vector<1x16xf32>,
        %get3A_685 = arith.index_cast %mul3A_626 : i32 to index
        %get3A_686 = arith.constant 32 : index
        %get3A_687 = tpu.vector_load %arg6[%get3A_685, %get3A_686] {strides = array<i32>} : memref<512x64xf32, #tpu.memory_space<vmem>>, vector<1x16xf32>,
        %get3A_688 = vector.shape_cast %get3A_687 : vector<1x16xf32> to vector<16xf32>
        %add3A_689 = arith.constant 1 : i32
        %add3A_690 = arith.addi %mul3A_626, %add3A_689 : i32
        %get3A_691 = arith.index_cast %add3A_690 : i32 to index
        %get3A_692 = arith.constant 32 : index
        %get3A_693 = tpu.vector_load %arg6[%get3A_691, %get3A_692] {strides = array<i32>} : memref<512x64xf32, #tpu.memory_space<vmem>>, vector<1x16xf32>,
        %get3A_694 = vector.shape_cast %get3A_693 : vector<1x16xf32> to vector<16xf32>
        %add3A_695 = arith.addf %get3A_688, %get3A_694 : vector<16xf32>
        %add3A_696 = arith.constant 2 : i32
        %add3A_697 = arith.addi %mul3A_626, %add3A_696 : i32
        %get3A_698 = arith.index_cast %add3A_697 : i32 to index
        %get3A_699 = arith.constant 32 : index
        %get3A_700 = tpu.vector_load %arg6[%get3A_698, %get3A_699] {strides = array<i32>} : memref<512x64xf32, #tpu.memory_space<vmem>>, vector<1x16xf32>,
        %get3A_701 = vector.shape_cast %get3A_700 : vector<1x16xf32> to vector<16xf32>
        %add3A_702 = arith.addf %add3A_695, %get3A_701 : vector<16xf32>
        %add3A_703 = arith.constant 3 : i32
        %add3A_704 = arith.addi %mul3A_626, %add3A_703 : i32
        %get3A_705 = arith.index_cast %add3A_704 : i32 to index
        %get3A_706 = arith.constant 32 : index
        %get3A_707 = tpu.vector_load %arg6[%get3A_705, %get3A_706] {strides = array<i32>} : memref<512x64xf32, #tpu.memory_space<vmem>>, vector<1x16xf32>,
        %get3A_708 = vector.shape_cast %get3A_707 : vector<1x16xf32> to vector<16xf32>
        %add3A_709 = arith.addf %add3A_702, %get3A_708 : vector<16xf32>
        %swap3A_710 = arith.index_cast %scan3A_624 : i32 to index
        %swap3A_711 = arith.constant 32 : index
        %swap3A_712 = tpu.vector_load %arg8[%swap3A_710, %swap3A_711] {strides = array<i32>} : memref<128x128xf32, #tpu.memory_space<vmem>>, vector<1x16xf32>,
        %swap3A_713 = vector.shape_cast %swap3A_712 : vector<1x16xf32> to vector<16xf32>
        %swap3A_714 = vector.shape_cast %add3A_709 : vector<16xf32> to vector<1x16xf32>
        tpu.vector_store %arg8[%swap3A_710, %swap3A_711], %swap3A_714 {strides = array<i32>} : memref<128x128xf32, #tpu.memory_space<vmem>>, vector<1x16xf32>,
        %get3A_715 = arith.index_cast %mul3A_626 : i32 to index
        %get3A_716 = arith.constant 48 : index
        %get3A_717 = tpu.vector_load %arg6[%get3A_715, %get3A_716] {strides = array<i32>} : memref<512x64xf32, #tpu.memory_space<vmem>>, vector<1x16xf32>,
        %get3A_718 = vector.shape_cast %get3A_717 : vector<1x16xf32> to vector<16xf32>
        %add3A_719 = arith.constant 1 : i32
        %add3A_720 = arith.addi %mul3A_626, %add3A_719 : i32
        %get3A_721 = arith.index_cast %add3A_720 : i32 to index
        %get3A_722 = arith.constant 48 : index
        %get3A_723 = tpu.vector_load %arg6[%get3A_721, %get3A_722] {strides = array<i32>} : memref<512x64xf32, #tpu.memory_space<vmem>>, vector<1x16xf32>,
        %get3A_724 = vector.shape_cast %get3A_723 : vector<1x16xf32> to vector<16xf32>
        %add3A_725 = arith.addf %get3A_718, %get3A_724 : vector<16xf32>
        %add3A_726 = arith.constant 2 : i32
        %add3A_727 = arith.addi %mul3A_626, %add3A_726 : i32
        %get3A_728 = arith.index_cast %add3A_727 : i32 to index
        %get3A_729 = arith.constant 48 : index
        %get3A_730 = tpu.vector_load %arg6[%get3A_728, %get3A_729] {strides = array<i32>} : memref<512x64xf32, #tpu.memory_space<vmem>>, vector<1x16xf32>,
        %get3A_731 = vector.shape_cast %get3A_730 : vector<1x16xf32> to vector<16xf32>
        %add3A_732 = arith.addf %add3A_725, %get3A_731 : vector<16xf32>
        %add3A_733 = arith.constant 3 : i32
        %add3A_734 = arith.addi %mul3A_626, %add3A_733 : i32
        %get3A_735 = arith.index_cast %add3A_734 : i32 to index
        %get3A_736 = arith.constant 48 : index
        %get3A_737 = tpu.vector_load %arg6[%get3A_735, %get3A_736] {strides = array<i32>} : memref<512x64xf32, #tpu.memory_space<vmem>>, vector<1x16xf32>,
        %get3A_738 = vector.shape_cast %get3A_737 : vector<1x16xf32> to vector<16xf32>
        %add3A_739 = arith.addf %add3A_732, %get3A_738 : vector<16xf32>
        %swap3A_740 = arith.index_cast %scan3A_624 : i32 to index
        %swap3A_741 = arith.constant 48 : index
        %swap3A_742 = tpu.vector_load %arg8[%swap3A_740, %swap3A_741] {strides = array<i32>} : memref<128x128xf32, #tpu.memory_space<vmem>>, vector<1x16xf32>,
        %swap3A_743 = vector.shape_cast %swap3A_742 : vector<1x16xf32> to vector<16xf32>
        %swap3A_744 = vector.shape_cast %add3A_739 : vector<16xf32> to vector<1x16xf32>
        tpu.vector_store %arg8[%swap3A_740, %swap3A_741], %swap3A_744 {strides = array<i32>} : memref<128x128xf32, #tpu.memory_space<vmem>>, vector<1x16xf32>,
        %scan3A_745 = arith.constant 1 : i32
        %scan3A_746 = arith.addi %scan3A_624, %scan3A_745 : i32
        %mul3A_747 = arith.constant 4 : i32
        %mul3A_748 = arith.muli %scan3A_746, %mul3A_747 : i32
        %get3A_749 = arith.index_cast %mul3A_748 : i32 to index
        %get3A_750 = arith.constant 0 : index
        %get3A_751 = tpu.vector_load %arg6[%get3A_749, %get3A_750] {strides = array<i32>} : memref<512x64xf32, #tpu.memory_space<vmem>>, vector<1x16xf32>,
        %get3A_752 = vector.shape_cast %get3A_751 : vector<1x16xf32> to vector<16xf32>
        %add3A_753 = arith.constant 1 : i32
        %add3A_754 = arith.addi %mul3A_748, %add3A_753 : i32
        %get3A_755 = arith.index_cast %add3A_754 : i32 to index
        %get3A_756 = arith.constant 0 : index
        %get3A_757 = tpu.vector_load %arg6[%get3A_755, %get3A_756] {strides = array<i32>} : memref<512x64xf32, #tpu.memory_space<vmem>>, vector<1x16xf32>,
        %get3A_758 = vector.shape_cast %get3A_757 : vector<1x16xf32> to vector<16xf32>
        %add3A_759 = arith.addf %get3A_752, %get3A_758 : vector<16xf32>
        %add3A_760 = arith.constant 2 : i32
        %add3A_761 = arith.addi %mul3A_748, %add3A_760 : i32
        %get3A_762 = arith.index_cast %add3A_761 : i32 to index
        %get3A_763 = arith.constant 0 : index
        %get3A_764 = tpu.vector_load %arg6[%get3A_762, %get3A_763] {strides = array<i32>} : memref<512x64xf32, #tpu.memory_space<vmem>>, vector<1x16xf32>,
        %get3A_765 = vector.shape_cast %get3A_764 : vector<1x16xf32> to vector<16xf32>
        %add3A_766 = arith.addf %add3A_759, %get3A_765 : vector<16xf32>
        %add3A_767 = arith.constant 3 : i32
        %add3A_768 = arith.addi %mul3A_748, %add3A_767 : i32
        %get3A_769 = arith.index_cast %add3A_768 : i32 to index
        %get3A_770 = arith.constant 0 : index
        %get3A_771 = tpu.vector_load %arg6[%get3A_769, %get3A_770] {strides = array<i32>} : memref<512x64xf32, #tpu.memory_space<vmem>>, vector<1x16xf32>,
        %get3A_772 = vector.shape_cast %get3A_771 : vector<1x16xf32> to vector<16xf32>
        %add3A_773 = arith.addf %add3A_766, %get3A_772 : vector<16xf32>
        %swap3A_774 = arith.index_cast %scan3A_746 : i32 to index
        %swap3A_775 = arith.constant 0 : index
        %swap3A_776 = tpu.vector_load %arg8[%swap3A_774, %swap3A_775] {strides = array<i32>} : memref<128x128xf32, #tpu.memory_space<vmem>>, vector<1x16xf32>,
        %swap3A_777 = vector.shape_cast %swap3A_776 : vector<1x16xf32> to vector<16xf32>
        %swap3A_778 = vector.shape_cast %add3A_773 : vector<16xf32> to vector<1x16xf32>
        tpu.vector_store %arg8[%swap3A_774, %swap3A_775], %swap3A_778 {strides = array<i32>} : memref<128x128xf32, #tpu.memory_space<vmem>>, vector<1x16xf32>,
        %get3A_779 = arith.index_cast %mul3A_748 : i32 to index
        %get3A_780 = arith.constant 16 : index
        %get3A_781 = tpu.vector_load %arg6[%get3A_779, %get3A_780] {strides = array<i32>} : memref<512x64xf32, #tpu.memory_space<vmem>>, vector<1x16xf32>,
        %get3A_782 = vector.shape_cast %get3A_781 : vector<1x16xf32> to vector<16xf32>
        %add3A_783 = arith.constant 1 : i32
        %add3A_784 = arith.addi %mul3A_748, %add3A_783 : i32
        %get3A_785 = arith.index_cast %add3A_784 : i32 to index
        %get3A_786 = arith.constant 16 : index
        %get3A_787 = tpu.vector_load %arg6[%get3A_785, %get3A_786] {strides = array<i32>} : memref<512x64xf32, #tpu.memory_space<vmem>>, vector<1x16xf32>,
        %get3A_788 = vector.shape_cast %get3A_787 : vector<1x16xf32> to vector<16xf32>
        %add3A_789 = arith.addf %get3A_782, %get3A_788 : vector<16xf32>
        %add3A_790 = arith.constant 2 : i32
        %add3A_791 = arith.addi %mul3A_748, %add3A_790 : i32
        %get3A_792 = arith.index_cast %add3A_791 : i32 to index
        %get3A_793 = arith.constant 16 : index
        %get3A_794 = tpu.vector_load %arg6[%get3A_792, %get3A_793] {strides = array<i32>} : memref<512x64xf32, #tpu.memory_space<vmem>>, vector<1x16xf32>,
        %get3A_795 = vector.shape_cast %get3A_794 : vector<1x16xf32> to vector<16xf32>
        %add3A_796 = arith.addf %add3A_789, %get3A_795 : vector<16xf32>
        %add3A_797 = arith.constant 3 : i32
        %add3A_798 = arith.addi %mul3A_748, %add3A_797 : i32
        %get3A_799 = arith.index_cast %add3A_798 : i32 to index
        %get3A_800 = arith.constant 16 : index
        %get3A_801 = tpu.vector_load %arg6[%get3A_799, %get3A_800] {strides = array<i32>} : memref<512x64xf32, #tpu.memory_space<vmem>>, vector<1x16xf32>,
        %get3A_802 = vector.shape_cast %get3A_801 : vector<1x16xf32> to vector<16xf32>
        %add3A_803 = arith.addf %add3A_796, %get3A_802 : vector<16xf32>
        %swap3A_804 = arith.index_cast %scan3A_746 : i32 to index
        %swap3A_805 = arith.constant 16 : index
        %swap3A_806 = tpu.vector_load %arg8[%swap3A_804, %swap3A_805] {strides = array<i32>} : memref<128x128xf32, #tpu.memory_space<vmem>>, vector<1x16xf32>,
        %swap3A_807 = vector.shape_cast %swap3A_806 : vector<1x16xf32> to vector<16xf32>
        %swap3A_808 = vector.shape_cast %add3A_803 : vector<16xf32> to vector<1x16xf32>
        tpu.vector_store %arg8[%swap3A_804, %swap3A_805], %swap3A_808 {strides = array<i32>} : memref<128x128xf32, #tpu.memory_space<vmem>>, vector<1x16xf32>,
        %get3A_809 = arith.index_cast %mul3A_748 : i32 to index
        %get3A_810 = arith.constant 32 : index
        %get3A_811 = tpu.vector_load %arg6[%get3A_809, %get3A_810] {strides = array<i32>} : memref<512x64xf32, #tpu.memory_space<vmem>>, vector<1x16xf32>,
        %get3A_812 = vector.shape_cast %get3A_811 : vector<1x16xf32> to vector<16xf32>
        %add3A_813 = arith.constant 1 : i32
        %add3A_814 = arith.addi %mul3A_748, %add3A_813 : i32
        %get3A_815 = arith.index_cast %add3A_814 : i32 to index
        %get3A_816 = arith.constant 32 : index
        %get3A_817 = tpu.vector_load %arg6[%get3A_815, %get3A_816] {strides = array<i32>} : memref<512x64xf32, #tpu.memory_space<vmem>>, vector<1x16xf32>,
        %get3A_818 = vector.shape_cast %get3A_817 : vector<1x16xf32> to vector<16xf32>
        %add3A_819 = arith.addf %get3A_812, %get3A_818 : vector<16xf32>
        %add3A_820 = arith.constant 2 : i32
        %add3A_821 = arith.addi %mul3A_748, %add3A_820 : i32
        %get3A_822 = arith.index_cast %add3A_821 : i32 to index
        %get3A_823 = arith.constant 32 : index
        %get3A_824 = tpu.vector_load %arg6[%get3A_822, %get3A_823] {strides = array<i32>} : memref<512x64xf32, #tpu.memory_space<vmem>>, vector<1x16xf32>,
        %get3A_825 = vector.shape_cast %get3A_824 : vector<1x16xf32> to vector<16xf32>
        %add3A_826 = arith.addf %add3A_819, %get3A_825 : vector<16xf32>
        %add3A_827 = arith.constant 3 : i32
        %add3A_828 = arith.addi %mul3A_748, %add3A_827 : i32
        %get3A_829 = arith.index_cast %add3A_828 : i32 to index
        %get3A_830 = arith.constant 32 : index
        %get3A_831 = tpu.vector_load %arg6[%get3A_829, %get3A_830] {strides = array<i32>} : memref<512x64xf32, #tpu.memory_space<vmem>>, vector<1x16xf32>,
        %get3A_832 = vector.shape_cast %get3A_831 : vector<1x16xf32> to vector<16xf32>
        %add3A_833 = arith.addf %add3A_826, %get3A_832 : vector<16xf32>
        %swap3A_834 = arith.index_cast %scan3A_746 : i32 to index
        %swap3A_835 = arith.constant 32 : index
        %swap3A_836 = tpu.vector_load %arg8[%swap3A_834, %swap3A_835] {strides = array<i32>} : memref<128x128xf32, #tpu.memory_space<vmem>>, vector<1x16xf32>,
        %swap3A_837 = vector.shape_cast %swap3A_836 : vector<1x16xf32> to vector<16xf32>
        %swap3A_838 = vector.shape_cast %add3A_833 : vector<16xf32> to vector<1x16xf32>
        tpu.vector_store %arg8[%swap3A_834, %swap3A_835], %swap3A_838 {strides = array<i32>} : memref<128x128xf32, #tpu.memory_space<vmem>>, vector<1x16xf32>,
        %get3A_839 = arith.index_cast %mul3A_748 : i32 to index
        %get3A_840 = arith.constant 48 : index
        %get3A_841 = tpu.vector_load %arg6[%get3A_839, %get3A_840] {strides = array<i32>} : memref<512x64xf32, #tpu.memory_space<vmem>>, vector<1x16xf32>,
        %get3A_842 = vector.shape_cast %get3A_841 : vector<1x16xf32> to vector<16xf32>
        %add3A_843 = arith.constant 1 : i32
        %add3A_844 = arith.addi %mul3A_748, %add3A_843 : i32
        %get3A_845 = arith.index_cast %add3A_844 : i32 to index
        %get3A_846 = arith.constant 48 : index
        %get3A_847 = tpu.vector_load %arg6[%get3A_845, %get3A_846] {strides = array<i32>} : memref<512x64xf32, #tpu.memory_space<vmem>>, vector<1x16xf32>,
        %get3A_848 = vector.shape_cast %get3A_847 : vector<1x16xf32> to vector<16xf32>
        %add3A_849 = arith.addf %get3A_842, %get3A_848 : vector<16xf32>
        %add3A_850 = arith.constant 2 : i32
        %add3A_851 = arith.addi %mul3A_748, %add3A_850 : i32
        %get3A_852 = arith.index_cast %add3A_851 : i32 to index
        %get3A_853 = arith.constant 48 : index
        %get3A_854 = tpu.vector_load %arg6[%get3A_852, %get3A_853] {strides = array<i32>} : memref<512x64xf32, #tpu.memory_space<vmem>>, vector<1x16xf32>,
        %get3A_855 = vector.shape_cast %get3A_854 : vector<1x16xf32> to vector<16xf32>
        %add3A_856 = arith.addf %add3A_849, %get3A_855 : vector<16xf32>
        %add3A_857 = arith.constant 3 : i32
        %add3A_858 = arith.addi %mul3A_748, %add3A_857 : i32
        %get3A_859 = arith.index_cast %add3A_858 : i32 to index
        %get3A_860 = arith.constant 48 : index
        %get3A_861 = tpu.vector_load %arg6[%get3A_859, %get3A_860] {strides = array<i32>} : memref<512x64xf32, #tpu.memory_space<vmem>>, vector<1x16xf32>,
        %get3A_862 = vector.shape_cast %get3A_861 : vector<1x16xf32> to vector<16xf32>
        %add3A_863 = arith.addf %add3A_856, %get3A_862 : vector<16xf32>
        %swap3A_864 = arith.index_cast %scan3A_746 : i32 to index
        %swap3A_865 = arith.constant 48 : index
        %swap3A_866 = tpu.vector_load %arg8[%swap3A_864, %swap3A_865] {strides = array<i32>} : memref<128x128xf32, #tpu.memory_space<vmem>>, vector<1x16xf32>,
        %swap3A_867 = vector.shape_cast %swap3A_866 : vector<1x16xf32> to vector<16xf32>
        %swap3A_868 = vector.shape_cast %add3A_863 : vector<16xf32> to vector<1x16xf32>
        tpu.vector_store %arg8[%swap3A_864, %swap3A_865], %swap3A_868 {strides = array<i32>} : memref<128x128xf32, #tpu.memory_space<vmem>>, vector<1x16xf32>,
      }
      %scan3A_402 = arith.constant 128 : i32
      %mul3A_403 = arith.constant 128 : i32
      %mul3A_404 = arith.muli %mul3A_238, %mul3A_403 : i32
      %add3A_405 = arith.addi %mul3A_2, %mul3A_404 : i32
      %multiple_of3A_406 = tpu.assume_multiple %add3A_405, 128 : i32
      %dma_start3A_407 = arith.constant 0 : i32
      %dma_start3A_408 = tpu.memref_slice %arg4[%multiple_of3A_406, %dma_start3A_407] : memref<204800x128xf32, #tpu.memory_space<hbm>> -> memref<128x128xf32, #tpu.memory_space<hbm>>
      %dma_start3A_409 = arith.constant 0 : i32
      %dma_start3A_410 = tpu.memref_slice %arg4[%multiple_of3A_406, %dma_start3A_409] : memref<204800x128xf32, #tpu.memory_space<hbm>> -> memref<128x128xf32, #tpu.memory_space<hbm>>
      tpu.enqueue_dma source(%arg8 : memref<128x128xf32, #tpu.memory_space<vmem>>) target(%dma_start3A_410 : memref<128x128xf32, #tpu.memory_space<hbm>>) target_semaphore(%arg11 : memref<!tpu.dma_semaphore, #tpu.memory_space<semaphore_mem>>)
      %dma_wait3A_411 = arith.constant 0 : i32
      %dma_wait3A_412 = arith.constant 0 : i32
      %dma_wait3A_413 = arith.constant 0 : i32
      %dma_wait3A_414 = tpu.memref_slice %arg7[%dma_wait3A_412, %dma_wait3A_413] : memref<512x64xf32, #tpu.memory_space<vmem>> -> memref<128x64xf32, #tpu.memory_space<vmem>>
      %dma_wait3A_415 = arith.constant 0 : i32
      %dma_wait3A_416 = tpu.memref_slice %arg5[%dma_wait3A_411, %dma_wait3A_415] : memref<8x128xi32, #tpu.memory_space<vmem>> -> memref<1x128xi32, #tpu.memory_space<vmem>>
      %dma_wait3A_417 = tpu.memref_squeeze %dma_wait3A_416 : memref<1x128xi32, #tpu.memory_space<vmem>> -> memref<128xi32, #tpu.memory_space<vmem>>
      %dma_wait3A_418 = arith.constant 0 : i32
      %dma_wait3A_419 = arith.constant 0 : i32
      %dma_wait3A_420 = tpu.memref_slice %arg3[%dma_wait3A_418, %dma_wait3A_419] : memref<1000000x64xf32, #tpu.memory_space<hbm>> -> memref<1000000x64xf32, #tpu.memory_space<hbm>>
      tpu.wait_indirect_dma semaphore(%arg10 : memref<!tpu.dma_semaphore, #tpu.memory_space<semaphore_mem>>) src(%dma_wait3A_420 : memref<1000000x64xf32, #tpu.memory_space<hbm>>) dst(%dma_wait3A_414 : memref<128x64xf32, #tpu.memory_space<vmem>>)
      %dma_wait3A_421 = arith.constant 1 : i32
      %dma_wait3A_422 = arith.constant 128 : i32
      %dma_wait3A_423 = arith.constant 0 : i32
      %dma_wait3A_424 = tpu.memref_slice %arg7[%dma_wait3A_422, %dma_wait3A_423] : memref<512x64xf32, #tpu.memory_space<vmem>> -> memref<128x64xf32, #tpu.memory_space<vmem>>
      %dma_wait3A_425 = arith.constant 0 : i32
      %dma_wait3A_426 = tpu.memref_slice %arg5[%dma_wait3A_421, %dma_wait3A_425] : memref<8x128xi32, #tpu.memory_space<vmem>> -> memref<1x128xi32, #tpu.memory_space<vmem>>
      %dma_wait3A_427 = tpu.memref_squeeze %dma_wait3A_426 : memref<1x128xi32, #tpu.memory_space<vmem>> -> memref<128xi32, #tpu.memory_space<vmem>>
      %dma_wait3A_428 = arith.constant 0 : i32
      %dma_wait3A_429 = arith.constant 0 : i32
      %dma_wait3A_430 = tpu.memref_slice %arg3[%dma_wait3A_428, %dma_wait3A_429] : memref<1000000x64xf32, #tpu.memory_space<hbm>> -> memref<1000000x64xf32, #tpu.memory_space<hbm>>
      tpu.wait_indirect_dma semaphore(%arg10 : memref<!tpu.dma_semaphore, #tpu.memory_space<semaphore_mem>>) src(%dma_wait3A_430 : memref<1000000x64xf32, #tpu.memory_space<hbm>>) dst(%dma_wait3A_424 : memref<128x64xf32, #tpu.memory_space<vmem>>)
      %dma_wait3A_431 = arith.constant 2 : i32
      %dma_wait3A_432 = arith.constant 256 : i32
      %dma_wait3A_433 = arith.constant 0 : i32
      %dma_wait3A_434 = tpu.memref_slice %arg7[%dma_wait3A_432, %dma_wait3A_433] : memref<512x64xf32, #tpu.memory_space<vmem>> -> memref<128x64xf32, #tpu.memory_space<vmem>>
      %dma_wait3A_435 = arith.constant 0 : i32
      %dma_wait3A_436 = tpu.memref_slice %arg5[%dma_wait3A_431, %dma_wait3A_435] : memref<8x128xi32, #tpu.memory_space<vmem>> -> memref<1x128xi32, #tpu.memory_space<vmem>>
      %dma_wait3A_437 = tpu.memref_squeeze %dma_wait3A_436 : memref<1x128xi32, #tpu.memory_space<vmem>> -> memref<128xi32, #tpu.memory_space<vmem>>
      %dma_wait3A_438 = arith.constant 0 : i32
      %dma_wait3A_439 = arith.constant 0 : i32
      %dma_wait3A_440 = tpu.memref_slice %arg3[%dma_wait3A_438, %dma_wait3A_439] : memref<1000000x64xf32, #tpu.memory_space<hbm>> -> memref<1000000x64xf32, #tpu.memory_space<hbm>>
      tpu.wait_indirect_dma semaphore(%arg10 : memref<!tpu.dma_semaphore, #tpu.memory_space<semaphore_mem>>) src(%dma_wait3A_440 : memref<1000000x64xf32, #tpu.memory_space<hbm>>) dst(%dma_wait3A_434 : memref<128x64xf32, #tpu.memory_space<vmem>>)
      %dma_wait3A_441 = arith.constant 3 : i32
      %dma_wait3A_442 = arith.constant 384 : i32
      %dma_wait3A_443 = arith.constant 0 : i32
      %dma_wait3A_444 = tpu.memref_slice %arg7[%dma_wait3A_442, %dma_wait3A_443] : memref<512x64xf32, #tpu.memory_space<vmem>> -> memref<128x64xf32, #tpu.memory_space<vmem>>
      %dma_wait3A_445 = arith.constant 0 : i32
      %dma_wait3A_446 = tpu.memref_slice %arg5[%dma_wait3A_441, %dma_wait3A_445] : memref<8x128xi32, #tpu.memory_space<vmem>> -> memref<1x128xi32, #tpu.memory_space<vmem>>
      %dma_wait3A_447 = tpu.memref_squeeze %dma_wait3A_446 : memref<1x128xi32, #tpu.memory_space<vmem>> -> memref<128xi32, #tpu.memory_space<vmem>>
      %dma_wait3A_448 = arith.constant 0 : i32
      %dma_wait3A_449 = arith.constant 0 : i32
      %dma_wait3A_450 = tpu.memref_slice %arg3[%dma_wait3A_448, %dma_wait3A_449] : memref<1000000x64xf32, #tpu.memory_space<hbm>> -> memref<1000000x64xf32, #tpu.memory_space<hbm>>
      tpu.wait_indirect_dma semaphore(%arg10 : memref<!tpu.dma_semaphore, #tpu.memory_space<semaphore_mem>>) src(%dma_wait3A_450 : memref<1000000x64xf32, #tpu.memory_space<hbm>>) dst(%dma_wait3A_444 : memref<128x64xf32, #tpu.memory_space<vmem>>)
      %add3A_451 = arith.constant 1 : i32
      %add3A_452 = arith.addi %scan3A_236, %add3A_451 : i32
      %mul3A_453 = arith.constant 4 : i32
      %mul3A_454 = arith.muli %mul3A_2, %mul3A_453 : i32
      %jit3A_455 = arith.constant 128 : i32
      %div3A_456 = arith.divsi %mul3A_454, %jit3A_455 : i32
      %sign3A_457 = arith.constant 0 : i32
      %sign3A_458 = arith.cmpi sgt, %mul3A_454, %sign3A_457 : i32
      %sign3A_459 = arith.extui %sign3A_458 : i1 to i32
      %sign3A_460 = arith.constant 0 : i32
      %sign3A_461 = arith.cmpi slt, %mul3A_454, %sign3A_460 : i32
      %sign3A_462 = arith.extui %sign3A_461 : i1 to i32
      %sign3A_463 = arith.subi %sign3A_459, %sign3A_462 : i32
      %sign3A_464 = arith.constant 0 : i32
      %sign3A_465 = arith.cmpi sgt, %jit3A_455, %sign3A_464 : i32
      %sign3A_466 = arith.extui %sign3A_465 : i1 to i32
      %sign3A_467 = arith.constant 0 : i32
      %sign3A_468 = arith.cmpi slt, %jit3A_455, %sign3A_467 : i32
      %sign3A_469 = arith.extui %sign3A_468 : i1 to i32
      %sign3A_470 = arith.subi %sign3A_466, %sign3A_469 : i32
      %ne3A_471 = arith.cmpi ne, %sign3A_463, %sign3A_470 : i32
      %rem3A_472 = arith.remsi %mul3A_454, %jit3A_455 : i32
      %ne3A_473 = arith.constant 0 : i32
      %ne3A_474 = arith.cmpi ne, %rem3A_472, %ne3A_473 : i32
      %and3A_475 = arith.andi %ne3A_471, %ne3A_474 : i1
      %sub3A_476 = arith.constant 1 : i32
      %sub3A_477 = arith.subi %div3A_456, %sub3A_476 : i32
      %select_n3A_478 = arith.select %and3A_475, %sub3A_477, %div3A_456 : i32
      %mul3A_479 = arith.constant 2 : i32
      %mul3A_480 = arith.muli %add3A_452, %mul3A_479 : i32
      %mul3A_481 = arith.constant 4 : i32
      %mul3A_482 = arith.muli %mul3A_480, %mul3A_481 : i32
      %add3A_483 = arith.addi %select_n3A_478, %mul3A_482 : i32
      %multiple_of3A_484 = tpu.assume_multiple %add3A_483, 8 : i32
      "tpu.region"() ({
        %run_scoped3A = tpu.sem_alloc : memref<!tpu.dma_semaphore, #tpu.memory_space<semaphore_mem>>
        %dma_start3A_624 = arith.constant 0 : i32
        %dma_start3A_625 = tpu.memref_slice %arg2[%multiple_of3A_484, %dma_start3A_624] : memref<6400x128xi32, #tpu.memory_space<hbm>> -> memref<8x128xi32, #tpu.memory_space<hbm>>
        %dma_start3A_626 = arith.constant 0 : i32
        %dma_start3A_627 = tpu.memref_slice %arg2[%multiple_of3A_484, %dma_start3A_626] : memref<6400x128xi32, #tpu.memory_space<hbm>> -> memref<8x128xi32, #tpu.memory_space<hbm>>
        tpu.enqueue_dma source(%dma_start3A_627 : memref<8x128xi32, #tpu.memory_space<hbm>>) target(%arg5 : memref<8x128xi32, #tpu.memory_space<vmem>>) target_semaphore(%run_scoped3A : memref<!tpu.dma_semaphore, #tpu.memory_space<semaphore_mem>>)
        %dma_wait3A_628 = arith.constant 0 : i32
        %dma_wait3A_629 = tpu.memref_slice %arg2[%multiple_of3A_484, %dma_wait3A_628] : memref<6400x128xi32, #tpu.memory_space<hbm>> -> memref<8x128xi32, #tpu.memory_space<hbm>>
        %dma_wait3A_630 = arith.constant 0 : i32
        %dma_wait3A_631 = tpu.memref_slice %arg2[%multiple_of3A_484, %dma_wait3A_630] : memref<6400x128xi32, #tpu.memory_space<hbm>> -> memref<8x128xi32, #tpu.memory_space<hbm>>
        tpu.wait_dma2 semaphore(%run_scoped3A : memref<!tpu.dma_semaphore, #tpu.memory_space<semaphore_mem>>) src(%dma_wait3A_631 : memref<8x128xi32, #tpu.memory_space<hbm>>) dst(%arg5 : memref<8x128xi32, #tpu.memory_space<vmem>>)
        tpu.yield
      }) : () -> ()
      %add3A_485 = arith.constant 2 : i32
      %add3A_486 = arith.addi %mul3A_238, %add3A_485 : i32
      %jit3A_487 = arith.constant 2 : i32
      %eq3A_488 = arith.constant 0 : i32
      %eq3A_489 = arith.cmpi eq, %jit3A_487, %eq3A_488 : i32
      %jit3A_490 = arith.constant 1 : i32
      %select_n3A_491 = arith.select %eq3A_489, %jit3A_490, %jit3A_487 : i32
      %rem3A_492 = arith.remsi %add3A_486, %select_n3A_491 : i32
      %ne3A_493 = arith.constant 0 : i32
      %ne3A_494 = arith.cmpi ne, %rem3A_492, %ne3A_493 : i32
      %lt3A_495 = arith.constant 0 : i32
      %lt3A_496 = arith.cmpi slt, %rem3A_492, %lt3A_495 : i32
      %lt3A_497 = arith.constant 0 : i32
      %lt3A_498 = arith.cmpi slt, %select_n3A_491, %lt3A_497 : i32
      %ne3A_499 = arith.xori %lt3A_496, %lt3A_498 : i1
      %and3A_500 = arith.andi %ne3A_499, %ne3A_494 : i1
      %add3A_501 = arith.addi %rem3A_492, %select_n3A_491 : i32
      %select_n3A_502 = arith.select %and3A_500, %add3A_501, %rem3A_492 : i32
      %mul3A_503 = arith.constant 4 : i32
      %mul3A_504 = arith.muli %select_n3A_502, %mul3A_503 : i32
      %add3A_505 = arith.constant 0 : i32
      %add3A_506 = arith.addi %mul3A_504, %add3A_505 : i32
      %dma_start3A_507 = arith.constant 0 : i32
      %dma_start3A_508 = arith.constant 0 : i32
      %dma_start3A_509 = tpu.memref_slice %arg6[%dma_start3A_507, %dma_start3A_508] : memref<512x64xf32, #tpu.memory_space<vmem>> -> memref<128x64xf32, #tpu.memory_space<vmem>>
      %dma_start3A_510 = arith.constant 0 : i32
      %dma_start3A_511 = tpu.memref_slice %arg5[%add3A_506, %dma_start3A_510] : memref<8x128xi32, #tpu.memory_space<vmem>> -> memref<1x128xi32, #tpu.memory_space<vmem>>
      %dma_start3A_512 = tpu.memref_squeeze %dma_start3A_511 : memref<1x128xi32, #tpu.memory_space<vmem>> -> memref<128xi32, #tpu.memory_space<vmem>>
      %dma_start3A_513 = arith.constant 0 : i32
      %dma_start3A_514 = arith.constant 0 : i32
      %dma_start3A_515 = tpu.memref_slice %arg3[%dma_start3A_513, %dma_start3A_514] : memref<1000000x64xf32, #tpu.memory_space<hbm>> -> memref<1000000x64xf32, #tpu.memory_space<hbm>>
      tpu.enqueue_indirect_dma source(%dma_start3A_515 : memref<1000000x64xf32, #tpu.memory_space<hbm>>) target(%dma_start3A_509 : memref<128x64xf32, #tpu.memory_space<vmem>>) offsets(%dma_start3A_512 : memref<128xi32, #tpu.memory_space<vmem>>) semaphore(%arg10 : memref<!tpu.dma_semaphore, #tpu.memory_space<semaphore_mem>>)
      %jit3A_516 = arith.constant 2 : i32
      %eq3A_517 = arith.constant 0 : i32
      %eq3A_518 = arith.cmpi eq, %jit3A_516, %eq3A_517 : i32
      %jit3A_519 = arith.constant 1 : i32
      %select_n3A_520 = arith.select %eq3A_518, %jit3A_519, %jit3A_516 : i32
      %rem3A_521 = arith.remsi %add3A_486, %select_n3A_520 : i32
      %ne3A_522 = arith.constant 0 : i32
      %ne3A_523 = arith.cmpi ne, %rem3A_521, %ne3A_522 : i32
      %lt3A_524 = arith.constant 0 : i32
      %lt3A_525 = arith.cmpi slt, %rem3A_521, %lt3A_524 : i32
      %lt3A_526 = arith.constant 0 : i32
      %lt3A_527 = arith.cmpi slt, %select_n3A_520, %lt3A_526 : i32
      %ne3A_528 = arith.xori %lt3A_525, %lt3A_527 : i1
      %and3A_529 = arith.andi %ne3A_528, %ne3A_523 : i1
      %add3A_530 = arith.addi %rem3A_521, %select_n3A_520 : i32
      %select_n3A_531 = arith.select %and3A_529, %add3A_530, %rem3A_521 : i32
      %mul3A_532 = arith.constant 4 : i32
      %mul3A_533 = arith.muli %select_n3A_531, %mul3A_532 : i32
      %add3A_534 = arith.constant 1 : i32
      %add3A_535 = arith.addi %mul3A_533, %add3A_534 : i32
      %dma_start3A_536 = arith.constant 128 : i32
      %dma_start3A_537 = arith.constant 0 : i32
      %dma_start3A_538 = tpu.memref_slice %arg6[%dma_start3A_536, %dma_start3A_537] : memref<512x64xf32, #tpu.memory_space<vmem>> -> memref<128x64xf32, #tpu.memory_space<vmem>>
      %dma_start3A_539 = arith.constant 0 : i32
      %dma_start3A_540 = tpu.memref_slice %arg5[%add3A_535, %dma_start3A_539] : memref<8x128xi32, #tpu.memory_space<vmem>> -> memref<1x128xi32, #tpu.memory_space<vmem>>
      %dma_start3A_541 = tpu.memref_squeeze %dma_start3A_540 : memref<1x128xi32, #tpu.memory_space<vmem>> -> memref<128xi32, #tpu.memory_space<vmem>>
      %dma_start3A_542 = arith.constant 0 : i32
      %dma_start3A_543 = arith.constant 0 : i32
      %dma_start3A_544 = tpu.memref_slice %arg3[%dma_start3A_542, %dma_start3A_543] : memref<1000000x64xf32, #tpu.memory_space<hbm>> -> memref<1000000x64xf32, #tpu.memory_space<hbm>>
      tpu.enqueue_indirect_dma source(%dma_start3A_544 : memref<1000000x64xf32, #tpu.memory_space<hbm>>) target(%dma_start3A_538 : memref<128x64xf32, #tpu.memory_space<vmem>>) offsets(%dma_start3A_541 : memref<128xi32, #tpu.memory_space<vmem>>) semaphore(%arg10 : memref<!tpu.dma_semaphore, #tpu.memory_space<semaphore_mem>>)
      %jit3A_545 = arith.constant 2 : i32
      %eq3A_546 = arith.constant 0 : i32
      %eq3A_547 = arith.cmpi eq, %jit3A_545, %eq3A_546 : i32
      %jit3A_548 = arith.constant 1 : i32
      %select_n3A_549 = arith.select %eq3A_547, %jit3A_548, %jit3A_545 : i32
      %rem3A_550 = arith.remsi %add3A_486, %select_n3A_549 : i32
      %ne3A_551 = arith.constant 0 : i32
      %ne3A_552 = arith.cmpi ne, %rem3A_550, %ne3A_551 : i32
      %lt3A_553 = arith.constant 0 : i32
      %lt3A_554 = arith.cmpi slt, %rem3A_550, %lt3A_553 : i32
      %lt3A_555 = arith.constant 0 : i32
      %lt3A_556 = arith.cmpi slt, %select_n3A_549, %lt3A_555 : i32
      %ne3A_557 = arith.xori %lt3A_554, %lt3A_556 : i1
      %and3A_558 = arith.andi %ne3A_557, %ne3A_552 : i1
      %add3A_559 = arith.addi %rem3A_550, %select_n3A_549 : i32
      %select_n3A_560 = arith.select %and3A_558, %add3A_559, %rem3A_550 : i32
      %mul3A_561 = arith.constant 4 : i32
      %mul3A_562 = arith.muli %select_n3A_560, %mul3A_561 : i32
      %add3A_563 = arith.constant 2 : i32
      %add3A_564 = arith.addi %mul3A_562, %add3A_563 : i32
      %dma_start3A_565 = arith.constant 256 : i32
      %dma_start3A_566 = arith.constant 0 : i32
      %dma_start3A_567 = tpu.memref_slice %arg6[%dma_start3A_565, %dma_start3A_566] : memref<512x64xf32, #tpu.memory_space<vmem>> -> memref<128x64xf32, #tpu.memory_space<vmem>>
      %dma_start3A_568 = arith.constant 0 : i32
      %dma_start3A_569 = tpu.memref_slice %arg5[%add3A_564, %dma_start3A_568] : memref<8x128xi32, #tpu.memory_space<vmem>> -> memref<1x128xi32, #tpu.memory_space<vmem>>
      %dma_start3A_570 = tpu.memref_squeeze %dma_start3A_569 : memref<1x128xi32, #tpu.memory_space<vmem>> -> memref<128xi32, #tpu.memory_space<vmem>>
      %dma_start3A_571 = arith.constant 0 : i32
      %dma_start3A_572 = arith.constant 0 : i32
      %dma_start3A_573 = tpu.memref_slice %arg3[%dma_start3A_571, %dma_start3A_572] : memref<1000000x64xf32, #tpu.memory_space<hbm>> -> memref<1000000x64xf32, #tpu.memory_space<hbm>>
      tpu.enqueue_indirect_dma source(%dma_start3A_573 : memref<1000000x64xf32, #tpu.memory_space<hbm>>) target(%dma_start3A_567 : memref<128x64xf32, #tpu.memory_space<vmem>>) offsets(%dma_start3A_570 : memref<128xi32, #tpu.memory_space<vmem>>) semaphore(%arg10 : memref<!tpu.dma_semaphore, #tpu.memory_space<semaphore_mem>>)
      %jit3A_574 = arith.constant 2 : i32
      %eq3A_575 = arith.constant 0 : i32
      %eq3A_576 = arith.cmpi eq, %jit3A_574, %eq3A_575 : i32
      %jit3A_577 = arith.constant 1 : i32
      %select_n3A_578 = arith.select %eq3A_576, %jit3A_577, %jit3A_574 : i32
      %rem3A_579 = arith.remsi %add3A_486, %select_n3A_578 : i32
      %ne3A_580 = arith.constant 0 : i32
      %ne3A_581 = arith.cmpi ne, %rem3A_579, %ne3A_580 : i32
      %lt3A_582 = arith.constant 0 : i32
      %lt3A_583 = arith.cmpi slt, %rem3A_579, %lt3A_582 : i32
      %lt3A_584 = arith.constant 0 : i32
      %lt3A_585 = arith.cmpi slt, %select_n3A_578, %lt3A_584 : i32
      %ne3A_586 = arith.xori %lt3A_583, %lt3A_585 : i1
      %and3A_587 = arith.andi %ne3A_586, %ne3A_581 : i1
      %add3A_588 = arith.addi %rem3A_579, %select_n3A_578 : i32
      %select_n3A_589 = arith.select %and3A_587, %add3A_588, %rem3A_579 : i32
      %mul3A_590 = arith.constant 4 : i32
      %mul3A_591 = arith.muli %select_n3A_589, %mul3A_590 : i32
      %add3A_592 = arith.constant 3 : i32
      %add3A_593 = arith.addi %mul3A_591, %add3A_592 : i32
      %dma_start3A_594 = arith.constant 384 : i32
      %dma_start3A_595 = arith.constant 0 : i32
      %dma_start3A_596 = tpu.memref_slice %arg6[%dma_start3A_594, %dma_start3A_595] : memref<512x64xf32, #tpu.memory_space<vmem>> -> memref<128x64xf32, #tpu.memory_space<vmem>>
      %dma_start3A_597 = arith.constant 0 : i32
      %dma_start3A_598 = tpu.memref_slice %arg5[%add3A_593, %dma_start3A_597] : memref<8x128xi32, #tpu.memory_space<vmem>> -> memref<1x128xi32, #tpu.memory_space<vmem>>
      %dma_start3A_599 = tpu.memref_squeeze %dma_start3A_598 : memref<1x128xi32, #tpu.memory_space<vmem>> -> memref<128xi32, #tpu.memory_space<vmem>>
      %dma_start3A_600 = arith.constant 0 : i32
      %dma_start3A_601 = arith.constant 0 : i32
      %dma_start3A_602 = tpu.memref_slice %arg3[%dma_start3A_600, %dma_start3A_601] : memref<1000000x64xf32, #tpu.memory_space<hbm>> -> memref<1000000x64xf32, #tpu.memory_space<hbm>>
      tpu.enqueue_indirect_dma source(%dma_start3A_602 : memref<1000000x64xf32, #tpu.memory_space<hbm>>) target(%dma_start3A_596 : memref<128x64xf32, #tpu.memory_space<vmem>>) offsets(%dma_start3A_599 : memref<128xi32, #tpu.memory_space<vmem>>) semaphore(%arg10 : memref<!tpu.dma_semaphore, #tpu.memory_space<semaphore_mem>>)
      %ge3A_603 = arith.constant 1 : i32
      %ge3A_604 = arith.cmpi sge, %scan3A_236, %ge3A_603 : i32
      %convert_element_type3A_605 = arith.extui %ge3A_604 : i1 to i32
      %cond3A_606 = arith.constant 0 : i32
      %cond3A_607 = arith.cmpi ne, %convert_element_type3A_605, %cond3A_606 : i32
      scf.if %cond3A_607 {
        %dma_wait3A_624 = arith.constant 0 : i32
        %dma_wait3A_625 = arith.constant 0 : i32
        %dma_wait3A_626 = tpu.memref_slice %arg4[%dma_wait3A_624, %dma_wait3A_625] : memref<204800x128xf32, #tpu.memory_space<hbm>> -> memref<128x128xf32, #tpu.memory_space<hbm>>
        %dma_wait3A_627 = arith.constant 0 : i32
        %dma_wait3A_628 = arith.constant 0 : i32
        %dma_wait3A_629 = tpu.memref_slice %arg4[%dma_wait3A_627, %dma_wait3A_628] : memref<204800x128xf32, #tpu.memory_space<hbm>> -> memref<128x128xf32, #tpu.memory_space<hbm>>
        tpu.wait_dma2 semaphore(%arg11 : memref<!tpu.dma_semaphore, #tpu.memory_space<semaphore_mem>>) src(%arg9 : memref<128x128xf32, #tpu.memory_space<vmem>>) dst(%dma_wait3A_629 : memref<128x128xf32, #tpu.memory_space<hbm>>)
      } else {
      }
      %scan3A_608 = arith.constant 0 : i32
      %scan3A_609 = arith.constant 0 : i32
      %scan3A_610 = arith.constant 128 : i32
      %scan3A_611 = arith.addi %scan3A_609, %scan3A_610 : i32
      %scan3A_612 = arith.constant 2 : i32
      scf.for %scan3A_624 = %scan3A_609 to %scan3A_611 step %scan3A_612  : i32 {
        %mul3A_625 = arith.constant 4 : i32
        %mul3A_626 = arith.muli %scan3A_624, %mul3A_625 : i32
        %get3A = arith.index_cast %mul3A_626 : i32 to index
        %get3A_627 = arith.constant 0 : index
        %get3A_628 = tpu.vector_load %arg7[%get3A, %get3A_627] {strides = array<i32>} : memref<512x64xf32, #tpu.memory_space<vmem>>, vector<1x16xf32>,
        %get3A_629 = vector.shape_cast %get3A_628 : vector<1x16xf32> to vector<16xf32>
        %add3A_630 = arith.constant 1 : i32
        %add3A_631 = arith.addi %mul3A_626, %add3A_630 : i32
        %get3A_632 = arith.index_cast %add3A_631 : i32 to index
        %get3A_633 = arith.constant 0 : index
        %get3A_634 = tpu.vector_load %arg7[%get3A_632, %get3A_633] {strides = array<i32>} : memref<512x64xf32, #tpu.memory_space<vmem>>, vector<1x16xf32>,
        %get3A_635 = vector.shape_cast %get3A_634 : vector<1x16xf32> to vector<16xf32>
        %add3A_636 = arith.addf %get3A_629, %get3A_635 : vector<16xf32>
        %add3A_637 = arith.constant 2 : i32
        %add3A_638 = arith.addi %mul3A_626, %add3A_637 : i32
        %get3A_639 = arith.index_cast %add3A_638 : i32 to index
        %get3A_640 = arith.constant 0 : index
        %get3A_641 = tpu.vector_load %arg7[%get3A_639, %get3A_640] {strides = array<i32>} : memref<512x64xf32, #tpu.memory_space<vmem>>, vector<1x16xf32>,
        %get3A_642 = vector.shape_cast %get3A_641 : vector<1x16xf32> to vector<16xf32>
        %add3A_643 = arith.addf %add3A_636, %get3A_642 : vector<16xf32>
        %add3A_644 = arith.constant 3 : i32
        %add3A_645 = arith.addi %mul3A_626, %add3A_644 : i32
        %get3A_646 = arith.index_cast %add3A_645 : i32 to index
        %get3A_647 = arith.constant 0 : index
        %get3A_648 = tpu.vector_load %arg7[%get3A_646, %get3A_647] {strides = array<i32>} : memref<512x64xf32, #tpu.memory_space<vmem>>, vector<1x16xf32>,
        %get3A_649 = vector.shape_cast %get3A_648 : vector<1x16xf32> to vector<16xf32>
        %add3A_650 = arith.addf %add3A_643, %get3A_649 : vector<16xf32>
        %swap3A = arith.index_cast %scan3A_624 : i32 to index
        %swap3A_651 = arith.constant 0 : index
        %swap3A_652 = tpu.vector_load %arg9[%swap3A, %swap3A_651] {strides = array<i32>} : memref<128x128xf32, #tpu.memory_space<vmem>>, vector<1x16xf32>,
        %swap3A_653 = vector.shape_cast %swap3A_652 : vector<1x16xf32> to vector<16xf32>
        %swap3A_654 = vector.shape_cast %add3A_650 : vector<16xf32> to vector<1x16xf32>
        tpu.vector_store %arg9[%swap3A, %swap3A_651], %swap3A_654 {strides = array<i32>} : memref<128x128xf32, #tpu.memory_space<vmem>>, vector<1x16xf32>,
        %get3A_655 = arith.index_cast %mul3A_626 : i32 to index
        %get3A_656 = arith.constant 16 : index
        %get3A_657 = tpu.vector_load %arg7[%get3A_655, %get3A_656] {strides = array<i32>} : memref<512x64xf32, #tpu.memory_space<vmem>>, vector<1x16xf32>,
        %get3A_658 = vector.shape_cast %get3A_657 : vector<1x16xf32> to vector<16xf32>
        %add3A_659 = arith.constant 1 : i32
        %add3A_660 = arith.addi %mul3A_626, %add3A_659 : i32
        %get3A_661 = arith.index_cast %add3A_660 : i32 to index
        %get3A_662 = arith.constant 16 : index
        %get3A_663 = tpu.vector_load %arg7[%get3A_661, %get3A_662] {strides = array<i32>} : memref<512x64xf32, #tpu.memory_space<vmem>>, vector<1x16xf32>,
        %get3A_664 = vector.shape_cast %get3A_663 : vector<1x16xf32> to vector<16xf32>
        %add3A_665 = arith.addf %get3A_658, %get3A_664 : vector<16xf32>
        %add3A_666 = arith.constant 2 : i32
        %add3A_667 = arith.addi %mul3A_626, %add3A_666 : i32
        %get3A_668 = arith.index_cast %add3A_667 : i32 to index
        %get3A_669 = arith.constant 16 : index
        %get3A_670 = tpu.vector_load %arg7[%get3A_668, %get3A_669] {strides = array<i32>} : memref<512x64xf32, #tpu.memory_space<vmem>>, vector<1x16xf32>,
        %get3A_671 = vector.shape_cast %get3A_670 : vector<1x16xf32> to vector<16xf32>
        %add3A_672 = arith.addf %add3A_665, %get3A_671 : vector<16xf32>
        %add3A_673 = arith.constant 3 : i32
        %add3A_674 = arith.addi %mul3A_626, %add3A_673 : i32
        %get3A_675 = arith.index_cast %add3A_674 : i32 to index
        %get3A_676 = arith.constant 16 : index
        %get3A_677 = tpu.vector_load %arg7[%get3A_675, %get3A_676] {strides = array<i32>} : memref<512x64xf32, #tpu.memory_space<vmem>>, vector<1x16xf32>,
        %get3A_678 = vector.shape_cast %get3A_677 : vector<1x16xf32> to vector<16xf32>
        %add3A_679 = arith.addf %add3A_672, %get3A_678 : vector<16xf32>
        %swap3A_680 = arith.index_cast %scan3A_624 : i32 to index
        %swap3A_681 = arith.constant 16 : index
        %swap3A_682 = tpu.vector_load %arg9[%swap3A_680, %swap3A_681] {strides = array<i32>} : memref<128x128xf32, #tpu.memory_space<vmem>>, vector<1x16xf32>,
        %swap3A_683 = vector.shape_cast %swap3A_682 : vector<1x16xf32> to vector<16xf32>
        %swap3A_684 = vector.shape_cast %add3A_679 : vector<16xf32> to vector<1x16xf32>
        tpu.vector_store %arg9[%swap3A_680, %swap3A_681], %swap3A_684 {strides = array<i32>} : memref<128x128xf32, #tpu.memory_space<vmem>>, vector<1x16xf32>,
        %get3A_685 = arith.index_cast %mul3A_626 : i32 to index
        %get3A_686 = arith.constant 32 : index
        %get3A_687 = tpu.vector_load %arg7[%get3A_685, %get3A_686] {strides = array<i32>} : memref<512x64xf32, #tpu.memory_space<vmem>>, vector<1x16xf32>,
        %get3A_688 = vector.shape_cast %get3A_687 : vector<1x16xf32> to vector<16xf32>
        %add3A_689 = arith.constant 1 : i32
        %add3A_690 = arith.addi %mul3A_626, %add3A_689 : i32
        %get3A_691 = arith.index_cast %add3A_690 : i32 to index
        %get3A_692 = arith.constant 32 : index
        %get3A_693 = tpu.vector_load %arg7[%get3A_691, %get3A_692] {strides = array<i32>} : memref<512x64xf32, #tpu.memory_space<vmem>>, vector<1x16xf32>,
        %get3A_694 = vector.shape_cast %get3A_693 : vector<1x16xf32> to vector<16xf32>
        %add3A_695 = arith.addf %get3A_688, %get3A_694 : vector<16xf32>
        %add3A_696 = arith.constant 2 : i32
        %add3A_697 = arith.addi %mul3A_626, %add3A_696 : i32
        %get3A_698 = arith.index_cast %add3A_697 : i32 to index
        %get3A_699 = arith.constant 32 : index
        %get3A_700 = tpu.vector_load %arg7[%get3A_698, %get3A_699] {strides = array<i32>} : memref<512x64xf32, #tpu.memory_space<vmem>>, vector<1x16xf32>,
        %get3A_701 = vector.shape_cast %get3A_700 : vector<1x16xf32> to vector<16xf32>
        %add3A_702 = arith.addf %add3A_695, %get3A_701 : vector<16xf32>
        %add3A_703 = arith.constant 3 : i32
        %add3A_704 = arith.addi %mul3A_626, %add3A_703 : i32
        %get3A_705 = arith.index_cast %add3A_704 : i32 to index
        %get3A_706 = arith.constant 32 : index
        %get3A_707 = tpu.vector_load %arg7[%get3A_705, %get3A_706] {strides = array<i32>} : memref<512x64xf32, #tpu.memory_space<vmem>>, vector<1x16xf32>,
        %get3A_708 = vector.shape_cast %get3A_707 : vector<1x16xf32> to vector<16xf32>
        %add3A_709 = arith.addf %add3A_702, %get3A_708 : vector<16xf32>
        %swap3A_710 = arith.index_cast %scan3A_624 : i32 to index
        %swap3A_711 = arith.constant 32 : index
        %swap3A_712 = tpu.vector_load %arg9[%swap3A_710, %swap3A_711] {strides = array<i32>} : memref<128x128xf32, #tpu.memory_space<vmem>>, vector<1x16xf32>,
        %swap3A_713 = vector.shape_cast %swap3A_712 : vector<1x16xf32> to vector<16xf32>
        %swap3A_714 = vector.shape_cast %add3A_709 : vector<16xf32> to vector<1x16xf32>
        tpu.vector_store %arg9[%swap3A_710, %swap3A_711], %swap3A_714 {strides = array<i32>} : memref<128x128xf32, #tpu.memory_space<vmem>>, vector<1x16xf32>,
        %get3A_715 = arith.index_cast %mul3A_626 : i32 to index
        %get3A_716 = arith.constant 48 : index
        %get3A_717 = tpu.vector_load %arg7[%get3A_715, %get3A_716] {strides = array<i32>} : memref<512x64xf32, #tpu.memory_space<vmem>>, vector<1x16xf32>,
        %get3A_718 = vector.shape_cast %get3A_717 : vector<1x16xf32> to vector<16xf32>
        %add3A_719 = arith.constant 1 : i32
        %add3A_720 = arith.addi %mul3A_626, %add3A_719 : i32
        %get3A_721 = arith.index_cast %add3A_720 : i32 to index
        %get3A_722 = arith.constant 48 : index
        %get3A_723 = tpu.vector_load %arg7[%get3A_721, %get3A_722] {strides = array<i32>} : memref<512x64xf32, #tpu.memory_space<vmem>>, vector<1x16xf32>,
        %get3A_724 = vector.shape_cast %get3A_723 : vector<1x16xf32> to vector<16xf32>
        %add3A_725 = arith.addf %get3A_718, %get3A_724 : vector<16xf32>
        %add3A_726 = arith.constant 2 : i32
        %add3A_727 = arith.addi %mul3A_626, %add3A_726 : i32
        %get3A_728 = arith.index_cast %add3A_727 : i32 to index
        %get3A_729 = arith.constant 48 : index
        %get3A_730 = tpu.vector_load %arg7[%get3A_728, %get3A_729] {strides = array<i32>} : memref<512x64xf32, #tpu.memory_space<vmem>>, vector<1x16xf32>,
        %get3A_731 = vector.shape_cast %get3A_730 : vector<1x16xf32> to vector<16xf32>
        %add3A_732 = arith.addf %add3A_725, %get3A_731 : vector<16xf32>
        %add3A_733 = arith.constant 3 : i32
        %add3A_734 = arith.addi %mul3A_626, %add3A_733 : i32
        %get3A_735 = arith.index_cast %add3A_734 : i32 to index
        %get3A_736 = arith.constant 48 : index
        %get3A_737 = tpu.vector_load %arg7[%get3A_735, %get3A_736] {strides = array<i32>} : memref<512x64xf32, #tpu.memory_space<vmem>>, vector<1x16xf32>,
        %get3A_738 = vector.shape_cast %get3A_737 : vector<1x16xf32> to vector<16xf32>
        %add3A_739 = arith.addf %add3A_732, %get3A_738 : vector<16xf32>
        %swap3A_740 = arith.index_cast %scan3A_624 : i32 to index
        %swap3A_741 = arith.constant 48 : index
        %swap3A_742 = tpu.vector_load %arg9[%swap3A_740, %swap3A_741] {strides = array<i32>} : memref<128x128xf32, #tpu.memory_space<vmem>>, vector<1x16xf32>,
        %swap3A_743 = vector.shape_cast %swap3A_742 : vector<1x16xf32> to vector<16xf32>
        %swap3A_744 = vector.shape_cast %add3A_739 : vector<16xf32> to vector<1x16xf32>
        tpu.vector_store %arg9[%swap3A_740, %swap3A_741], %swap3A_744 {strides = array<i32>} : memref<128x128xf32, #tpu.memory_space<vmem>>, vector<1x16xf32>,
        %scan3A_745 = arith.constant 1 : i32
        %scan3A_746 = arith.addi %scan3A_624, %scan3A_745 : i32
        %mul3A_747 = arith.constant 4 : i32
        %mul3A_748 = arith.muli %scan3A_746, %mul3A_747 : i32
        %get3A_749 = arith.index_cast %mul3A_748 : i32 to index
        %get3A_750 = arith.constant 0 : index
        %get3A_751 = tpu.vector_load %arg7[%get3A_749, %get3A_750] {strides = array<i32>} : memref<512x64xf32, #tpu.memory_space<vmem>>, vector<1x16xf32>,
        %get3A_752 = vector.shape_cast %get3A_751 : vector<1x16xf32> to vector<16xf32>
        %add3A_753 = arith.constant 1 : i32
        %add3A_754 = arith.addi %mul3A_748, %add3A_753 : i32
        %get3A_755 = arith.index_cast %add3A_754 : i32 to index
        %get3A_756 = arith.constant 0 : index
        %get3A_757 = tpu.vector_load %arg7[%get3A_755, %get3A_756] {strides = array<i32>} : memref<512x64xf32, #tpu.memory_space<vmem>>, vector<1x16xf32>,
        %get3A_758 = vector.shape_cast %get3A_757 : vector<1x16xf32> to vector<16xf32>
        %add3A_759 = arith.addf %get3A_752, %get3A_758 : vector<16xf32>
        %add3A_760 = arith.constant 2 : i32
        %add3A_761 = arith.addi %mul3A_748, %add3A_760 : i32
        %get3A_762 = arith.index_cast %add3A_761 : i32 to index
        %get3A_763 = arith.constant 0 : index
        %get3A_764 = tpu.vector_load %arg7[%get3A_762, %get3A_763] {strides = array<i32>} : memref<512x64xf32, #tpu.memory_space<vmem>>, vector<1x16xf32>,
        %get3A_765 = vector.shape_cast %get3A_764 : vector<1x16xf32> to vector<16xf32>
        %add3A_766 = arith.addf %add3A_759, %get3A_765 : vector<16xf32>
        %add3A_767 = arith.constant 3 : i32
        %add3A_768 = arith.addi %mul3A_748, %add3A_767 : i32
        %get3A_769 = arith.index_cast %add3A_768 : i32 to index
        %get3A_770 = arith.constant 0 : index
        %get3A_771 = tpu.vector_load %arg7[%get3A_769, %get3A_770] {strides = array<i32>} : memref<512x64xf32, #tpu.memory_space<vmem>>, vector<1x16xf32>,
        %get3A_772 = vector.shape_cast %get3A_771 : vector<1x16xf32> to vector<16xf32>
        %add3A_773 = arith.addf %add3A_766, %get3A_772 : vector<16xf32>
        %swap3A_774 = arith.index_cast %scan3A_746 : i32 to index
        %swap3A_775 = arith.constant 0 : index
        %swap3A_776 = tpu.vector_load %arg9[%swap3A_774, %swap3A_775] {strides = array<i32>} : memref<128x128xf32, #tpu.memory_space<vmem>>, vector<1x16xf32>,
        %swap3A_777 = vector.shape_cast %swap3A_776 : vector<1x16xf32> to vector<16xf32>
        %swap3A_778 = vector.shape_cast %add3A_773 : vector<16xf32> to vector<1x16xf32>
        tpu.vector_store %arg9[%swap3A_774, %swap3A_775], %swap3A_778 {strides = array<i32>} : memref<128x128xf32, #tpu.memory_space<vmem>>, vector<1x16xf32>,
        %get3A_779 = arith.index_cast %mul3A_748 : i32 to index
        %get3A_780 = arith.constant 16 : index
        %get3A_781 = tpu.vector_load %arg7[%get3A_779, %get3A_780] {strides = array<i32>} : memref<512x64xf32, #tpu.memory_space<vmem>>, vector<1x16xf32>,
        %get3A_782 = vector.shape_cast %get3A_781 : vector<1x16xf32> to vector<16xf32>
        %add3A_783 = arith.constant 1 : i32
        %add3A_784 = arith.addi %mul3A_748, %add3A_783 : i32
        %get3A_785 = arith.index_cast %add3A_784 : i32 to index
        %get3A_786 = arith.constant 16 : index
        %get3A_787 = tpu.vector_load %arg7[%get3A_785, %get3A_786] {strides = array<i32>} : memref<512x64xf32, #tpu.memory_space<vmem>>, vector<1x16xf32>,
        %get3A_788 = vector.shape_cast %get3A_787 : vector<1x16xf32> to vector<16xf32>
        %add3A_789 = arith.addf %get3A_782, %get3A_788 : vector<16xf32>
        %add3A_790 = arith.constant 2 : i32
        %add3A_791 = arith.addi %mul3A_748, %add3A_790 : i32
        %get3A_792 = arith.index_cast %add3A_791 : i32 to index
        %get3A_793 = arith.constant 16 : index
        %get3A_794 = tpu.vector_load %arg7[%get3A_792, %get3A_793] {strides = array<i32>} : memref<512x64xf32, #tpu.memory_space<vmem>>, vector<1x16xf32>,
        %get3A_795 = vector.shape_cast %get3A_794 : vector<1x16xf32> to vector<16xf32>
        %add3A_796 = arith.addf %add3A_789, %get3A_795 : vector<16xf32>
        %add3A_797 = arith.constant 3 : i32
        %add3A_798 = arith.addi %mul3A_748, %add3A_797 : i32
        %get3A_799 = arith.index_cast %add3A_798 : i32 to index
        %get3A_800 = arith.constant 16 : index
        %get3A_801 = tpu.vector_load %arg7[%get3A_799, %get3A_800] {strides = array<i32>} : memref<512x64xf32, #tpu.memory_space<vmem>>, vector<1x16xf32>,
        %get3A_802 = vector.shape_cast %get3A_801 : vector<1x16xf32> to vector<16xf32>
        %add3A_803 = arith.addf %add3A_796, %get3A_802 : vector<16xf32>
        %swap3A_804 = arith.index_cast %scan3A_746 : i32 to index
        %swap3A_805 = arith.constant 16 : index
        %swap3A_806 = tpu.vector_load %arg9[%swap3A_804, %swap3A_805] {strides = array<i32>} : memref<128x128xf32, #tpu.memory_space<vmem>>, vector<1x16xf32>,
        %swap3A_807 = vector.shape_cast %swap3A_806 : vector<1x16xf32> to vector<16xf32>
        %swap3A_808 = vector.shape_cast %add3A_803 : vector<16xf32> to vector<1x16xf32>
        tpu.vector_store %arg9[%swap3A_804, %swap3A_805], %swap3A_808 {strides = array<i32>} : memref<128x128xf32, #tpu.memory_space<vmem>>, vector<1x16xf32>,
        %get3A_809 = arith.index_cast %mul3A_748 : i32 to index
        %get3A_810 = arith.constant 32 : index
        %get3A_811 = tpu.vector_load %arg7[%get3A_809, %get3A_810] {strides = array<i32>} : memref<512x64xf32, #tpu.memory_space<vmem>>, vector<1x16xf32>,
        %get3A_812 = vector.shape_cast %get3A_811 : vector<1x16xf32> to vector<16xf32>
        %add3A_813 = arith.constant 1 : i32
        %add3A_814 = arith.addi %mul3A_748, %add3A_813 : i32
        %get3A_815 = arith.index_cast %add3A_814 : i32 to index
        %get3A_816 = arith.constant 32 : index
        %get3A_817 = tpu.vector_load %arg7[%get3A_815, %get3A_816] {strides = array<i32>} : memref<512x64xf32, #tpu.memory_space<vmem>>, vector<1x16xf32>,
        %get3A_818 = vector.shape_cast %get3A_817 : vector<1x16xf32> to vector<16xf32>
        %add3A_819 = arith.addf %get3A_812, %get3A_818 : vector<16xf32>
        %add3A_820 = arith.constant 2 : i32
        %add3A_821 = arith.addi %mul3A_748, %add3A_820 : i32
        %get3A_822 = arith.index_cast %add3A_821 : i32 to index
        %get3A_823 = arith.constant 32 : index
        %get3A_824 = tpu.vector_load %arg7[%get3A_822, %get3A_823] {strides = array<i32>} : memref<512x64xf32, #tpu.memory_space<vmem>>, vector<1x16xf32>,
        %get3A_825 = vector.shape_cast %get3A_824 : vector<1x16xf32> to vector<16xf32>
        %add3A_826 = arith.addf %add3A_819, %get3A_825 : vector<16xf32>
        %add3A_827 = arith.constant 3 : i32
        %add3A_828 = arith.addi %mul3A_748, %add3A_827 : i32
        %get3A_829 = arith.index_cast %add3A_828 : i32 to index
        %get3A_830 = arith.constant 32 : index
        %get3A_831 = tpu.vector_load %arg7[%get3A_829, %get3A_830] {strides = array<i32>} : memref<512x64xf32, #tpu.memory_space<vmem>>, vector<1x16xf32>,
        %get3A_832 = vector.shape_cast %get3A_831 : vector<1x16xf32> to vector<16xf32>
        %add3A_833 = arith.addf %add3A_826, %get3A_832 : vector<16xf32>
        %swap3A_834 = arith.index_cast %scan3A_746 : i32 to index
        %swap3A_835 = arith.constant 32 : index
        %swap3A_836 = tpu.vector_load %arg9[%swap3A_834, %swap3A_835] {strides = array<i32>} : memref<128x128xf32, #tpu.memory_space<vmem>>, vector<1x16xf32>,
        %swap3A_837 = vector.shape_cast %swap3A_836 : vector<1x16xf32> to vector<16xf32>
        %swap3A_838 = vector.shape_cast %add3A_833 : vector<16xf32> to vector<1x16xf32>
        tpu.vector_store %arg9[%swap3A_834, %swap3A_835], %swap3A_838 {strides = array<i32>} : memref<128x128xf32, #tpu.memory_space<vmem>>, vector<1x16xf32>,
        %get3A_839 = arith.index_cast %mul3A_748 : i32 to index
        %get3A_840 = arith.constant 48 : index
        %get3A_841 = tpu.vector_load %arg7[%get3A_839, %get3A_840] {strides = array<i32>} : memref<512x64xf32, #tpu.memory_space<vmem>>, vector<1x16xf32>,
        %get3A_842 = vector.shape_cast %get3A_841 : vector<1x16xf32> to vector<16xf32>
        %add3A_843 = arith.constant 1 : i32
        %add3A_844 = arith.addi %mul3A_748, %add3A_843 : i32
        %get3A_845 = arith.index_cast %add3A_844 : i32 to index
        %get3A_846 = arith.constant 48 : index
        %get3A_847 = tpu.vector_load %arg7[%get3A_845, %get3A_846] {strides = array<i32>} : memref<512x64xf32, #tpu.memory_space<vmem>>, vector<1x16xf32>,
        %get3A_848 = vector.shape_cast %get3A_847 : vector<1x16xf32> to vector<16xf32>
        %add3A_849 = arith.addf %get3A_842, %get3A_848 : vector<16xf32>
        %add3A_850 = arith.constant 2 : i32
        %add3A_851 = arith.addi %mul3A_748, %add3A_850 : i32
        %get3A_852 = arith.index_cast %add3A_851 : i32 to index
        %get3A_853 = arith.constant 48 : index
        %get3A_854 = tpu.vector_load %arg7[%get3A_852, %get3A_853] {strides = array<i32>} : memref<512x64xf32, #tpu.memory_space<vmem>>, vector<1x16xf32>,
        %get3A_855 = vector.shape_cast %get3A_854 : vector<1x16xf32> to vector<16xf32>
        %add3A_856 = arith.addf %add3A_849, %get3A_855 : vector<16xf32>
        %add3A_857 = arith.constant 3 : i32
        %add3A_858 = arith.addi %mul3A_748, %add3A_857 : i32
        %get3A_859 = arith.index_cast %add3A_858 : i32 to index
        %get3A_860 = arith.constant 48 : index
        %get3A_861 = tpu.vector_load %arg7[%get3A_859, %get3A_860] {strides = array<i32>} : memref<512x64xf32, #tpu.memory_space<vmem>>, vector<1x16xf32>,
        %get3A_862 = vector.shape_cast %get3A_861 : vector<1x16xf32> to vector<16xf32>
        %add3A_863 = arith.addf %add3A_856, %get3A_862 : vector<16xf32>
        %swap3A_864 = arith.index_cast %scan3A_746 : i32 to index
        %swap3A_865 = arith.constant 48 : index
        %swap3A_866 = tpu.vector_load %arg9[%swap3A_864, %swap3A_865] {strides = array<i32>} : memref<128x128xf32, #tpu.memory_space<vmem>>, vector<1x16xf32>,
        %swap3A_867 = vector.shape_cast %swap3A_866 : vector<1x16xf32> to vector<16xf32>
        %swap3A_868 = vector.shape_cast %add3A_863 : vector<16xf32> to vector<1x16xf32>
        tpu.vector_store %arg9[%swap3A_864, %swap3A_865], %swap3A_868 {strides = array<i32>} : memref<128x128xf32, #tpu.memory_space<vmem>>, vector<1x16xf32>,
      }
      %scan3A_613 = arith.constant 128 : i32
      %add3A_614 = arith.constant 1 : i32
      %add3A_615 = arith.addi %mul3A_238, %add3A_614 : i32
      %mul3A_616 = arith.constant 128 : i32
      %mul3A_617 = arith.muli %add3A_615, %mul3A_616 : i32
      %add3A_618 = arith.addi %mul3A_2, %mul3A_617 : i32
      %multiple_of3A_619 = tpu.assume_multiple %add3A_618, 128 : i32
      %dma_start3A_620 = arith.constant 0 : i32
      %dma_start3A_621 = tpu.memref_slice %arg4[%multiple_of3A_619, %dma_start3A_620] : memref<204800x128xf32, #tpu.memory_space<hbm>> -> memref<128x128xf32, #tpu.memory_space<hbm>>
      %dma_start3A_622 = arith.constant 0 : i32
      %dma_start3A_623 = tpu.memref_slice %arg4[%multiple_of3A_619, %dma_start3A_622] : memref<204800x128xf32, #tpu.memory_space<hbm>> -> memref<128x128xf32, #tpu.memory_space<hbm>>
      tpu.enqueue_dma source(%arg9 : memref<128x128xf32, #tpu.memory_space<vmem>>) target(%dma_start3A_623 : memref<128x128xf32, #tpu.memory_space<hbm>>) target_semaphore(%arg11 : memref<!tpu.dma_semaphore, #tpu.memory_space<semaphore_mem>>)
    }
    %scan3A_66 = arith.constant 24 : i32
    %dma_start3A_67 = arith.constant 4 : i32
    %dma_start3A_68 = arith.constant 0 : i32
    %dma_start3A_69 = arith.constant 0 : i32
    %dma_start3A_70 = tpu.memref_slice %arg7[%dma_start3A_68, %dma_start3A_69] : memref<512x64xf32, #tpu.memory_space<vmem>> -> memref<128x64xf32, #tpu.memory_space<vmem>>
    %dma_start3A_71 = arith.constant 0 : i32
    %dma_start3A_72 = tpu.memref_slice %arg5[%dma_start3A_67, %dma_start3A_71] : memref<8x128xi32, #tpu.memory_space<vmem>> -> memref<1x128xi32, #tpu.memory_space<vmem>>
    %dma_start3A_73 = tpu.memref_squeeze %dma_start3A_72 : memref<1x128xi32, #tpu.memory_space<vmem>> -> memref<128xi32, #tpu.memory_space<vmem>>
    %dma_start3A_74 = arith.constant 0 : i32
    %dma_start3A_75 = arith.constant 0 : i32
    %dma_start3A_76 = tpu.memref_slice %arg3[%dma_start3A_74, %dma_start3A_75] : memref<1000000x64xf32, #tpu.memory_space<hbm>> -> memref<1000000x64xf32, #tpu.memory_space<hbm>>
    tpu.enqueue_indirect_dma source(%dma_start3A_76 : memref<1000000x64xf32, #tpu.memory_space<hbm>>) target(%dma_start3A_70 : memref<128x64xf32, #tpu.memory_space<vmem>>) offsets(%dma_start3A_73 : memref<128xi32, #tpu.memory_space<vmem>>) semaphore(%arg10 : memref<!tpu.dma_semaphore, #tpu.memory_space<semaphore_mem>>)
    %dma_start3A_77 = arith.constant 5 : i32
    %dma_start3A_78 = arith.constant 128 : i32
    %dma_start3A_79 = arith.constant 0 : i32
    %dma_start3A_80 = tpu.memref_slice %arg7[%dma_start3A_78, %dma_start3A_79] : memref<512x64xf32, #tpu.memory_space<vmem>> -> memref<128x64xf32, #tpu.memory_space<vmem>>
    %dma_start3A_81 = arith.constant 0 : i32
    %dma_start3A_82 = tpu.memref_slice %arg5[%dma_start3A_77, %dma_start3A_81] : memref<8x128xi32, #tpu.memory_space<vmem>> -> memref<1x128xi32, #tpu.memory_space<vmem>>
    %dma_start3A_83 = tpu.memref_squeeze %dma_start3A_82 : memref<1x128xi32, #tpu.memory_space<vmem>> -> memref<128xi32, #tpu.memory_space<vmem>>
    %dma_start3A_84 = arith.constant 0 : i32
    %dma_start3A_85 = arith.constant 0 : i32
    %dma_start3A_86 = tpu.memref_slice %arg3[%dma_start3A_84, %dma_start3A_85] : memref<1000000x64xf32, #tpu.memory_space<hbm>> -> memref<1000000x64xf32, #tpu.memory_space<hbm>>
    tpu.enqueue_indirect_dma source(%dma_start3A_86 : memref<1000000x64xf32, #tpu.memory_space<hbm>>) target(%dma_start3A_80 : memref<128x64xf32, #tpu.memory_space<vmem>>) offsets(%dma_start3A_83 : memref<128xi32, #tpu.memory_space<vmem>>) semaphore(%arg10 : memref<!tpu.dma_semaphore, #tpu.memory_space<semaphore_mem>>)
    %dma_start3A_87 = arith.constant 6 : i32
    %dma_start3A_88 = arith.constant 256 : i32
    %dma_start3A_89 = arith.constant 0 : i32
    %dma_start3A_90 = tpu.memref_slice %arg7[%dma_start3A_88, %dma_start3A_89] : memref<512x64xf32, #tpu.memory_space<vmem>> -> memref<128x64xf32, #tpu.memory_space<vmem>>
    %dma_start3A_91 = arith.constant 0 : i32
    %dma_start3A_92 = tpu.memref_slice %arg5[%dma_start3A_87, %dma_start3A_91] : memref<8x128xi32, #tpu.memory_space<vmem>> -> memref<1x128xi32, #tpu.memory_space<vmem>>
    %dma_start3A_93 = tpu.memref_squeeze %dma_start3A_92 : memref<1x128xi32, #tpu.memory_space<vmem>> -> memref<128xi32, #tpu.memory_space<vmem>>
    %dma_start3A_94 = arith.constant 0 : i32
    %dma_start3A_95 = arith.constant 0 : i32
    %dma_start3A_96 = tpu.memref_slice %arg3[%dma_start3A_94, %dma_start3A_95] : memref<1000000x64xf32, #tpu.memory_space<hbm>> -> memref<1000000x64xf32, #tpu.memory_space<hbm>>
    tpu.enqueue_indirect_dma source(%dma_start3A_96 : memref<1000000x64xf32, #tpu.memory_space<hbm>>) target(%dma_start3A_90 : memref<128x64xf32, #tpu.memory_space<vmem>>) offsets(%dma_start3A_93 : memref<128xi32, #tpu.memory_space<vmem>>) semaphore(%arg10 : memref<!tpu.dma_semaphore, #tpu.memory_space<semaphore_mem>>)
    %dma_start3A_97 = arith.constant 7 : i32
    %dma_start3A_98 = arith.constant 384 : i32
    %dma_start3A_99 = arith.constant 0 : i32
    %dma_start3A_100 = tpu.memref_slice %arg7[%dma_start3A_98, %dma_start3A_99] : memref<512x64xf32, #tpu.memory_space<vmem>> -> memref<128x64xf32, #tpu.memory_space<vmem>>
    %dma_start3A_101 = arith.constant 0 : i32
    %dma_start3A_102 = tpu.memref_slice %arg5[%dma_start3A_97, %dma_start3A_101] : memref<8x128xi32, #tpu.memory_space<vmem>> -> memref<1x128xi32, #tpu.memory_space<vmem>>
    %dma_start3A_103 = tpu.memref_squeeze %dma_start3A_102 : memref<1x128xi32, #tpu.memory_space<vmem>> -> memref<128xi32, #tpu.memory_space<vmem>>
    %dma_start3A_104 = arith.constant 0 : i32
    %dma_start3A_105 = arith.constant 0 : i32
    %dma_start3A_106 = tpu.memref_slice %arg3[%dma_start3A_104, %dma_start3A_105] : memref<1000000x64xf32, #tpu.memory_space<hbm>> -> memref<1000000x64xf32, #tpu.memory_space<hbm>>
    tpu.enqueue_indirect_dma source(%dma_start3A_106 : memref<1000000x64xf32, #tpu.memory_space<hbm>>) target(%dma_start3A_100 : memref<128x64xf32, #tpu.memory_space<vmem>>) offsets(%dma_start3A_103 : memref<128xi32, #tpu.memory_space<vmem>>) semaphore(%arg10 : memref<!tpu.dma_semaphore, #tpu.memory_space<semaphore_mem>>)
    %dma_wait3A = arith.constant 0 : i32
    %dma_wait3A_107 = arith.constant 0 : i32
    %dma_wait3A_108 = arith.constant 0 : i32
    %dma_wait3A_109 = tpu.memref_slice %arg6[%dma_wait3A_107, %dma_wait3A_108] : memref<512x64xf32, #tpu.memory_space<vmem>> -> memref<128x64xf32, #tpu.memory_space<vmem>>
    %dma_wait3A_110 = arith.constant 0 : i32
    %dma_wait3A_111 = tpu.memref_slice %arg5[%dma_wait3A, %dma_wait3A_110] : memref<8x128xi32, #tpu.memory_space<vmem>> -> memref<1x128xi32, #tpu.memory_space<vmem>>
    %dma_wait3A_112 = tpu.memref_squeeze %dma_wait3A_111 : memref<1x128xi32, #tpu.memory_space<vmem>> -> memref<128xi32, #tpu.memory_space<vmem>>
    %dma_wait3A_113 = arith.constant 0 : i32
    %dma_wait3A_114 = arith.constant 0 : i32
    %dma_wait3A_115 = tpu.memref_slice %arg3[%dma_wait3A_113, %dma_wait3A_114] : memref<1000000x64xf32, #tpu.memory_space<hbm>> -> memref<1000000x64xf32, #tpu.memory_space<hbm>>
    tpu.wait_indirect_dma semaphore(%arg10 : memref<!tpu.dma_semaphore, #tpu.memory_space<semaphore_mem>>) src(%dma_wait3A_115 : memref<1000000x64xf32, #tpu.memory_space<hbm>>) dst(%dma_wait3A_109 : memref<128x64xf32, #tpu.memory_space<vmem>>)
    %dma_wait3A_116 = arith.constant 1 : i32
    %dma_wait3A_117 = arith.constant 128 : i32
    %dma_wait3A_118 = arith.constant 0 : i32
    %dma_wait3A_119 = tpu.memref_slice %arg6[%dma_wait3A_117, %dma_wait3A_118] : memref<512x64xf32, #tpu.memory_space<vmem>> -> memref<128x64xf32, #tpu.memory_space<vmem>>
    %dma_wait3A_120 = arith.constant 0 : i32
    %dma_wait3A_121 = tpu.memref_slice %arg5[%dma_wait3A_116, %dma_wait3A_120] : memref<8x128xi32, #tpu.memory_space<vmem>> -> memref<1x128xi32, #tpu.memory_space<vmem>>
    %dma_wait3A_122 = tpu.memref_squeeze %dma_wait3A_121 : memref<1x128xi32, #tpu.memory_space<vmem>> -> memref<128xi32, #tpu.memory_space<vmem>>
    %dma_wait3A_123 = arith.constant 0 : i32
    %dma_wait3A_124 = arith.constant 0 : i32
    %dma_wait3A_125 = tpu.memref_slice %arg3[%dma_wait3A_123, %dma_wait3A_124] : memref<1000000x64xf32, #tpu.memory_space<hbm>> -> memref<1000000x64xf32, #tpu.memory_space<hbm>>
    tpu.wait_indirect_dma semaphore(%arg10 : memref<!tpu.dma_semaphore, #tpu.memory_space<semaphore_mem>>) src(%dma_wait3A_125 : memref<1000000x64xf32, #tpu.memory_space<hbm>>) dst(%dma_wait3A_119 : memref<128x64xf32, #tpu.memory_space<vmem>>)
    %dma_wait3A_126 = arith.constant 2 : i32
    %dma_wait3A_127 = arith.constant 256 : i32
    %dma_wait3A_128 = arith.constant 0 : i32
    %dma_wait3A_129 = tpu.memref_slice %arg6[%dma_wait3A_127, %dma_wait3A_128] : memref<512x64xf32, #tpu.memory_space<vmem>> -> memref<128x64xf32, #tpu.memory_space<vmem>>
    %dma_wait3A_130 = arith.constant 0 : i32
    %dma_wait3A_131 = tpu.memref_slice %arg5[%dma_wait3A_126, %dma_wait3A_130] : memref<8x128xi32, #tpu.memory_space<vmem>> -> memref<1x128xi32, #tpu.memory_space<vmem>>
    %dma_wait3A_132 = tpu.memref_squeeze %dma_wait3A_131 : memref<1x128xi32, #tpu.memory_space<vmem>> -> memref<128xi32, #tpu.memory_space<vmem>>
    %dma_wait3A_133 = arith.constant 0 : i32
    %dma_wait3A_134 = arith.constant 0 : i32
    %dma_wait3A_135 = tpu.memref_slice %arg3[%dma_wait3A_133, %dma_wait3A_134] : memref<1000000x64xf32, #tpu.memory_space<hbm>> -> memref<1000000x64xf32, #tpu.memory_space<hbm>>
    tpu.wait_indirect_dma semaphore(%arg10 : memref<!tpu.dma_semaphore, #tpu.memory_space<semaphore_mem>>) src(%dma_wait3A_135 : memref<1000000x64xf32, #tpu.memory_space<hbm>>) dst(%dma_wait3A_129 : memref<128x64xf32, #tpu.memory_space<vmem>>)
    %dma_wait3A_136 = arith.constant 3 : i32
    %dma_wait3A_137 = arith.constant 384 : i32
    %dma_wait3A_138 = arith.constant 0 : i32
    %dma_wait3A_139 = tpu.memref_slice %arg6[%dma_wait3A_137, %dma_wait3A_138] : memref<512x64xf32, #tpu.memory_space<vmem>> -> memref<128x64xf32, #tpu.memory_space<vmem>>
    %dma_wait3A_140 = arith.constant 0 : i32
    %dma_wait3A_141 = tpu.memref_slice %arg5[%dma_wait3A_136, %dma_wait3A_140] : memref<8x128xi32, #tpu.memory_space<vmem>> -> memref<1x128xi32, #tpu.memory_space<vmem>>
    %dma_wait3A_142 = tpu.memref_squeeze %dma_wait3A_141 : memref<1x128xi32, #tpu.memory_space<vmem>> -> memref<128xi32, #tpu.memory_space<vmem>>
    %dma_wait3A_143 = arith.constant 0 : i32
    %dma_wait3A_144 = arith.constant 0 : i32
    %dma_wait3A_145 = tpu.memref_slice %arg3[%dma_wait3A_143, %dma_wait3A_144] : memref<1000000x64xf32, #tpu.memory_space<hbm>> -> memref<1000000x64xf32, #tpu.memory_space<hbm>>
    tpu.wait_indirect_dma semaphore(%arg10 : memref<!tpu.dma_semaphore, #tpu.memory_space<semaphore_mem>>) src(%dma_wait3A_145 : memref<1000000x64xf32, #tpu.memory_space<hbm>>) dst(%dma_wait3A_139 : memref<128x64xf32, #tpu.memory_space<vmem>>)
    %dma_wait3A_146 = arith.constant 0 : i32
    %dma_wait3A_147 = arith.constant 0 : i32
    %dma_wait3A_148 = tpu.memref_slice %arg4[%dma_wait3A_146, %dma_wait3A_147] : memref<204800x128xf32, #tpu.memory_space<hbm>> -> memref<128x128xf32, #tpu.memory_space<hbm>>
    %dma_wait3A_149 = arith.constant 0 : i32
    %dma_wait3A_150 = arith.constant 0 : i32
    %dma_wait3A_151 = tpu.memref_slice %arg4[%dma_wait3A_149, %dma_wait3A_150] : memref<204800x128xf32, #tpu.memory_space<hbm>> -> memref<128x128xf32, #tpu.memory_space<hbm>>
    tpu.wait_dma2 semaphore(%arg11 : memref<!tpu.dma_semaphore, #tpu.memory_space<semaphore_mem>>) src(%arg8 : memref<128x128xf32, #tpu.memory_space<vmem>>) dst(%dma_wait3A_151 : memref<128x128xf32, #tpu.memory_space<hbm>>)
    %scan3A_152 = arith.constant 0 : i32
    %scan3A_153 = arith.constant 0 : i32
    %scan3A_154 = arith.constant 128 : i32
    %scan3A_155 = arith.addi %scan3A_153, %scan3A_154 : i32
    %scan3A_156 = arith.constant 2 : i32
    scf.for %scan3A_236 = %scan3A_153 to %scan3A_155 step %scan3A_156  : i32 {
      %mul3A_237 = arith.constant 4 : i32
      %mul3A_238 = arith.muli %scan3A_236, %mul3A_237 : i32
      %get3A = arith.index_cast %mul3A_238 : i32 to index
      %get3A_239 = arith.constant 0 : index
      %get3A_240 = tpu.vector_load %arg6[%get3A, %get3A_239] {strides = array<i32>} : memref<512x64xf32, #tpu.memory_space<vmem>>, vector<1x16xf32>,
      %get3A_241 = vector.shape_cast %get3A_240 : vector<1x16xf32> to vector<16xf32>
      %add3A_242 = arith.constant 1 : i32
      %add3A_243 = arith.addi %mul3A_238, %add3A_242 : i32
      %get3A_244 = arith.index_cast %add3A_243 : i32 to index
      %get3A_245 = arith.constant 0 : index
      %get3A_246 = tpu.vector_load %arg6[%get3A_244, %get3A_245] {strides = array<i32>} : memref<512x64xf32, #tpu.memory_space<vmem>>, vector<1x16xf32>,
      %get3A_247 = vector.shape_cast %get3A_246 : vector<1x16xf32> to vector<16xf32>
      %add3A_248 = arith.addf %get3A_241, %get3A_247 : vector<16xf32>
      %add3A_249 = arith.constant 2 : i32
      %add3A_250 = arith.addi %mul3A_238, %add3A_249 : i32
      %get3A_251 = arith.index_cast %add3A_250 : i32 to index
      %get3A_252 = arith.constant 0 : index
      %get3A_253 = tpu.vector_load %arg6[%get3A_251, %get3A_252] {strides = array<i32>} : memref<512x64xf32, #tpu.memory_space<vmem>>, vector<1x16xf32>,
      %get3A_254 = vector.shape_cast %get3A_253 : vector<1x16xf32> to vector<16xf32>
      %add3A_255 = arith.addf %add3A_248, %get3A_254 : vector<16xf32>
      %add3A_256 = arith.constant 3 : i32
      %add3A_257 = arith.addi %mul3A_238, %add3A_256 : i32
      %get3A_258 = arith.index_cast %add3A_257 : i32 to index
      %get3A_259 = arith.constant 0 : index
      %get3A_260 = tpu.vector_load %arg6[%get3A_258, %get3A_259] {strides = array<i32>} : memref<512x64xf32, #tpu.memory_space<vmem>>, vector<1x16xf32>,
      %get3A_261 = vector.shape_cast %get3A_260 : vector<1x16xf32> to vector<16xf32>
      %add3A_262 = arith.addf %add3A_255, %get3A_261 : vector<16xf32>
      %swap3A = arith.index_cast %scan3A_236 : i32 to index
      %swap3A_263 = arith.constant 0 : index
      %swap3A_264 = tpu.vector_load %arg8[%swap3A, %swap3A_263] {strides = array<i32>} : memref<128x128xf32, #tpu.memory_space<vmem>>, vector<1x16xf32>,
      %swap3A_265 = vector.shape_cast %swap3A_264 : vector<1x16xf32> to vector<16xf32>
      %swap3A_266 = vector.shape_cast %add3A_262 : vector<16xf32> to vector<1x16xf32>
      tpu.vector_store %arg8[%swap3A, %swap3A_263], %swap3A_266 {strides = array<i32>} : memref<128x128xf32, #tpu.memory_space<vmem>>, vector<1x16xf32>,
      %get3A_267 = arith.index_cast %mul3A_238 : i32 to index
      %get3A_268 = arith.constant 16 : index
      %get3A_269 = tpu.vector_load %arg6[%get3A_267, %get3A_268] {strides = array<i32>} : memref<512x64xf32, #tpu.memory_space<vmem>>, vector<1x16xf32>,
      %get3A_270 = vector.shape_cast %get3A_269 : vector<1x16xf32> to vector<16xf32>
      %add3A_271 = arith.constant 1 : i32
      %add3A_272 = arith.addi %mul3A_238, %add3A_271 : i32
      %get3A_273 = arith.index_cast %add3A_272 : i32 to index
      %get3A_274 = arith.constant 16 : index
      %get3A_275 = tpu.vector_load %arg6[%get3A_273, %get3A_274] {strides = array<i32>} : memref<512x64xf32, #tpu.memory_space<vmem>>, vector<1x16xf32>,
      %get3A_276 = vector.shape_cast %get3A_275 : vector<1x16xf32> to vector<16xf32>
      %add3A_277 = arith.addf %get3A_270, %get3A_276 : vector<16xf32>
      %add3A_278 = arith.constant 2 : i32
      %add3A_279 = arith.addi %mul3A_238, %add3A_278 : i32
      %get3A_280 = arith.index_cast %add3A_279 : i32 to index
      %get3A_281 = arith.constant 16 : index
      %get3A_282 = tpu.vector_load %arg6[%get3A_280, %get3A_281] {strides = array<i32>} : memref<512x64xf32, #tpu.memory_space<vmem>>, vector<1x16xf32>,
      %get3A_283 = vector.shape_cast %get3A_282 : vector<1x16xf32> to vector<16xf32>
      %add3A_284 = arith.addf %add3A_277, %get3A_283 : vector<16xf32>
      %add3A_285 = arith.constant 3 : i32
      %add3A_286 = arith.addi %mul3A_238, %add3A_285 : i32
      %get3A_287 = arith.index_cast %add3A_286 : i32 to index
      %get3A_288 = arith.constant 16 : index
      %get3A_289 = tpu.vector_load %arg6[%get3A_287, %get3A_288] {strides = array<i32>} : memref<512x64xf32, #tpu.memory_space<vmem>>, vector<1x16xf32>,
      %get3A_290 = vector.shape_cast %get3A_289 : vector<1x16xf32> to vector<16xf32>
      %add3A_291 = arith.addf %add3A_284, %get3A_290 : vector<16xf32>
      %swap3A_292 = arith.index_cast %scan3A_236 : i32 to index
      %swap3A_293 = arith.constant 16 : index
      %swap3A_294 = tpu.vector_load %arg8[%swap3A_292, %swap3A_293] {strides = array<i32>} : memref<128x128xf32, #tpu.memory_space<vmem>>, vector<1x16xf32>,
      %swap3A_295 = vector.shape_cast %swap3A_294 : vector<1x16xf32> to vector<16xf32>
      %swap3A_296 = vector.shape_cast %add3A_291 : vector<16xf32> to vector<1x16xf32>
      tpu.vector_store %arg8[%swap3A_292, %swap3A_293], %swap3A_296 {strides = array<i32>} : memref<128x128xf32, #tpu.memory_space<vmem>>, vector<1x16xf32>,
      %get3A_297 = arith.index_cast %mul3A_238 : i32 to index
      %get3A_298 = arith.constant 32 : index
      %get3A_299 = tpu.vector_load %arg6[%get3A_297, %get3A_298] {strides = array<i32>} : memref<512x64xf32, #tpu.memory_space<vmem>>, vector<1x16xf32>,
      %get3A_300 = vector.shape_cast %get3A_299 : vector<1x16xf32> to vector<16xf32>
      %add3A_301 = arith.constant 1 : i32
      %add3A_302 = arith.addi %mul3A_238, %add3A_301 : i32
      %get3A_303 = arith.index_cast %add3A_302 : i32 to index
      %get3A_304 = arith.constant 32 : index
      %get3A_305 = tpu.vector_load %arg6[%get3A_303, %get3A_304] {strides = array<i32>} : memref<512x64xf32, #tpu.memory_space<vmem>>, vector<1x16xf32>,
      %get3A_306 = vector.shape_cast %get3A_305 : vector<1x16xf32> to vector<16xf32>
      %add3A_307 = arith.addf %get3A_300, %get3A_306 : vector<16xf32>
      %add3A_308 = arith.constant 2 : i32
      %add3A_309 = arith.addi %mul3A_238, %add3A_308 : i32
      %get3A_310 = arith.index_cast %add3A_309 : i32 to index
      %get3A_311 = arith.constant 32 : index
      %get3A_312 = tpu.vector_load %arg6[%get3A_310, %get3A_311] {strides = array<i32>} : memref<512x64xf32, #tpu.memory_space<vmem>>, vector<1x16xf32>,
      %get3A_313 = vector.shape_cast %get3A_312 : vector<1x16xf32> to vector<16xf32>
      %add3A_314 = arith.addf %add3A_307, %get3A_313 : vector<16xf32>
      %add3A_315 = arith.constant 3 : i32
      %add3A_316 = arith.addi %mul3A_238, %add3A_315 : i32
      %get3A_317 = arith.index_cast %add3A_316 : i32 to index
      %get3A_318 = arith.constant 32 : index
      %get3A_319 = tpu.vector_load %arg6[%get3A_317, %get3A_318] {strides = array<i32>} : memref<512x64xf32, #tpu.memory_space<vmem>>, vector<1x16xf32>,
      %get3A_320 = vector.shape_cast %get3A_319 : vector<1x16xf32> to vector<16xf32>
      %add3A_321 = arith.addf %add3A_314, %get3A_320 : vector<16xf32>
      %swap3A_322 = arith.index_cast %scan3A_236 : i32 to index
      %swap3A_323 = arith.constant 32 : index
      %swap3A_324 = tpu.vector_load %arg8[%swap3A_322, %swap3A_323] {strides = array<i32>} : memref<128x128xf32, #tpu.memory_space<vmem>>, vector<1x16xf32>,
      %swap3A_325 = vector.shape_cast %swap3A_324 : vector<1x16xf32> to vector<16xf32>
      %swap3A_326 = vector.shape_cast %add3A_321 : vector<16xf32> to vector<1x16xf32>
      tpu.vector_store %arg8[%swap3A_322, %swap3A_323], %swap3A_326 {strides = array<i32>} : memref<128x128xf32, #tpu.memory_space<vmem>>, vector<1x16xf32>,
      %get3A_327 = arith.index_cast %mul3A_238 : i32 to index
      %get3A_328 = arith.constant 48 : index
      %get3A_329 = tpu.vector_load %arg6[%get3A_327, %get3A_328] {strides = array<i32>} : memref<512x64xf32, #tpu.memory_space<vmem>>, vector<1x16xf32>,
      %get3A_330 = vector.shape_cast %get3A_329 : vector<1x16xf32> to vector<16xf32>
      %add3A_331 = arith.constant 1 : i32
      %add3A_332 = arith.addi %mul3A_238, %add3A_331 : i32
      %get3A_333 = arith.index_cast %add3A_332 : i32 to index
      %get3A_334 = arith.constant 48 : index
      %get3A_335 = tpu.vector_load %arg6[%get3A_333, %get3A_334] {strides = array<i32>} : memref<512x64xf32, #tpu.memory_space<vmem>>, vector<1x16xf32>,
      %get3A_336 = vector.shape_cast %get3A_335 : vector<1x16xf32> to vector<16xf32>
      %add3A_337 = arith.addf %get3A_330, %get3A_336 : vector<16xf32>
      %add3A_338 = arith.constant 2 : i32
      %add3A_339 = arith.addi %mul3A_238, %add3A_338 : i32
      %get3A_340 = arith.index_cast %add3A_339 : i32 to index
      %get3A_341 = arith.constant 48 : index
      %get3A_342 = tpu.vector_load %arg6[%get3A_340, %get3A_341] {strides = array<i32>} : memref<512x64xf32, #tpu.memory_space<vmem>>, vector<1x16xf32>,
      %get3A_343 = vector.shape_cast %get3A_342 : vector<1x16xf32> to vector<16xf32>
      %add3A_344 = arith.addf %add3A_337, %get3A_343 : vector<16xf32>
      %add3A_345 = arith.constant 3 : i32
      %add3A_346 = arith.addi %mul3A_238, %add3A_345 : i32
      %get3A_347 = arith.index_cast %add3A_346 : i32 to index
      %get3A_348 = arith.constant 48 : index
      %get3A_349 = tpu.vector_load %arg6[%get3A_347, %get3A_348] {strides = array<i32>} : memref<512x64xf32, #tpu.memory_space<vmem>>, vector<1x16xf32>,
      %get3A_350 = vector.shape_cast %get3A_349 : vector<1x16xf32> to vector<16xf32>
      %add3A_351 = arith.addf %add3A_344, %get3A_350 : vector<16xf32>
      %swap3A_352 = arith.index_cast %scan3A_236 : i32 to index
      %swap3A_353 = arith.constant 48 : index
      %swap3A_354 = tpu.vector_load %arg8[%swap3A_352, %swap3A_353] {strides = array<i32>} : memref<128x128xf32, #tpu.memory_space<vmem>>, vector<1x16xf32>,
      %swap3A_355 = vector.shape_cast %swap3A_354 : vector<1x16xf32> to vector<16xf32>
      %swap3A_356 = vector.shape_cast %add3A_351 : vector<16xf32> to vector<1x16xf32>
      tpu.vector_store %arg8[%swap3A_352, %swap3A_353], %swap3A_356 {strides = array<i32>} : memref<128x128xf32, #tpu.memory_space<vmem>>, vector<1x16xf32>,
      %scan3A_357 = arith.constant 1 : i32
      %scan3A_358 = arith.addi %scan3A_236, %scan3A_357 : i32
      %mul3A_359 = arith.constant 4 : i32
      %mul3A_360 = arith.muli %scan3A_358, %mul3A_359 : i32
      %get3A_361 = arith.index_cast %mul3A_360 : i32 to index
      %get3A_362 = arith.constant 0 : index
      %get3A_363 = tpu.vector_load %arg6[%get3A_361, %get3A_362] {strides = array<i32>} : memref<512x64xf32, #tpu.memory_space<vmem>>, vector<1x16xf32>,
      %get3A_364 = vector.shape_cast %get3A_363 : vector<1x16xf32> to vector<16xf32>
      %add3A_365 = arith.constant 1 : i32
      %add3A_366 = arith.addi %mul3A_360, %add3A_365 : i32
      %get3A_367 = arith.index_cast %add3A_366 : i32 to index
      %get3A_368 = arith.constant 0 : index
      %get3A_369 = tpu.vector_load %arg6[%get3A_367, %get3A_368] {strides = array<i32>} : memref<512x64xf32, #tpu.memory_space<vmem>>, vector<1x16xf32>,
      %get3A_370 = vector.shape_cast %get3A_369 : vector<1x16xf32> to vector<16xf32>
      %add3A_371 = arith.addf %get3A_364, %get3A_370 : vector<16xf32>
      %add3A_372 = arith.constant 2 : i32
      %add3A_373 = arith.addi %mul3A_360, %add3A_372 : i32
      %get3A_374 = arith.index_cast %add3A_373 : i32 to index
      %get3A_375 = arith.constant 0 : index
      %get3A_376 = tpu.vector_load %arg6[%get3A_374, %get3A_375] {strides = array<i32>} : memref<512x64xf32, #tpu.memory_space<vmem>>, vector<1x16xf32>,
      %get3A_377 = vector.shape_cast %get3A_376 : vector<1x16xf32> to vector<16xf32>
      %add3A_378 = arith.addf %add3A_371, %get3A_377 : vector<16xf32>
      %add3A_379 = arith.constant 3 : i32
      %add3A_380 = arith.addi %mul3A_360, %add3A_379 : i32
      %get3A_381 = arith.index_cast %add3A_380 : i32 to index
      %get3A_382 = arith.constant 0 : index
      %get3A_383 = tpu.vector_load %arg6[%get3A_381, %get3A_382] {strides = array<i32>} : memref<512x64xf32, #tpu.memory_space<vmem>>, vector<1x16xf32>,
      %get3A_384 = vector.shape_cast %get3A_383 : vector<1x16xf32> to vector<16xf32>
      %add3A_385 = arith.addf %add3A_378, %get3A_384 : vector<16xf32>
      %swap3A_386 = arith.index_cast %scan3A_358 : i32 to index
      %swap3A_387 = arith.constant 0 : index
      %swap3A_388 = tpu.vector_load %arg8[%swap3A_386, %swap3A_387] {strides = array<i32>} : memref<128x128xf32, #tpu.memory_space<vmem>>, vector<1x16xf32>,
      %swap3A_389 = vector.shape_cast %swap3A_388 : vector<1x16xf32> to vector<16xf32>
      %swap3A_390 = vector.shape_cast %add3A_385 : vector<16xf32> to vector<1x16xf32>
      tpu.vector_store %arg8[%swap3A_386, %swap3A_387], %swap3A_390 {strides = array<i32>} : memref<128x128xf32, #tpu.memory_space<vmem>>, vector<1x16xf32>,
      %get3A_391 = arith.index_cast %mul3A_360 : i32 to index
      %get3A_392 = arith.constant 16 : index
      %get3A_393 = tpu.vector_load %arg6[%get3A_391, %get3A_392] {strides = array<i32>} : memref<512x64xf32, #tpu.memory_space<vmem>>, vector<1x16xf32>,
      %get3A_394 = vector.shape_cast %get3A_393 : vector<1x16xf32> to vector<16xf32>
      %add3A_395 = arith.constant 1 : i32
      %add3A_396 = arith.addi %mul3A_360, %add3A_395 : i32
      %get3A_397 = arith.index_cast %add3A_396 : i32 to index
      %get3A_398 = arith.constant 16 : index
      %get3A_399 = tpu.vector_load %arg6[%get3A_397, %get3A_398] {strides = array<i32>} : memref<512x64xf32, #tpu.memory_space<vmem>>, vector<1x16xf32>,
      %get3A_400 = vector.shape_cast %get3A_399 : vector<1x16xf32> to vector<16xf32>
      %add3A_401 = arith.addf %get3A_394, %get3A_400 : vector<16xf32>
      %add3A_402 = arith.constant 2 : i32
      %add3A_403 = arith.addi %mul3A_360, %add3A_402 : i32
      %get3A_404 = arith.index_cast %add3A_403 : i32 to index
      %get3A_405 = arith.constant 16 : index
      %get3A_406 = tpu.vector_load %arg6[%get3A_404, %get3A_405] {strides = array<i32>} : memref<512x64xf32, #tpu.memory_space<vmem>>, vector<1x16xf32>,
      %get3A_407 = vector.shape_cast %get3A_406 : vector<1x16xf32> to vector<16xf32>
      %add3A_408 = arith.addf %add3A_401, %get3A_407 : vector<16xf32>
      %add3A_409 = arith.constant 3 : i32
      %add3A_410 = arith.addi %mul3A_360, %add3A_409 : i32
      %get3A_411 = arith.index_cast %add3A_410 : i32 to index
      %get3A_412 = arith.constant 16 : index
      %get3A_413 = tpu.vector_load %arg6[%get3A_411, %get3A_412] {strides = array<i32>} : memref<512x64xf32, #tpu.memory_space<vmem>>, vector<1x16xf32>,
      %get3A_414 = vector.shape_cast %get3A_413 : vector<1x16xf32> to vector<16xf32>
      %add3A_415 = arith.addf %add3A_408, %get3A_414 : vector<16xf32>
      %swap3A_416 = arith.index_cast %scan3A_358 : i32 to index
      %swap3A_417 = arith.constant 16 : index
      %swap3A_418 = tpu.vector_load %arg8[%swap3A_416, %swap3A_417] {strides = array<i32>} : memref<128x128xf32, #tpu.memory_space<vmem>>, vector<1x16xf32>,
      %swap3A_419 = vector.shape_cast %swap3A_418 : vector<1x16xf32> to vector<16xf32>
      %swap3A_420 = vector.shape_cast %add3A_415 : vector<16xf32> to vector<1x16xf32>
      tpu.vector_store %arg8[%swap3A_416, %swap3A_417], %swap3A_420 {strides = array<i32>} : memref<128x128xf32, #tpu.memory_space<vmem>>, vector<1x16xf32>,
      %get3A_421 = arith.index_cast %mul3A_360 : i32 to index
      %get3A_422 = arith.constant 32 : index
      %get3A_423 = tpu.vector_load %arg6[%get3A_421, %get3A_422] {strides = array<i32>} : memref<512x64xf32, #tpu.memory_space<vmem>>, vector<1x16xf32>,
      %get3A_424 = vector.shape_cast %get3A_423 : vector<1x16xf32> to vector<16xf32>
      %add3A_425 = arith.constant 1 : i32
      %add3A_426 = arith.addi %mul3A_360, %add3A_425 : i32
      %get3A_427 = arith.index_cast %add3A_426 : i32 to index
      %get3A_428 = arith.constant 32 : index
      %get3A_429 = tpu.vector_load %arg6[%get3A_427, %get3A_428] {strides = array<i32>} : memref<512x64xf32, #tpu.memory_space<vmem>>, vector<1x16xf32>,
      %get3A_430 = vector.shape_cast %get3A_429 : vector<1x16xf32> to vector<16xf32>
      %add3A_431 = arith.addf %get3A_424, %get3A_430 : vector<16xf32>
      %add3A_432 = arith.constant 2 : i32
      %add3A_433 = arith.addi %mul3A_360, %add3A_432 : i32
      %get3A_434 = arith.index_cast %add3A_433 : i32 to index
      %get3A_435 = arith.constant 32 : index
      %get3A_436 = tpu.vector_load %arg6[%get3A_434, %get3A_435] {strides = array<i32>} : memref<512x64xf32, #tpu.memory_space<vmem>>, vector<1x16xf32>,
      %get3A_437 = vector.shape_cast %get3A_436 : vector<1x16xf32> to vector<16xf32>
      %add3A_438 = arith.addf %add3A_431, %get3A_437 : vector<16xf32>
      %add3A_439 = arith.constant 3 : i32
      %add3A_440 = arith.addi %mul3A_360, %add3A_439 : i32
      %get3A_441 = arith.index_cast %add3A_440 : i32 to index
      %get3A_442 = arith.constant 32 : index
      %get3A_443 = tpu.vector_load %arg6[%get3A_441, %get3A_442] {strides = array<i32>} : memref<512x64xf32, #tpu.memory_space<vmem>>, vector<1x16xf32>,
      %get3A_444 = vector.shape_cast %get3A_443 : vector<1x16xf32> to vector<16xf32>
      %add3A_445 = arith.addf %add3A_438, %get3A_444 : vector<16xf32>
      %swap3A_446 = arith.index_cast %scan3A_358 : i32 to index
      %swap3A_447 = arith.constant 32 : index
      %swap3A_448 = tpu.vector_load %arg8[%swap3A_446, %swap3A_447] {strides = array<i32>} : memref<128x128xf32, #tpu.memory_space<vmem>>, vector<1x16xf32>,
      %swap3A_449 = vector.shape_cast %swap3A_448 : vector<1x16xf32> to vector<16xf32>
      %swap3A_450 = vector.shape_cast %add3A_445 : vector<16xf32> to vector<1x16xf32>
      tpu.vector_store %arg8[%swap3A_446, %swap3A_447], %swap3A_450 {strides = array<i32>} : memref<128x128xf32, #tpu.memory_space<vmem>>, vector<1x16xf32>,
      %get3A_451 = arith.index_cast %mul3A_360 : i32 to index
      %get3A_452 = arith.constant 48 : index
      %get3A_453 = tpu.vector_load %arg6[%get3A_451, %get3A_452] {strides = array<i32>} : memref<512x64xf32, #tpu.memory_space<vmem>>, vector<1x16xf32>,
      %get3A_454 = vector.shape_cast %get3A_453 : vector<1x16xf32> to vector<16xf32>
      %add3A_455 = arith.constant 1 : i32
      %add3A_456 = arith.addi %mul3A_360, %add3A_455 : i32
      %get3A_457 = arith.index_cast %add3A_456 : i32 to index
      %get3A_458 = arith.constant 48 : index
      %get3A_459 = tpu.vector_load %arg6[%get3A_457, %get3A_458] {strides = array<i32>} : memref<512x64xf32, #tpu.memory_space<vmem>>, vector<1x16xf32>,
      %get3A_460 = vector.shape_cast %get3A_459 : vector<1x16xf32> to vector<16xf32>
      %add3A_461 = arith.addf %get3A_454, %get3A_460 : vector<16xf32>
      %add3A_462 = arith.constant 2 : i32
      %add3A_463 = arith.addi %mul3A_360, %add3A_462 : i32
      %get3A_464 = arith.index_cast %add3A_463 : i32 to index
      %get3A_465 = arith.constant 48 : index
      %get3A_466 = tpu.vector_load %arg6[%get3A_464, %get3A_465] {strides = array<i32>} : memref<512x64xf32, #tpu.memory_space<vmem>>, vector<1x16xf32>,
      %get3A_467 = vector.shape_cast %get3A_466 : vector<1x16xf32> to vector<16xf32>
      %add3A_468 = arith.addf %add3A_461, %get3A_467 : vector<16xf32>
      %add3A_469 = arith.constant 3 : i32
      %add3A_470 = arith.addi %mul3A_360, %add3A_469 : i32
      %get3A_471 = arith.index_cast %add3A_470 : i32 to index
      %get3A_472 = arith.constant 48 : index
      %get3A_473 = tpu.vector_load %arg6[%get3A_471, %get3A_472] {strides = array<i32>} : memref<512x64xf32, #tpu.memory_space<vmem>>, vector<1x16xf32>,
      %get3A_474 = vector.shape_cast %get3A_473 : vector<1x16xf32> to vector<16xf32>
      %add3A_475 = arith.addf %add3A_468, %get3A_474 : vector<16xf32>
      %swap3A_476 = arith.index_cast %scan3A_358 : i32 to index
      %swap3A_477 = arith.constant 48 : index
      %swap3A_478 = tpu.vector_load %arg8[%swap3A_476, %swap3A_477] {strides = array<i32>} : memref<128x128xf32, #tpu.memory_space<vmem>>, vector<1x16xf32>,
      %swap3A_479 = vector.shape_cast %swap3A_478 : vector<1x16xf32> to vector<16xf32>
      %swap3A_480 = vector.shape_cast %add3A_475 : vector<16xf32> to vector<1x16xf32>
      tpu.vector_store %arg8[%swap3A_476, %swap3A_477], %swap3A_480 {strides = array<i32>} : memref<128x128xf32, #tpu.memory_space<vmem>>, vector<1x16xf32>,
    }
    %scan3A_157 = arith.constant 128 : i32
    %add3A_158 = arith.constant 6144 : i32
    %add3A_159 = arith.addi %mul3A_2, %add3A_158 : i32
    %multiple_of3A_160 = tpu.assume_multiple %add3A_159, 128 : i32
    %dma_start3A_161 = arith.constant 0 : i32
    %dma_start3A_162 = tpu.memref_slice %arg4[%multiple_of3A_160, %dma_start3A_161] : memref<204800x128xf32, #tpu.memory_space<hbm>> -> memref<128x128xf32, #tpu.memory_space<hbm>>
    %dma_start3A_163 = arith.constant 0 : i32
    %dma_start3A_164 = tpu.memref_slice %arg4[%multiple_of3A_160, %dma_start3A_163] : memref<204800x128xf32, #tpu.memory_space<hbm>> -> memref<128x128xf32, #tpu.memory_space<hbm>>
    tpu.enqueue_dma source(%arg8 : memref<128x128xf32, #tpu.memory_space<vmem>>) target(%dma_start3A_164 : memref<128x128xf32, #tpu.memory_space<hbm>>) target_semaphore(%arg11 : memref<!tpu.dma_semaphore, #tpu.memory_space<semaphore_mem>>)
    %dma_wait3A_165 = arith.constant 0 : i32
    %dma_wait3A_166 = arith.constant 0 : i32
    %dma_wait3A_167 = arith.constant 0 : i32
    %dma_wait3A_168 = tpu.memref_slice %arg7[%dma_wait3A_166, %dma_wait3A_167] : memref<512x64xf32, #tpu.memory_space<vmem>> -> memref<128x64xf32, #tpu.memory_space<vmem>>
    %dma_wait3A_169 = arith.constant 0 : i32
    %dma_wait3A_170 = tpu.memref_slice %arg5[%dma_wait3A_165, %dma_wait3A_169] : memref<8x128xi32, #tpu.memory_space<vmem>> -> memref<1x128xi32, #tpu.memory_space<vmem>>
    %dma_wait3A_171 = tpu.memref_squeeze %dma_wait3A_170 : memref<1x128xi32, #tpu.memory_space<vmem>> -> memref<128xi32, #tpu.memory_space<vmem>>
    %dma_wait3A_172 = arith.constant 0 : i32
    %dma_wait3A_173 = arith.constant 0 : i32
    %dma_wait3A_174 = tpu.memref_slice %arg3[%dma_wait3A_172, %dma_wait3A_173] : memref<1000000x64xf32, #tpu.memory_space<hbm>> -> memref<1000000x64xf32, #tpu.memory_space<hbm>>
    tpu.wait_indirect_dma semaphore(%arg10 : memref<!tpu.dma_semaphore, #tpu.memory_space<semaphore_mem>>) src(%dma_wait3A_174 : memref<1000000x64xf32, #tpu.memory_space<hbm>>) dst(%dma_wait3A_168 : memref<128x64xf32, #tpu.memory_space<vmem>>)
    %dma_wait3A_175 = arith.constant 1 : i32
    %dma_wait3A_176 = arith.constant 128 : i32
    %dma_wait3A_177 = arith.constant 0 : i32
    %dma_wait3A_178 = tpu.memref_slice %arg7[%dma_wait3A_176, %dma_wait3A_177] : memref<512x64xf32, #tpu.memory_space<vmem>> -> memref<128x64xf32, #tpu.memory_space<vmem>>
    %dma_wait3A_179 = arith.constant 0 : i32
    %dma_wait3A_180 = tpu.memref_slice %arg5[%dma_wait3A_175, %dma_wait3A_179] : memref<8x128xi32, #tpu.memory_space<vmem>> -> memref<1x128xi32, #tpu.memory_space<vmem>>
    %dma_wait3A_181 = tpu.memref_squeeze %dma_wait3A_180 : memref<1x128xi32, #tpu.memory_space<vmem>> -> memref<128xi32, #tpu.memory_space<vmem>>
    %dma_wait3A_182 = arith.constant 0 : i32
    %dma_wait3A_183 = arith.constant 0 : i32
    %dma_wait3A_184 = tpu.memref_slice %arg3[%dma_wait3A_182, %dma_wait3A_183] : memref<1000000x64xf32, #tpu.memory_space<hbm>> -> memref<1000000x64xf32, #tpu.memory_space<hbm>>
    tpu.wait_indirect_dma semaphore(%arg10 : memref<!tpu.dma_semaphore, #tpu.memory_space<semaphore_mem>>) src(%dma_wait3A_184 : memref<1000000x64xf32, #tpu.memory_space<hbm>>) dst(%dma_wait3A_178 : memref<128x64xf32, #tpu.memory_space<vmem>>)
    %dma_wait3A_185 = arith.constant 2 : i32
    %dma_wait3A_186 = arith.constant 256 : i32
    %dma_wait3A_187 = arith.constant 0 : i32
    %dma_wait3A_188 = tpu.memref_slice %arg7[%dma_wait3A_186, %dma_wait3A_187] : memref<512x64xf32, #tpu.memory_space<vmem>> -> memref<128x64xf32, #tpu.memory_space<vmem>>
    %dma_wait3A_189 = arith.constant 0 : i32
    %dma_wait3A_190 = tpu.memref_slice %arg5[%dma_wait3A_185, %dma_wait3A_189] : memref<8x128xi32, #tpu.memory_space<vmem>> -> memref<1x128xi32, #tpu.memory_space<vmem>>
    %dma_wait3A_191 = tpu.memref_squeeze %dma_wait3A_190 : memref<1x128xi32, #tpu.memory_space<vmem>> -> memref<128xi32, #tpu.memory_space<vmem>>
    %dma_wait3A_192 = arith.constant 0 : i32
    %dma_wait3A_193 = arith.constant 0 : i32
    %dma_wait3A_194 = tpu.memref_slice %arg3[%dma_wait3A_192, %dma_wait3A_193] : memref<1000000x64xf32, #tpu.memory_space<hbm>> -> memref<1000000x64xf32, #tpu.memory_space<hbm>>
    tpu.wait_indirect_dma semaphore(%arg10 : memref<!tpu.dma_semaphore, #tpu.memory_space<semaphore_mem>>) src(%dma_wait3A_194 : memref<1000000x64xf32, #tpu.memory_space<hbm>>) dst(%dma_wait3A_188 : memref<128x64xf32, #tpu.memory_space<vmem>>)
    %dma_wait3A_195 = arith.constant 3 : i32
    %dma_wait3A_196 = arith.constant 384 : i32
    %dma_wait3A_197 = arith.constant 0 : i32
    %dma_wait3A_198 = tpu.memref_slice %arg7[%dma_wait3A_196, %dma_wait3A_197] : memref<512x64xf32, #tpu.memory_space<vmem>> -> memref<128x64xf32, #tpu.memory_space<vmem>>
    %dma_wait3A_199 = arith.constant 0 : i32
    %dma_wait3A_200 = tpu.memref_slice %arg5[%dma_wait3A_195, %dma_wait3A_199] : memref<8x128xi32, #tpu.memory_space<vmem>> -> memref<1x128xi32, #tpu.memory_space<vmem>>
    %dma_wait3A_201 = tpu.memref_squeeze %dma_wait3A_200 : memref<1x128xi32, #tpu.memory_space<vmem>> -> memref<128xi32, #tpu.memory_space<vmem>>
    %dma_wait3A_202 = arith.constant 0 : i32
    %dma_wait3A_203 = arith.constant 0 : i32
    %dma_wait3A_204 = tpu.memref_slice %arg3[%dma_wait3A_202, %dma_wait3A_203] : memref<1000000x64xf32, #tpu.memory_space<hbm>> -> memref<1000000x64xf32, #tpu.memory_space<hbm>>
    tpu.wait_indirect_dma semaphore(%arg10 : memref<!tpu.dma_semaphore, #tpu.memory_space<semaphore_mem>>) src(%dma_wait3A_204 : memref<1000000x64xf32, #tpu.memory_space<hbm>>) dst(%dma_wait3A_198 : memref<128x64xf32, #tpu.memory_space<vmem>>)
    %dma_wait3A_205 = arith.constant 0 : i32
    %dma_wait3A_206 = arith.constant 0 : i32
    %dma_wait3A_207 = tpu.memref_slice %arg4[%dma_wait3A_205, %dma_wait3A_206] : memref<204800x128xf32, #tpu.memory_space<hbm>> -> memref<128x128xf32, #tpu.memory_space<hbm>>
    %dma_wait3A_208 = arith.constant 0 : i32
    %dma_wait3A_209 = arith.constant 0 : i32
    %dma_wait3A_210 = tpu.memref_slice %arg4[%dma_wait3A_208, %dma_wait3A_209] : memref<204800x128xf32, #tpu.memory_space<hbm>> -> memref<128x128xf32, #tpu.memory_space<hbm>>
    tpu.wait_dma2 semaphore(%arg11 : memref<!tpu.dma_semaphore, #tpu.memory_space<semaphore_mem>>) src(%arg9 : memref<128x128xf32, #tpu.memory_space<vmem>>) dst(%dma_wait3A_210 : memref<128x128xf32, #tpu.memory_space<hbm>>)
    %scan3A_211 = arith.constant 0 : i32
    %scan3A_212 = arith.constant 0 : i32
    %scan3A_213 = arith.constant 128 : i32
    %scan3A_214 = arith.addi %scan3A_212, %scan3A_213 : i32
    %scan3A_215 = arith.constant 2 : i32
    scf.for %scan3A_236 = %scan3A_212 to %scan3A_214 step %scan3A_215  : i32 {
      %mul3A_237 = arith.constant 4 : i32
      %mul3A_238 = arith.muli %scan3A_236, %mul3A_237 : i32
      %get3A = arith.index_cast %mul3A_238 : i32 to index
      %get3A_239 = arith.constant 0 : index
      %get3A_240 = tpu.vector_load %arg7[%get3A, %get3A_239] {strides = array<i32>} : memref<512x64xf32, #tpu.memory_space<vmem>>, vector<1x16xf32>,
      %get3A_241 = vector.shape_cast %get3A_240 : vector<1x16xf32> to vector<16xf32>
      %add3A_242 = arith.constant 1 : i32
      %add3A_243 = arith.addi %mul3A_238, %add3A_242 : i32
      %get3A_244 = arith.index_cast %add3A_243 : i32 to index
      %get3A_245 = arith.constant 0 : index
      %get3A_246 = tpu.vector_load %arg7[%get3A_244, %get3A_245] {strides = array<i32>} : memref<512x64xf32, #tpu.memory_space<vmem>>, vector<1x16xf32>,
      %get3A_247 = vector.shape_cast %get3A_246 : vector<1x16xf32> to vector<16xf32>
      %add3A_248 = arith.addf %get3A_241, %get3A_247 : vector<16xf32>
      %add3A_249 = arith.constant 2 : i32
      %add3A_250 = arith.addi %mul3A_238, %add3A_249 : i32
      %get3A_251 = arith.index_cast %add3A_250 : i32 to index
      %get3A_252 = arith.constant 0 : index
      %get3A_253 = tpu.vector_load %arg7[%get3A_251, %get3A_252] {strides = array<i32>} : memref<512x64xf32, #tpu.memory_space<vmem>>, vector<1x16xf32>,
      %get3A_254 = vector.shape_cast %get3A_253 : vector<1x16xf32> to vector<16xf32>
      %add3A_255 = arith.addf %add3A_248, %get3A_254 : vector<16xf32>
      %add3A_256 = arith.constant 3 : i32
      %add3A_257 = arith.addi %mul3A_238, %add3A_256 : i32
      %get3A_258 = arith.index_cast %add3A_257 : i32 to index
      %get3A_259 = arith.constant 0 : index
      %get3A_260 = tpu.vector_load %arg7[%get3A_258, %get3A_259] {strides = array<i32>} : memref<512x64xf32, #tpu.memory_space<vmem>>, vector<1x16xf32>,
      %get3A_261 = vector.shape_cast %get3A_260 : vector<1x16xf32> to vector<16xf32>
      %add3A_262 = arith.addf %add3A_255, %get3A_261 : vector<16xf32>
      %swap3A = arith.index_cast %scan3A_236 : i32 to index
      %swap3A_263 = arith.constant 0 : index
      %swap3A_264 = tpu.vector_load %arg9[%swap3A, %swap3A_263] {strides = array<i32>} : memref<128x128xf32, #tpu.memory_space<vmem>>, vector<1x16xf32>,
      %swap3A_265 = vector.shape_cast %swap3A_264 : vector<1x16xf32> to vector<16xf32>
      %swap3A_266 = vector.shape_cast %add3A_262 : vector<16xf32> to vector<1x16xf32>
      tpu.vector_store %arg9[%swap3A, %swap3A_263], %swap3A_266 {strides = array<i32>} : memref<128x128xf32, #tpu.memory_space<vmem>>, vector<1x16xf32>,
      %get3A_267 = arith.index_cast %mul3A_238 : i32 to index
      %get3A_268 = arith.constant 16 : index
      %get3A_269 = tpu.vector_load %arg7[%get3A_267, %get3A_268] {strides = array<i32>} : memref<512x64xf32, #tpu.memory_space<vmem>>, vector<1x16xf32>,
      %get3A_270 = vector.shape_cast %get3A_269 : vector<1x16xf32> to vector<16xf32>
      %add3A_271 = arith.constant 1 : i32
      %add3A_272 = arith.addi %mul3A_238, %add3A_271 : i32
      %get3A_273 = arith.index_cast %add3A_272 : i32 to index
      %get3A_274 = arith.constant 16 : index
      %get3A_275 = tpu.vector_load %arg7[%get3A_273, %get3A_274] {strides = array<i32>} : memref<512x64xf32, #tpu.memory_space<vmem>>, vector<1x16xf32>,
      %get3A_276 = vector.shape_cast %get3A_275 : vector<1x16xf32> to vector<16xf32>
      %add3A_277 = arith.addf %get3A_270, %get3A_276 : vector<16xf32>
      %add3A_278 = arith.constant 2 : i32
      %add3A_279 = arith.addi %mul3A_238, %add3A_278 : i32
      %get3A_280 = arith.index_cast %add3A_279 : i32 to index
      %get3A_281 = arith.constant 16 : index
      %get3A_282 = tpu.vector_load %arg7[%get3A_280, %get3A_281] {strides = array<i32>} : memref<512x64xf32, #tpu.memory_space<vmem>>, vector<1x16xf32>,
      %get3A_283 = vector.shape_cast %get3A_282 : vector<1x16xf32> to vector<16xf32>
      %add3A_284 = arith.addf %add3A_277, %get3A_283 : vector<16xf32>
      %add3A_285 = arith.constant 3 : i32
      %add3A_286 = arith.addi %mul3A_238, %add3A_285 : i32
      %get3A_287 = arith.index_cast %add3A_286 : i32 to index
      %get3A_288 = arith.constant 16 : index
      %get3A_289 = tpu.vector_load %arg7[%get3A_287, %get3A_288] {strides = array<i32>} : memref<512x64xf32, #tpu.memory_space<vmem>>, vector<1x16xf32>,
      %get3A_290 = vector.shape_cast %get3A_289 : vector<1x16xf32> to vector<16xf32>
      %add3A_291 = arith.addf %add3A_284, %get3A_290 : vector<16xf32>
      %swap3A_292 = arith.index_cast %scan3A_236 : i32 to index
      %swap3A_293 = arith.constant 16 : index
      %swap3A_294 = tpu.vector_load %arg9[%swap3A_292, %swap3A_293] {strides = array<i32>} : memref<128x128xf32, #tpu.memory_space<vmem>>, vector<1x16xf32>,
      %swap3A_295 = vector.shape_cast %swap3A_294 : vector<1x16xf32> to vector<16xf32>
      %swap3A_296 = vector.shape_cast %add3A_291 : vector<16xf32> to vector<1x16xf32>
      tpu.vector_store %arg9[%swap3A_292, %swap3A_293], %swap3A_296 {strides = array<i32>} : memref<128x128xf32, #tpu.memory_space<vmem>>, vector<1x16xf32>,
      %get3A_297 = arith.index_cast %mul3A_238 : i32 to index
      %get3A_298 = arith.constant 32 : index
      %get3A_299 = tpu.vector_load %arg7[%get3A_297, %get3A_298] {strides = array<i32>} : memref<512x64xf32, #tpu.memory_space<vmem>>, vector<1x16xf32>,
      %get3A_300 = vector.shape_cast %get3A_299 : vector<1x16xf32> to vector<16xf32>
      %add3A_301 = arith.constant 1 : i32
      %add3A_302 = arith.addi %mul3A_238, %add3A_301 : i32
      %get3A_303 = arith.index_cast %add3A_302 : i32 to index
      %get3A_304 = arith.constant 32 : index
      %get3A_305 = tpu.vector_load %arg7[%get3A_303, %get3A_304] {strides = array<i32>} : memref<512x64xf32, #tpu.memory_space<vmem>>, vector<1x16xf32>,
      %get3A_306 = vector.shape_cast %get3A_305 : vector<1x16xf32> to vector<16xf32>
      %add3A_307 = arith.addf %get3A_300, %get3A_306 : vector<16xf32>
      %add3A_308 = arith.constant 2 : i32
      %add3A_309 = arith.addi %mul3A_238, %add3A_308 : i32
      %get3A_310 = arith.index_cast %add3A_309 : i32 to index
      %get3A_311 = arith.constant 32 : index
      %get3A_312 = tpu.vector_load %arg7[%get3A_310, %get3A_311] {strides = array<i32>} : memref<512x64xf32, #tpu.memory_space<vmem>>, vector<1x16xf32>,
      %get3A_313 = vector.shape_cast %get3A_312 : vector<1x16xf32> to vector<16xf32>
      %add3A_314 = arith.addf %add3A_307, %get3A_313 : vector<16xf32>
      %add3A_315 = arith.constant 3 : i32
      %add3A_316 = arith.addi %mul3A_238, %add3A_315 : i32
      %get3A_317 = arith.index_cast %add3A_316 : i32 to index
      %get3A_318 = arith.constant 32 : index
      %get3A_319 = tpu.vector_load %arg7[%get3A_317, %get3A_318] {strides = array<i32>} : memref<512x64xf32, #tpu.memory_space<vmem>>, vector<1x16xf32>,
      %get3A_320 = vector.shape_cast %get3A_319 : vector<1x16xf32> to vector<16xf32>
      %add3A_321 = arith.addf %add3A_314, %get3A_320 : vector<16xf32>
      %swap3A_322 = arith.index_cast %scan3A_236 : i32 to index
      %swap3A_323 = arith.constant 32 : index
      %swap3A_324 = tpu.vector_load %arg9[%swap3A_322, %swap3A_323] {strides = array<i32>} : memref<128x128xf32, #tpu.memory_space<vmem>>, vector<1x16xf32>,
      %swap3A_325 = vector.shape_cast %swap3A_324 : vector<1x16xf32> to vector<16xf32>
      %swap3A_326 = vector.shape_cast %add3A_321 : vector<16xf32> to vector<1x16xf32>
      tpu.vector_store %arg9[%swap3A_322, %swap3A_323], %swap3A_326 {strides = array<i32>} : memref<128x128xf32, #tpu.memory_space<vmem>>, vector<1x16xf32>,
      %get3A_327 = arith.index_cast %mul3A_238 : i32 to index
      %get3A_328 = arith.constant 48 : index
      %get3A_329 = tpu.vector_load %arg7[%get3A_327, %get3A_328] {strides = array<i32>} : memref<512x64xf32, #tpu.memory_space<vmem>>, vector<1x16xf32>,
      %get3A_330 = vector.shape_cast %get3A_329 : vector<1x16xf32> to vector<16xf32>
      %add3A_331 = arith.constant 1 : i32
      %add3A_332 = arith.addi %mul3A_238, %add3A_331 : i32
      %get3A_333 = arith.index_cast %add3A_332 : i32 to index
      %get3A_334 = arith.constant 48 : index
      %get3A_335 = tpu.vector_load %arg7[%get3A_333, %get3A_334] {strides = array<i32>} : memref<512x64xf32, #tpu.memory_space<vmem>>, vector<1x16xf32>,
      %get3A_336 = vector.shape_cast %get3A_335 : vector<1x16xf32> to vector<16xf32>
      %add3A_337 = arith.addf %get3A_330, %get3A_336 : vector<16xf32>
      %add3A_338 = arith.constant 2 : i32
      %add3A_339 = arith.addi %mul3A_238, %add3A_338 : i32
      %get3A_340 = arith.index_cast %add3A_339 : i32 to index
      %get3A_341 = arith.constant 48 : index
      %get3A_342 = tpu.vector_load %arg7[%get3A_340, %get3A_341] {strides = array<i32>} : memref<512x64xf32, #tpu.memory_space<vmem>>, vector<1x16xf32>,
      %get3A_343 = vector.shape_cast %get3A_342 : vector<1x16xf32> to vector<16xf32>
      %add3A_344 = arith.addf %add3A_337, %get3A_343 : vector<16xf32>
      %add3A_345 = arith.constant 3 : i32
      %add3A_346 = arith.addi %mul3A_238, %add3A_345 : i32
      %get3A_347 = arith.index_cast %add3A_346 : i32 to index
      %get3A_348 = arith.constant 48 : index
      %get3A_349 = tpu.vector_load %arg7[%get3A_347, %get3A_348] {strides = array<i32>} : memref<512x64xf32, #tpu.memory_space<vmem>>, vector<1x16xf32>,
      %get3A_350 = vector.shape_cast %get3A_349 : vector<1x16xf32> to vector<16xf32>
      %add3A_351 = arith.addf %add3A_344, %get3A_350 : vector<16xf32>
      %swap3A_352 = arith.index_cast %scan3A_236 : i32 to index
      %swap3A_353 = arith.constant 48 : index
      %swap3A_354 = tpu.vector_load %arg9[%swap3A_352, %swap3A_353] {strides = array<i32>} : memref<128x128xf32, #tpu.memory_space<vmem>>, vector<1x16xf32>,
      %swap3A_355 = vector.shape_cast %swap3A_354 : vector<1x16xf32> to vector<16xf32>
      %swap3A_356 = vector.shape_cast %add3A_351 : vector<16xf32> to vector<1x16xf32>
      tpu.vector_store %arg9[%swap3A_352, %swap3A_353], %swap3A_356 {strides = array<i32>} : memref<128x128xf32, #tpu.memory_space<vmem>>, vector<1x16xf32>,
      %scan3A_357 = arith.constant 1 : i32
      %scan3A_358 = arith.addi %scan3A_236, %scan3A_357 : i32
      %mul3A_359 = arith.constant 4 : i32
      %mul3A_360 = arith.muli %scan3A_358, %mul3A_359 : i32
      %get3A_361 = arith.index_cast %mul3A_360 : i32 to index
      %get3A_362 = arith.constant 0 : index
      %get3A_363 = tpu.vector_load %arg7[%get3A_361, %get3A_362] {strides = array<i32>} : memref<512x64xf32, #tpu.memory_space<vmem>>, vector<1x16xf32>,
      %get3A_364 = vector.shape_cast %get3A_363 : vector<1x16xf32> to vector<16xf32>
      %add3A_365 = arith.constant 1 : i32
      %add3A_366 = arith.addi %mul3A_360, %add3A_365 : i32
      %get3A_367 = arith.index_cast %add3A_366 : i32 to index
      %get3A_368 = arith.constant 0 : index
      %get3A_369 = tpu.vector_load %arg7[%get3A_367, %get3A_368] {strides = array<i32>} : memref<512x64xf32, #tpu.memory_space<vmem>>, vector<1x16xf32>,
      %get3A_370 = vector.shape_cast %get3A_369 : vector<1x16xf32> to vector<16xf32>
      %add3A_371 = arith.addf %get3A_364, %get3A_370 : vector<16xf32>
      %add3A_372 = arith.constant 2 : i32
      %add3A_373 = arith.addi %mul3A_360, %add3A_372 : i32
      %get3A_374 = arith.index_cast %add3A_373 : i32 to index
      %get3A_375 = arith.constant 0 : index
      %get3A_376 = tpu.vector_load %arg7[%get3A_374, %get3A_375] {strides = array<i32>} : memref<512x64xf32, #tpu.memory_space<vmem>>, vector<1x16xf32>,
      %get3A_377 = vector.shape_cast %get3A_376 : vector<1x16xf32> to vector<16xf32>
      %add3A_378 = arith.addf %add3A_371, %get3A_377 : vector<16xf32>
      %add3A_379 = arith.constant 3 : i32
      %add3A_380 = arith.addi %mul3A_360, %add3A_379 : i32
      %get3A_381 = arith.index_cast %add3A_380 : i32 to index
      %get3A_382 = arith.constant 0 : index
      %get3A_383 = tpu.vector_load %arg7[%get3A_381, %get3A_382] {strides = array<i32>} : memref<512x64xf32, #tpu.memory_space<vmem>>, vector<1x16xf32>,
      %get3A_384 = vector.shape_cast %get3A_383 : vector<1x16xf32> to vector<16xf32>
      %add3A_385 = arith.addf %add3A_378, %get3A_384 : vector<16xf32>
      %swap3A_386 = arith.index_cast %scan3A_358 : i32 to index
      %swap3A_387 = arith.constant 0 : index
      %swap3A_388 = tpu.vector_load %arg9[%swap3A_386, %swap3A_387] {strides = array<i32>} : memref<128x128xf32, #tpu.memory_space<vmem>>, vector<1x16xf32>,
      %swap3A_389 = vector.shape_cast %swap3A_388 : vector<1x16xf32> to vector<16xf32>
      %swap3A_390 = vector.shape_cast %add3A_385 : vector<16xf32> to vector<1x16xf32>
      tpu.vector_store %arg9[%swap3A_386, %swap3A_387], %swap3A_390 {strides = array<i32>} : memref<128x128xf32, #tpu.memory_space<vmem>>, vector<1x16xf32>,
      %get3A_391 = arith.index_cast %mul3A_360 : i32 to index
      %get3A_392 = arith.constant 16 : index
      %get3A_393 = tpu.vector_load %arg7[%get3A_391, %get3A_392] {strides = array<i32>} : memref<512x64xf32, #tpu.memory_space<vmem>>, vector<1x16xf32>,
      %get3A_394 = vector.shape_cast %get3A_393 : vector<1x16xf32> to vector<16xf32>
      %add3A_395 = arith.constant 1 : i32
      %add3A_396 = arith.addi %mul3A_360, %add3A_395 : i32
      %get3A_397 = arith.index_cast %add3A_396 : i32 to index
      %get3A_398 = arith.constant 16 : index
      %get3A_399 = tpu.vector_load %arg7[%get3A_397, %get3A_398] {strides = array<i32>} : memref<512x64xf32, #tpu.memory_space<vmem>>, vector<1x16xf32>,
      %get3A_400 = vector.shape_cast %get3A_399 : vector<1x16xf32> to vector<16xf32>
      %add3A_401 = arith.addf %get3A_394, %get3A_400 : vector<16xf32>
      %add3A_402 = arith.constant 2 : i32
      %add3A_403 = arith.addi %mul3A_360, %add3A_402 : i32
      %get3A_404 = arith.index_cast %add3A_403 : i32 to index
      %get3A_405 = arith.constant 16 : index
      %get3A_406 = tpu.vector_load %arg7[%get3A_404, %get3A_405] {strides = array<i32>} : memref<512x64xf32, #tpu.memory_space<vmem>>, vector<1x16xf32>,
      %get3A_407 = vector.shape_cast %get3A_406 : vector<1x16xf32> to vector<16xf32>
      %add3A_408 = arith.addf %add3A_401, %get3A_407 : vector<16xf32>
      %add3A_409 = arith.constant 3 : i32
      %add3A_410 = arith.addi %mul3A_360, %add3A_409 : i32
      %get3A_411 = arith.index_cast %add3A_410 : i32 to index
      %get3A_412 = arith.constant 16 : index
      %get3A_413 = tpu.vector_load %arg7[%get3A_411, %get3A_412] {strides = array<i32>} : memref<512x64xf32, #tpu.memory_space<vmem>>, vector<1x16xf32>,
      %get3A_414 = vector.shape_cast %get3A_413 : vector<1x16xf32> to vector<16xf32>
      %add3A_415 = arith.addf %add3A_408, %get3A_414 : vector<16xf32>
      %swap3A_416 = arith.index_cast %scan3A_358 : i32 to index
      %swap3A_417 = arith.constant 16 : index
      %swap3A_418 = tpu.vector_load %arg9[%swap3A_416, %swap3A_417] {strides = array<i32>} : memref<128x128xf32, #tpu.memory_space<vmem>>, vector<1x16xf32>,
      %swap3A_419 = vector.shape_cast %swap3A_418 : vector<1x16xf32> to vector<16xf32>
      %swap3A_420 = vector.shape_cast %add3A_415 : vector<16xf32> to vector<1x16xf32>
      tpu.vector_store %arg9[%swap3A_416, %swap3A_417], %swap3A_420 {strides = array<i32>} : memref<128x128xf32, #tpu.memory_space<vmem>>, vector<1x16xf32>,
      %get3A_421 = arith.index_cast %mul3A_360 : i32 to index
      %get3A_422 = arith.constant 32 : index
      %get3A_423 = tpu.vector_load %arg7[%get3A_421, %get3A_422] {strides = array<i32>} : memref<512x64xf32, #tpu.memory_space<vmem>>, vector<1x16xf32>,
      %get3A_424 = vector.shape_cast %get3A_423 : vector<1x16xf32> to vector<16xf32>
      %add3A_425 = arith.constant 1 : i32
      %add3A_426 = arith.addi %mul3A_360, %add3A_425 : i32
      %get3A_427 = arith.index_cast %add3A_426 : i32 to index
      %get3A_428 = arith.constant 32 : index
      %get3A_429 = tpu.vector_load %arg7[%get3A_427, %get3A_428] {strides = array<i32>} : memref<512x64xf32, #tpu.memory_space<vmem>>, vector<1x16xf32>,
      %get3A_430 = vector.shape_cast %get3A_429 : vector<1x16xf32> to vector<16xf32>
      %add3A_431 = arith.addf %get3A_424, %get3A_430 : vector<16xf32>
      %add3A_432 = arith.constant 2 : i32
      %add3A_433 = arith.addi %mul3A_360, %add3A_432 : i32
      %get3A_434 = arith.index_cast %add3A_433 : i32 to index
      %get3A_435 = arith.constant 32 : index
      %get3A_436 = tpu.vector_load %arg7[%get3A_434, %get3A_435] {strides = array<i32>} : memref<512x64xf32, #tpu.memory_space<vmem>>, vector<1x16xf32>,
      %get3A_437 = vector.shape_cast %get3A_436 : vector<1x16xf32> to vector<16xf32>
      %add3A_438 = arith.addf %add3A_431, %get3A_437 : vector<16xf32>
      %add3A_439 = arith.constant 3 : i32
      %add3A_440 = arith.addi %mul3A_360, %add3A_439 : i32
      %get3A_441 = arith.index_cast %add3A_440 : i32 to index
      %get3A_442 = arith.constant 32 : index
      %get3A_443 = tpu.vector_load %arg7[%get3A_441, %get3A_442] {strides = array<i32>} : memref<512x64xf32, #tpu.memory_space<vmem>>, vector<1x16xf32>,
      %get3A_444 = vector.shape_cast %get3A_443 : vector<1x16xf32> to vector<16xf32>
      %add3A_445 = arith.addf %add3A_438, %get3A_444 : vector<16xf32>
      %swap3A_446 = arith.index_cast %scan3A_358 : i32 to index
      %swap3A_447 = arith.constant 32 : index
      %swap3A_448 = tpu.vector_load %arg9[%swap3A_446, %swap3A_447] {strides = array<i32>} : memref<128x128xf32, #tpu.memory_space<vmem>>, vector<1x16xf32>,
      %swap3A_449 = vector.shape_cast %swap3A_448 : vector<1x16xf32> to vector<16xf32>
      %swap3A_450 = vector.shape_cast %add3A_445 : vector<16xf32> to vector<1x16xf32>
      tpu.vector_store %arg9[%swap3A_446, %swap3A_447], %swap3A_450 {strides = array<i32>} : memref<128x128xf32, #tpu.memory_space<vmem>>, vector<1x16xf32>,
      %get3A_451 = arith.index_cast %mul3A_360 : i32 to index
      %get3A_452 = arith.constant 48 : index
      %get3A_453 = tpu.vector_load %arg7[%get3A_451, %get3A_452] {strides = array<i32>} : memref<512x64xf32, #tpu.memory_space<vmem>>, vector<1x16xf32>,
      %get3A_454 = vector.shape_cast %get3A_453 : vector<1x16xf32> to vector<16xf32>
      %add3A_455 = arith.constant 1 : i32
      %add3A_456 = arith.addi %mul3A_360, %add3A_455 : i32
      %get3A_457 = arith.index_cast %add3A_456 : i32 to index
      %get3A_458 = arith.constant 48 : index
      %get3A_459 = tpu.vector_load %arg7[%get3A_457, %get3A_458] {strides = array<i32>} : memref<512x64xf32, #tpu.memory_space<vmem>>, vector<1x16xf32>,
      %get3A_460 = vector.shape_cast %get3A_459 : vector<1x16xf32> to vector<16xf32>
      %add3A_461 = arith.addf %get3A_454, %get3A_460 : vector<16xf32>
      %add3A_462 = arith.constant 2 : i32
      %add3A_463 = arith.addi %mul3A_360, %add3A_462 : i32
      %get3A_464 = arith.index_cast %add3A_463 : i32 to index
      %get3A_465 = arith.constant 48 : index
      %get3A_466 = tpu.vector_load %arg7[%get3A_464, %get3A_465] {strides = array<i32>} : memref<512x64xf32, #tpu.memory_space<vmem>>, vector<1x16xf32>,
      %get3A_467 = vector.shape_cast %get3A_466 : vector<1x16xf32> to vector<16xf32>
      %add3A_468 = arith.addf %add3A_461, %get3A_467 : vector<16xf32>
      %add3A_469 = arith.constant 3 : i32
      %add3A_470 = arith.addi %mul3A_360, %add3A_469 : i32
      %get3A_471 = arith.index_cast %add3A_470 : i32 to index
      %get3A_472 = arith.constant 48 : index
      %get3A_473 = tpu.vector_load %arg7[%get3A_471, %get3A_472] {strides = array<i32>} : memref<512x64xf32, #tpu.memory_space<vmem>>, vector<1x16xf32>,
      %get3A_474 = vector.shape_cast %get3A_473 : vector<1x16xf32> to vector<16xf32>
      %add3A_475 = arith.addf %add3A_468, %get3A_474 : vector<16xf32>
      %swap3A_476 = arith.index_cast %scan3A_358 : i32 to index
      %swap3A_477 = arith.constant 48 : index
      %swap3A_478 = tpu.vector_load %arg9[%swap3A_476, %swap3A_477] {strides = array<i32>} : memref<128x128xf32, #tpu.memory_space<vmem>>, vector<1x16xf32>,
      %swap3A_479 = vector.shape_cast %swap3A_478 : vector<1x16xf32> to vector<16xf32>
      %swap3A_480 = vector.shape_cast %add3A_475 : vector<16xf32> to vector<1x16xf32>
      tpu.vector_store %arg9[%swap3A_476, %swap3A_477], %swap3A_480 {strides = array<i32>} : memref<128x128xf32, #tpu.memory_space<vmem>>, vector<1x16xf32>,
    }
    %scan3A_216 = arith.constant 128 : i32
    %add3A_217 = arith.constant 6272 : i32
    %add3A_218 = arith.addi %mul3A_2, %add3A_217 : i32
    %multiple_of3A_219 = tpu.assume_multiple %add3A_218, 128 : i32
    %dma_start3A_220 = arith.constant 0 : i32
    %dma_start3A_221 = tpu.memref_slice %arg4[%multiple_of3A_219, %dma_start3A_220] : memref<204800x128xf32, #tpu.memory_space<hbm>> -> memref<128x128xf32, #tpu.memory_space<hbm>>
    %dma_start3A_222 = arith.constant 0 : i32
    %dma_start3A_223 = tpu.memref_slice %arg4[%multiple_of3A_219, %dma_start3A_222] : memref<204800x128xf32, #tpu.memory_space<hbm>> -> memref<128x128xf32, #tpu.memory_space<hbm>>
    tpu.enqueue_dma source(%arg9 : memref<128x128xf32, #tpu.memory_space<vmem>>) target(%dma_start3A_223 : memref<128x128xf32, #tpu.memory_space<hbm>>) target_semaphore(%arg11 : memref<!tpu.dma_semaphore, #tpu.memory_space<semaphore_mem>>)
    %dma_wait3A_224 = arith.constant 0 : i32
    %dma_wait3A_225 = arith.constant 0 : i32
    %dma_wait3A_226 = tpu.memref_slice %arg4[%dma_wait3A_224, %dma_wait3A_225] : memref<204800x128xf32, #tpu.memory_space<hbm>> -> memref<128x128xf32, #tpu.memory_space<hbm>>
    %dma_wait3A_227 = arith.constant 0 : i32
    %dma_wait3A_228 = arith.constant 0 : i32
    %dma_wait3A_229 = tpu.memref_slice %arg4[%dma_wait3A_227, %dma_wait3A_228] : memref<204800x128xf32, #tpu.memory_space<hbm>> -> memref<128x128xf32, #tpu.memory_space<hbm>>
    tpu.wait_dma2 semaphore(%arg11 : memref<!tpu.dma_semaphore, #tpu.memory_space<semaphore_mem>>) src(%arg8 : memref<128x128xf32, #tpu.memory_space<vmem>>) dst(%dma_wait3A_229 : memref<128x128xf32, #tpu.memory_space<hbm>>)
    %dma_wait3A_230 = arith.constant 0 : i32
    %dma_wait3A_231 = arith.constant 0 : i32
    %dma_wait3A_232 = tpu.memref_slice %arg4[%dma_wait3A_230, %dma_wait3A_231] : memref<204800x128xf32, #tpu.memory_space<hbm>> -> memref<128x128xf32, #tpu.memory_space<hbm>>
    %dma_wait3A_233 = arith.constant 0 : i32
    %dma_wait3A_234 = arith.constant 0 : i32
    %dma_wait3A_235 = tpu.memref_slice %arg4[%dma_wait3A_233, %dma_wait3A_234] : memref<204800x128xf32, #tpu.memory_space<hbm>> -> memref<128x128xf32, #tpu.memory_space<hbm>>
    tpu.wait_dma2 semaphore(%arg11 : memref<!tpu.dma_semaphore, #tpu.memory_space<semaphore_mem>>) src(%arg9 : memref<128x128xf32, #tpu.memory_space<vmem>>) dst(%dma_wait3A_235 : memref<128x128xf32, #tpu.memory_space<hbm>>)
    return
  }
}

</mosaic_0001>

<sc_bundles>
// kernel: kernel.3.cloned.1.call-start
scs
__scs_entry_jumppad:
0x0: {  	(pc) =	sbr.rel $0x88, $3  }
0x1: {  	(tag) =	ssettag $0x0;
	lr =	simm.s32 $0x1  }
0x2: {  	[smem:$0x3F9F] =	sst lr;
	_ =	strace $0xD0000000  }
0x3: {  	_ = 	snop  }
0x4: {  	_ = 	snop  }
0x5: {  	_ = 	snop  }
0x6: {  	_ = 	snop  }
0x7: {  	_ = 	snop  }
__scs_overlays_trampoline_lowered:
0x8: {  	[smem:$0x3FAE] =	sst s0  }
0x9: {  	[smem:$0x3FAF] =	sst s1  }
0xa: {  	[smem:$0x3FB0] =	sst s2  }
0xb: {  	[smem:$0x3FB1] =	sst s3  }
0xc: {  	[smem:$0x3FB2] =	sst s4  }
0xd: {  	[smem:$0x3FB3] =	sst s5  }
0xe: {  	[smem:$0x3FB4] =	sst s6  }
0xf: {  	[smem:$0x3FB5] =	sst s7  }
0x10: {  	[smem:$0x3FB6] =	sst s8  }
0x11: {  	[smem:$0x3FB7] =	sst s9;
	s0 =	simm.s32 @!p0 $0x0  }
0x12: {  	s1 =	sld [smem:$0x3F9D];
	s0 =	simm.s32 @p0 $0x1  }
0x13: {  	[smem:$0x3FB8] =	sst s0;
	s0 =	simm.s32 @!p1 $0x0  }
0x14: {  	s2 =	sld [smem:$0x3F9C];
	s0 =	simm.s32 @p1 $0x1  }
0x15: {  	[smem:$0x3FB9] =	sst s0;
	s0 =	simm.s32 @!p2 $0x0  }
0x16: {  	s3 =	sld [smem:$0x3FDB];
	s0 =	simm.s32 @p2 $0x1  }
0x17: {  	s4 =	simm.s32 $0x1BF5;
	[smem:$0x3FBB] =	sst s0  }
0x18: {  	s0 =	sld [smem:$0x3F9E];
	_ =	swait.ge [sflag:s4], $0x0  }
0x19: {  	s7 =	sld [smem:$0x3F9F]  }
0x1a: {  	s8 =	sadd.s32 $0xFFFFE003, lr  }
0x1b: {  	s9 =	sadd.s32 $0xFFFFFEF7, lr;
	s5 =	simm.s32 $0xFFFFFFFF;
	p2 =	slt.u32 s8, $0xFFFFF086  }
0x1c: {  	p1 =	slt.u32 s9, $0xF7A;
	s5 =	simm.s32 @!p2 $0x0  }
0x1d: {  	s5 =	simm.s32 @p1 $0x1;
	p0 =	seq.s32 s7, s2  }
0x1e: {  	s7 =	smul.u32 @!p0 $0xF7A, s2;
	p2 =	seq.s32 @!p0 s5, $0x0  }
0x1f: {  	s9 =	smul.u32 $0xF7A, s1;
	s8 =	simm.s32 @!p0 $0x1BF5;
	p2 =	por !p2, p0  }
0x20: {  	[sflag:s8] =	ssyncset.s32 @!p0 $0xFFFFF086;
	s6 =	sadd.s32 @!p0 s3, s7;
	s7 =	simm.s32 @!p0 $0x108  }
0x21: {  	s3 =	sadd.s32 s3, s9;
	s6 =	sadd.s32 @!p0 $0x88, s6;
	s7 =	simm.s32 @p2 $0x1082  }
0x22: {  	[simem:s7], [sflag:s8] =	dma.local @!p0 [hbm:s6], $0xF7A  }
0x23: {  	s9 =	sor.u32 $0xD0000000, s2;
	s6 =	simm.s32 $0x108;
	_ =	swait.ge @!p0 [sflag:s8], $0x0  }
0x24: {  	s3 =	sadd.s32 $0x88, s3;
	s6 =	simm.s32 @!p1 $0x1082;
	[sflag:s4] =	ssyncset.s32 $0xFFFFF086  }
0x25: {  	[simem:s6], [sflag:s4] =	dma.local [hbm:s3], $0xF7A  }
0x26: {  	[smem:$0x3F9F] =	sst s1;
	(tag) =	ssettag s2;
	_ =	strace s9  }
0x27: {  	s1 =	sld [smem:$0x3FAF]  }
0x28: {  	s2 =	sld [smem:$0x3FB0]  }
0x29: {  	s4 =	sld [smem:$0x3FB2]  }
0x2a: {  	p0 =	seq.s32 s5, $0x0;
	s5 =	sld [smem:$0x3FB3]  }
0x2b: {  	s6 =	sld [smem:$0x3FB4]  }
0x2c: {  	s7 =	sld [smem:$0x3FB5]  }
0x2d: {  	s3 =	simm.s32 $0x108;
	s8 =	sld [smem:$0x3FB6]  }
0x2e: {  	s3 =	simm.s32 @!p0 $0x1082;
	s9 =	sld [smem:$0x3FB7]  }
0x2f: {  	lr =	sadd.s32 s0, s3;
	s0 =	sld [smem:$0x3FAE]  }
0x30: {  	s3 =	sld [smem:$0x3FB1]  }
0x31: {  	[smem:$0x3FBA] =	sst s10  }
0x32: {  	s10 =	sld [smem:$0x3FB8];
	_ =	sdelay $0x3  }
0x33: {  	p0 =	seq.s32 s10, $0x1;
	s10 =	sld [smem:$0x3FBA];
	_ =	sdelay $0x3  }
0x34: {  	[smem:$0x3FBA] =	sst s10  }
0x35: {  	s10 =	sld [smem:$0x3FB9];
	_ =	sdelay $0x3  }
0x36: {  	p1 =	seq.s32 s10, $0x1;
	s10 =	sld [smem:$0x3FBA];
	_ =	sdelay $0x3  }
0x37: {  	[smem:$0x3FBA] =	sst s10  }
0x38: {  	s10 =	sld [smem:$0x3FBB]  }
0x39: {  	_ = 	snop;
	(pc) =	sbr.ind lr, $3  }
0x3a: {  	_ = 	snop  }
0x3b: {  	_ = 	snop  }
0x3c: {  	p2 =	seq.s32 s10, $0x1;
	s10 =	sld [smem:$0x3FBA]  }
0x3d: {  	_ =	shalt  }
0x3e: {  	_ =	shalt  }
0x3f: {  	_ =	shalt  }
0x40: {  	_ =	shalt  }
0x41: {  	_ =	shalt  }
0x42: {  	_ =	shalt  }
0x43: {  	_ =	shalt  }
0x44: {  	_ =	shalt  }
0x45: {  	_ =	shalt  }
0x46: {  	_ =	shalt  }
0x47: {  	_ =	shalt  }
0x48: {  	_ =	shalt  }
0x49: {  	_ =	shalt  }
0x4a: {  	_ =	shalt  }
0x4b: {  	_ =	shalt  }
0x4c: {  	_ =	shalt  }
0x4d: {  	_ =	shalt  }
0x4e: {  	_ =	shalt  }
0x4f: {  	_ =	shalt  }
0x50: {  	_ =	shalt  }
0x51: {  	_ =	shalt  }
0x52: {  	_ =	shalt  }
0x53: {  	_ =	shalt  }
0x54: {  	_ =	shalt  }
0x55: {  	_ =	shalt  }
0x56: {  	_ =	shalt  }
0x57: {  	_ =	shalt  }
0x58: {  	_ =	shalt  }
0x59: {  	_ =	shalt  }
0x5a: {  	_ =	shalt  }
0x5b: {  	_ =	shalt  }
0x5c: {  	_ =	shalt  }
0x5d: {  	_ =	shalt  }
0x5e: {  	_ =	shalt  }
0x5f: {  	_ =	shalt  }
0x60: {  	_ =	shalt  }
0x61: {  	_ =	shalt  }
0x62: {  	_ =	shalt  }
0x63: {  	_ =	shalt  }
0x64: {  	_ =	shalt  }
0x65: {  	_ =	shalt  }
0x66: {  	_ =	shalt  }
0x67: {  	_ =	shalt  }
0x68: {  	_ =	shalt  }
0x69: {  	_ =	shalt  }
0x6a: {  	_ =	shalt  }
0x6b: {  	_ =	shalt  }
0x6c: {  	_ =	shalt  }
0x6d: {  	_ =	shalt  }
0x6e: {  	_ =	shalt  }
0x6f: {  	_ =	shalt  }
0x70: {  	_ =	shalt  }
0x71: {  	_ =	shalt  }
0x72: {  	_ =	shalt  }
0x73: {  	_ =	shalt  }
0x74: {  	_ =	shalt  }
0x75: {  	_ =	shalt  }
0x76: {  	_ =	shalt  }
0x77: {  	_ =	shalt  }
0x78: {  	_ =	shalt  }
0x79: {  	_ =	shalt  }
0x7a: {  	_ =	shalt  }
0x7b: {  	_ =	shalt  }
0x7c: {  	_ =	shalt  }
0x7d: {  	_ =	shalt  }
0x7e: {  	_ =	shalt  }
0x7f: {  	_ =	shalt  }
0x80: {  	_ =	shalt  }
0x81: {  	_ =	shalt  }
0x82: {  	_ =	shalt  }
0x83: {  	_ =	shalt  }
0x84: {  	_ =	shalt  }
0x85: {  	_ =	shalt  }
0x86: {  	_ =	shalt  }
0x87: {  	_ =	shalt  }
.Lfunc_end0:
.L_simem_size_0:
called_computation.1_lowered:
.L_overlay_start_0:
0x88: {  	s2 =	sld [smem:$0x3FD9]  }
0x89: {  	s3 =	sld [smem:$0x3FFE];
	_ =	sdelay $0x1  }
0x8a: {  	s1 =	srdreg.scid  }
0x8b: {  	s0 =	sand.u32 $0x1, s1  }
0x8c: {  	s17 =	sshll.u32 s0, $0xA;
	s2 =	sadd.s32 s3, s2  }
0x8d: {  	s2 =	sadd.s32 s2, s17  }
0x8e: {  	[smem:$0x3FC6] =	sst s2  }
0x8f: {  	_ = 	snop  }
0x90: {  	s2 =	sld [smem:$0x3FD0];
	(tm) =	ssettm $0x1  }
0x91: {  	s18 =	sld [smem:$0x3FFB];
	_ =	sdelay $0x3  }
0x92: {  	_ =	strace s18  }
0x93: {  	s3 =	sld [smem:$0x3FFC];
	_ =	sdelay $0x3  }
0x94: {  	_ =	strace s3  }
0x95: {  	s3 =	sld [smem:$0x3FFD];
	_ =	sdelay $0x3  }
0x96: {  	_ =	strace s3  }
0x97: {  	_ =	strace $0x8FFFFFFF  }
0x98: {  	s19 =	sld [smem:$0x3FDB];
	_ =	sdelay $0x1  }
0x99: {  	s4 =	simm.s32 $_scs_section_size  }
0x9a: {  	s5 =	simm.s32 $_size__tile_overlayer_lowered;
	s6 =	simm.s32 $_tile_overlayer_lowered  }
0x9b: {  	s22 =	simm.s32 $0x1BFF;
	s21 =	sshll.u32 s6, $0x1;
	s3 =	sadd.s32 s4, s19  }
0x9c: {  	s7 =	simm.s32 $0x0;
	s20 =	sshll.u32 s5, $0x1;
	s5 =	sadd.s32 s21, s3  }
0x9d: {  	[timem:s7], [sflag:s22] =	dma.local [hbm:s5], s20  }
0x9e: {  	_ =	swait.ge [sflag:s22], s20  }
0x9f: {  	s4 =	ssub.s32 $0x0, s20;
	[sflag:s22] =	ssyncset.done $0x0  }
0xa0: {  	[sflag:s22] =	ssyncadd.s32 s4;
	_ =	sdelay $0x1  }
0xa1: {  	s23 =	simm.s32 $0x1B8B  }
0xa2: {  	_ =	swait.ge [sflag:s23], $0x1  }
0xa3: {  	[sflag:s23] =	ssyncset.done $0x0  }
0xa4: {  	s25 =	simm.s32 $0x1B8E;
	s24 =	sld [smem:$0x3FFE];
	[sflag:s23] =	ssyncadd.s32 $0xFFFFFFFF  }
0xa5: {  	s26 =	simm.s32 $execute0_lowered;
	[smem:$0x3FD2] =	sst s25  }
0xa6: {  	s5 =	sshll.u32 s26, $0x1;
	_ =	strace $0x80000046;
	[dreg:$0x1] =	wrdreg $0xFFFFFFFF  }
0xa7: {  	s28 =	simm.s32 $_size_execute0_lowered;
	s3 =	sadd.s32 s3, s5;
	[dreg:$0x0] =	wrdreg $0x0  }
0xa8: {  	s5 =	sshll.u32 s28, $0x1;
	[dreg:$0x2] =	wrdreg s3  }
0xa9: {  	[dreg:$0x3] =	wrdreg s5  }
0xaa: {  	[dreg:$0x4] =	wrdreg $0xC0  }
0xab: {  	_ =	task [dreg:s7], $0x5FFFF  }
0xac: {  	[dreg:$0x1] =	wrdreg $0xFFFFFFFF  }
0xad: {  	[dreg:$0x0] =	wrdreg $0x60  }
0xae: {  	[dreg:$0x2] =	wrdreg s2  }
0xaf: {  	[dreg:$0x3] =	wrdreg s24  }
0xb0: {  	[dreg:$0x4] =	wrdreg $0x9  }
0xb1: {  	_ =	task.clear_ibuf [dreg:s7], $0x5FFFF;
	_ =	strace $0x90000046  }
0xb2: {  	s29 =	simm.s32 $0x9;
	_ =	strace $0x80000048  }
0xb3: {  	_ =	swait.ge [sflag:s29], $0x1  }
0xb4: {  	[sflag:s29] =	ssyncadd.s32 $0xFFFFFFFF  }
0xb5: {  	_ =	strace $0x90000048  }
0xb6: {  	_ =	sfence  }
0xb7: {  	s30 =	sld [smem:$0x0];
	_ =	sdelay $0x2  }
0xb8: {  	s31 =	sshll.u32 s1, $0xD;
	s1 =	sshrl.u32 s1, $0x2  }
0xb9: {  	s3 =	sand.u32 $0x4000, s31;
	s1 =	sadd.s32 s1, s30  }
0xba: {  	s0 =	sor.u32 s3, s0;
	s1 =	sshll.u32 s1, $0x11  }
0xbb: {  	s0 =	sor.u32 s1, s0  }
0xbc: {  	s0 =	sadd.s32 $0x8F2B, s0  }
0xbd: {  	[sflag:s0] =	ssyncadd.remote.s32 $0x1  }
0xbe: {  	_ =	sfence.sel $0xFFFF  }
0xbf: {  	[dreg:$0x0] =	wrdreg $0xFFFFFFFF;
	(pc) =	sbr.abs _section_cstart, $3  }
0xc0: {  	[dreg:$0x1] =	wrdreg $0xFFFFFFFF  }
0xc1: {  	_ =	task.clear_ibuf [dreg:s7], $0x2FFFF;
	_ =	strace $0x9FFFFFFF  }
0xc2: {  	(tm) =	ssettm $0x7FFFFFFF  }
0xc3: {  	_ =	shalt  }
tec
execute0_lowered:
.L_overlay_start_1:
0x0: {  	(tag) =	ssettag $0x1  }
0x1: {  	s9 =	rddreg [dreg:$0x0]  }
0x2: {  	s0 =	rddreg [dreg:$0x1];
	s3 =	simm.s32 $0x0  }
0x3: {  	s1 =	srdreg.scid;
	s2 =	stileid.u32;
	s13 =	simm.s32 $0x3  }
0x4: {  	s14 =	simm.s32 $0x80;
	s15 =	simm.s32 $0x400;
	s16 =	simm.s32 $0x2400  }
0x5: {  	s17 =	simm.s32 $0x100;
	s18 =	simm.s32 $0x4400;
	s19 =	simm.s32 $0x180  }
0x6: {  	s20 =	simm.s32 $0x6400;
	s21 =	simm.s32 $0x200;
	s28 =	simm.s32 $0x380  }
0x7: {  	s29 =	simm.s32 $0xE400;
	s1 =	sand.u32 $0x1, s1;
	s2 =	sshll.u32 s2, $0x1  }
0x8: {  	s30 =	simm.s32 $0x1;
	s31 =	simm.s32 $0x10400;
	s2 =	sor.u32 s1, s2  }
0x9: {  	[smem:$0x7FF] =	sst s3;
	s4 =	sadd.s32 $0xF42E00, s0;
	s5 =	smul.u32 $0xC8000, s2  }
0xa: {  	s6 =	sadd.s32 $0xA00, s0;
	s22 =	ssub.s32 $0x2, s1;
	s7 =	smul.u32 $0x6400, s2  }
0xb: {  	_ =	strace $0x80000047;
	s1 =	sshrl.u32 s22, $0x1;
	s2 =	smul.u32 $0x19000, s2  }
0xc: {  	s0 =	ssub.s32 s22, s1;
	s22 =	simm.s32 $0x8400;
	s8 =	sshrl.u32 s5, $0x3  }
0xd: {  	s23 =	sshrl.u32 s7, $0x3;
	s25 =	sadd.s32 s2, s6;
	s0 =	smax.u32 s0, $0x1  }
0xe: {  	s2 =	simm.s32 $0x0;
	s8 =	sadd.s32 s6, s8;
	s1 =	sadd.s32 s9, s23  }
0xf: {  	[dreg:$0x6] =	wrdreg s0;
	s12 =	sadd.s32 $0x800, s25;
	s23 =	simm.s32 $0x280  }
0x10: {  	s25 =	simm.s32 $0x300;
	[dreg:$0x3] =	wrdreg s1;
	s24 =	sadd.s32 $0x18000, s8  }
0x11: {  	s0 =	simm.s32 $0x14400;
	s26 =	sadd.s32 $0x18800, s8;
	[dreg:$0x4] =	wrdreg s24  }
0x12: {  	[dreg:$0x5] =	wrdreg s26;
	s24 =	simm.s32 $0xA400;
	s26 =	simm.s32 $0xC400  }
.LBB2_1:
0x13: {  	[dreg:$0x7] =	wrdreg s2  }
0x14: {  	s1 =	rddreg [dreg:$0x3]  }
0x15: {  	[tilespmem:s3], [sflag:$0x3] =	stream.linear.gather [hbm4b:s1+s3], $0x400, $0x38;
	[tilespmem:$0x18400] =	vst v63  }
0x16: {  	_ =	swait.ge [sflag:s13], $0x400  }
0x17: {  	[sflag:s13] =	ssyncset.done $0x0  }
0x18: {  	[sflag:s13] =	ssyncadd.s32 $0xFFFFFC00  }
0x19: {  	[tilespmem:s15], [sflag:$0x1] =	stream.indirect.gather [hbm4b:s4+s14], $0x40, s3, s14, $0xb8;
	[tilespmem:$0x18400] =	vst v63  }
0x1a: {  	_ = 	snop  }
0x1b: {  	[tilespmem:s16], [sflag:$0x1] =	stream.indirect.gather [hbm4b:s4+s14], $0x40, s14, s14, $0xb8;
	[tilespmem:$0x18400] =	vst v63  }
0x1c: {  	_ = 	snop  }
0x1d: {  	[tilespmem:s18], [sflag:$0x1] =	stream.indirect.gather [hbm4b:s4+s14], $0x40, s17, s14, $0xb8;
	[tilespmem:$0x18400] =	vst v63  }
0x1e: {  	s10 =	simm.s32 $0x0  }
0x1f: {  	[tilespmem:s20], [sflag:$0x1] =	stream.indirect.gather [hbm4b:s4+s14], $0x40, s19, s14, $0xb8;
	[tilespmem:$0x18400] =	vst v63  }
.LBB2_2:
0x20: {  	[tilespmem:s22], [sflag:$0x1] =	stream.indirect.gather [hbm4b:s4+s14], $0x40, s21, s14, $0xb8;
	[tilespmem:$0x18400] =	vst v63  }
0x21: {  	_ = 	snop  }
0x22: {  	[tilespmem:s24], [sflag:$0x1] =	stream.indirect.gather [hbm4b:s4+s14], $0x40, s23, s14, $0xb8;
	[tilespmem:$0x18400] =	vst v63  }
0x23: {  	_ = 	snop  }
0x24: {  	[tilespmem:s26], [sflag:$0x1] =	stream.indirect.gather [hbm4b:s4+s14], $0x40, s25, s14, $0xb8;
	[tilespmem:$0x18400] =	vst v63  }
0x25: {  	_ = 	snop  }
0x26: {  	[tilespmem:s29], [sflag:$0x1] =	stream.indirect.gather [hbm4b:s4+s14], $0x40, s28, s14, $0xb8;
	[tilespmem:$0x18400] =	vst v63  }
0x27: {  	_ =	swait.ge [sflag:s30], $0x2000  }
0x28: {  	[sflag:s30] =	ssyncset.done $0x0  }
0x29: {  	[sflag:s30] =	ssyncadd.s32 $0xFFFFE000  }
0x2a: {  	_ =	swait.ge [sflag:s30], $0x2000  }
0x2b: {  	[sflag:s30] =	ssyncset.done $0x0  }
0x2c: {  	[sflag:s30] =	ssyncadd.s32 $0xFFFFE000  }
0x2d: {  	_ =	swait.ge [sflag:s30], $0x2000  }
0x2e: {  	[sflag:s30] =	ssyncset.done $0x0  }
0x2f: {  	[sflag:s30] =	ssyncadd.s32 $0xFFFFE000  }
0x30: {  	_ =	swait.ge [sflag:s30], $0x2000  }
0x31: {  	p0 =	seq.s32 s10, $0x0;
	[sflag:s30] =	ssyncset.done $0x0  }
0x32: {  	s1 =	simm.s32 @!p0 $0x2;
	[sflag:s30] =	ssyncadd.s32 $0xFFFFE000  }
0x33: {  	_ =	swait.ge @!p0 [sflag:s1], $0x4000  }
0x34: {  	[sflag:s1] =	ssyncset.done @!p0 $0x0  }
0x35: {  	s9 =	simm.s32 $0x500;
	[sflag:s1] =	ssyncadd.s32 @!p0 $0xFFFFC000  }
0x36: {  	v0 =	vld [tilespmem:s9+$0xFFFFFF40]  }
0x37: {  	v1 =	vld [tilespmem:s9+$0xFFFFFF00];
	_ =	sdelay $0x1  }
0x38: {  	v2 =	vld [tilespmem:s9+$0xFFFFFF80];
	_ =	sdelay $0x1  }
0x39: {  	v3 =	vld [tilespmem:s9+$0xFFFFFFC0]  }
0x3a: {  	v0 =	vadd.f32 v0, v1;
	_ =	sdelay $0x1  }
0x3b: {  	v0 =	vadd.f32 v2, v0;
	_ =	sdelay $0x1  }
0x3c: {  	v0 =	vadd.f32 v3, v0  }
0x3d: {  	s11 =	simm.s32 $0x10480  }
0x3e: {  	[tilespmem:s11+$0xFFFFFF80] =	vst v0  }
0x3f: {  	v0 =	vld [tilespmem:s9+$0xFFFFFF10]  }
0x40: {  	v1 =	vld [tilespmem:s9+$0xFFFFFF50];
	_ =	sdelay $0x1  }
0x41: {  	v2 =	vld [tilespmem:s9+$0xFFFFFF90];
	_ =	sdelay $0x1  }
0x42: {  	v3 =	vld [tilespmem:s9+$0xFFFFFFD0]  }
0x43: {  	v0 =	vadd.f32 v1, v0;
	_ =	sdelay $0x1  }
0x44: {  	v0 =	vadd.f32 v2, v0;
	_ =	sdelay $0x1  }
0x45: {  	v0 =	vadd.f32 v3, v0;
	_ =	sdelay $0x1  }
0x46: {  	[tilespmem:s11+$0xFFFFFF90] =	vst v0  }
0x47: {  	v0 =	vld [tilespmem:s9+$0xFFFFFF20]  }
0x48: {  	v1 =	vld [tilespmem:s9+$0xFFFFFF60];
	_ =	sdelay $0x1  }
0x49: {  	v2 =	vld [tilespmem:s9+$0xFFFFFFA0];
	_ =	sdelay $0x1  }
0x4a: {  	v3 =	vld [tilespmem:s9+$0xFFFFFFE0]  }
0x4b: {  	v0 =	vadd.f32 v1, v0;
	_ =	sdelay $0x1  }
0x4c: {  	v0 =	vadd.f32 v2, v0;
	_ =	sdelay $0x1  }
0x4d: {  	v0 =	vadd.f32 v3, v0;
	_ =	sdelay $0x1  }
0x4e: {  	[tilespmem:s11+$0xFFFFFFA0] =	vst v0  }
0x4f: {  	v0 =	vld [tilespmem:s9+$0xFFFFFF30]  }
0x50: {  	v1 =	vld [tilespmem:s9+$0xFFFFFF70];
	_ =	sdelay $0x1  }
0x51: {  	v2 =	vld [tilespmem:s9+$0xFFFFFFB0];
	_ =	sdelay $0x1  }
0x52: {  	v3 =	vld [tilespmem:s9+$0xFFFFFFF0]  }
0x53: {  	v0 =	vadd.f32 v1, v0;
	_ =	sdelay $0x1  }
0x54: {  	v0 =	vadd.f32 v2, v0;
	_ =	sdelay $0x1  }
0x55: {  	v0 =	vadd.f32 v3, v0;
	_ =	sdelay $0x1  }
0x56: {  	[tilespmem:s11+$0xFFFFFFB0] =	vst v0  }
0x57: {  	v0 =	vld [tilespmem:s9+$0x0]  }
0x58: {  	v1 =	vld [tilespmem:s9+$0x40];
	_ =	sdelay $0x1  }
0x59: {  	v2 =	vld [tilespmem:s9+$0x80];
	_ =	sdelay $0x1  }
0x5a: {  	v3 =	vld [tilespmem:s9+$0xC0]  }
0x5b: {  	v0 =	vadd.f32 v1, v0;
	_ =	sdelay $0x1  }
0x5c: {  	v0 =	vadd.f32 v2, v0;
	_ =	sdelay $0x1  }
0x5d: {  	v0 =	vadd.f32 v3, v0;
	_ =	sdelay $0x1  }
0x5e: {  	[tilespmem:s11+$0x0] =	vst v0  }
0x5f: {  	v0 =	vld [tilespmem:s9+$0x10]  }
0x60: {  	v1 =	vld [tilespmem:s9+$0x50];
	_ =	sdelay $0x1  }
0x61: {  	v2 =	vld [tilespmem:s9+$0x90];
	_ =	sdelay $0x1  }
0x62: {  	v3 =	vld [tilespmem:s9+$0xD0]  }
0x63: {  	v0 =	vadd.f32 v1, v0;
	_ =	sdelay $0x1  }
0x64: {  	v0 =	vadd.f32 v2, v0;
	_ =	sdelay $0x1  }
0x65: {  	v0 =	vadd.f32 v3, v0;
	_ =	sdelay $0x1  }
0x66: {  	[tilespmem:s11+$0x10] =	vst v0  }
0x67: {  	v0 =	vld [tilespmem:s9+$0x20]  }
0x68: {  	v1 =	vld [tilespmem:s9+$0x60];
	_ =	sdelay $0x1  }
0x69: {  	v2 =	vld [tilespmem:s9+$0xA0];
	_ =	sdelay $0x1  }
0x6a: {  	v3 =	vld [tilespmem:s9+$0xE0]  }
0x6b: {  	v0 =	vadd.f32 v1, v0;
	_ =	sdelay $0x1  }
0x6c: {  	v0 =	vadd.f32 v2, v0;
	_ =	sdelay $0x1  }
0x6d: {  	v0 =	vadd.f32 v3, v0;
	_ =	sdelay $0x1  }
0x6e: {  	[tilespmem:s11+$0x20] =	vst v0  }
0x6f: {  	v0 =	vld [tilespmem:s9+$0x30]  }
0x70: {  	v3 =	vld [tilespmem:s9+$0x70]  }
0x71: {  	v2 =	vld [tilespmem:s9+$0xB0]  }
0x72: {  	s8 =	simm.s32 $0x0;
	s2 =	simm.s32 $0x10480;
	v1 =	vld [tilespmem:s9+$0xF0]  }
.LBB2_3:
0x73: {  	s8 =	sadd.s32 $0x2, s8;
	s9 =	sadd.s32 $0x200, s9;
	s11 =	sadd.s32 $0x100, s11  }
0x74: {  	p1 =	slt.u32 s8, $0x7E  }
0x75: {  	v0 =	vadd.f32 v3, v0;
	_ =	sdelay $0x1  }
0x76: {  	v0 =	vadd.f32 v2, v0;
	_ =	sdelay $0x1  }
0x77: {  	v0 =	vadd.f32 v1, v0;
	_ =	sdelay $0x1  }
0x78: {  	[tilespmem:s2+$0x30] =	vst v0;
	s2 =	smov.u32 s11  }
0x79: {  	v0 =	vld [tilespmem:s9+$0xFFFFFF40]  }
0x7a: {  	v1 =	vld [tilespmem:s9+$0xFFFFFF00]  }
0x7b: {  	v2 =	vld [tilespmem:s9+$0xFFFFFF80];
	_ =	sdelay $0x2  }
0x7c: {  	v3 =	vld [tilespmem:s9+$0xFFFFFFC0]  }
0x7d: {  	v0 =	vadd.f32 v0, v1;
	_ =	sdelay $0x1  }
0x7e: {  	v0 =	vadd.f32 v2, v0;
	_ =	sdelay $0x1  }
0x7f: {  	v0 =	vadd.f32 v3, v0;
	_ =	sdelay $0x1  }
0x80: {  	[tilespmem:s11+$0xFFFFFF80] =	vst v0  }
0x81: {  	v0 =	vld [tilespmem:s9+$0xFFFFFF10]  }
0x82: {  	v1 =	vld [tilespmem:s9+$0xFFFFFF50];
	_ =	sdelay $0x1  }
0x83: {  	v2 =	vld [tilespmem:s9+$0xFFFFFF90];
	_ =	sdelay $0x1  }
0x84: {  	v3 =	vld [tilespmem:s9+$0xFFFFFFD0]  }
0x85: {  	v0 =	vadd.f32 v1, v0;
	_ =	sdelay $0x1  }
0x86: {  	v0 =	vadd.f32 v2, v0;
	_ =	sdelay $0x1  }
0x87: {  	v0 =	vadd.f32 v3, v0;
	_ =	sdelay $0x1  }
0x88: {  	[tilespmem:s11+$0xFFFFFF90] =	vst v0  }
0x89: {  	v0 =	vld [tilespmem:s9+$0xFFFFFF20]  }
0x8a: {  	v1 =	vld [tilespmem:s9+$0xFFFFFF60];
	_ =	sdelay $0x1  }
0x8b: {  	v2 =	vld [tilespmem:s9+$0xFFFFFFA0];
	_ =	sdelay $0x1  }
0x8c: {  	v3 =	vld [tilespmem:s9+$0xFFFFFFE0]  }
0x8d: {  	v0 =	vadd.f32 v1, v0;
	_ =	sdelay $0x1  }
0x8e: {  	v0 =	vadd.f32 v2, v0;
	_ =	sdelay $0x1  }
0x8f: {  	v0 =	vadd.f32 v3, v0;
	_ =	sdelay $0x1  }
0x90: {  	[tilespmem:s11+$0xFFFFFFA0] =	vst v0  }
0x91: {  	v0 =	vld [tilespmem:s9+$0xFFFFFF30]  }
0x92: {  	v1 =	vld [tilespmem:s9+$0xFFFFFF70]  }
0x93: {  	v2 =	vld [tilespmem:s9+$0xFFFFFFB0];
	_ =	sdelay $0x2  }
0x94: {  	v3 =	vld [tilespmem:s9+$0xFFFFFFF0]  }
0x95: {  	v0 =	vadd.f32 v1, v0;
	_ =	sdelay $0x1  }
0x96: {  	v0 =	vadd.f32 v2, v0;
	_ =	sdelay $0x1  }
0x97: {  	v0 =	vadd.f32 v3, v0;
	_ =	sdelay $0x1  }
0x98: {  	[tilespmem:s11+$0xFFFFFFB0] =	vst v0  }
0x99: {  	v0 =	vld [tilespmem:s9+$0x0]  }
0x9a: {  	v1 =	vld [tilespmem:s9+$0x40];
	_ =	sdelay $0x1  }
0x9b: {  	v2 =	vld [tilespmem:s9+$0x80];
	_ =	sdelay $0x1  }
0x9c: {  	v3 =	vld [tilespmem:s9+$0xC0]  }
0x9d: {  	v0 =	vadd.f32 v1, v0;
	_ =	sdelay $0x1  }
0x9e: {  	v0 =	vadd.f32 v2, v0;
	_ =	sdelay $0x1  }
0x9f: {  	v0 =	vadd.f32 v3, v0;
	_ =	sdelay $0x1  }
0xa0: {  	[tilespmem:s11+$0x0] =	vst v0  }
0xa1: {  	v0 =	vld [tilespmem:s9+$0x10]  }
0xa2: {  	v1 =	vld [tilespmem:s9+$0x50]  }
0xa3: {  	v2 =	vld [tilespmem:s9+$0x90]  }
0xa4: {  	v3 =	vld [tilespmem:s9+$0xD0];
	_ =	sdelay $0x2  }
0xa5: {  	v0 =	vadd.f32 v1, v0;
	_ =	sdelay $0x1  }
0xa6: {  	v0 =	vadd.f32 v2, v0;
	_ =	sdelay $0x1  }
0xa7: {  	v0 =	vadd.f32 v3, v0;
	_ =	sdelay $0x1  }
0xa8: {  	[tilespmem:s11+$0x10] =	vst v0  }
0xa9: {  	v0 =	vld [tilespmem:s9+$0x20]  }
0xaa: {  	v1 =	vld [tilespmem:s9+$0x60]  }
0xab: {  	v2 =	vld [tilespmem:s9+$0xA0]  }
0xac: {  	v3 =	vld [tilespmem:s9+$0xE0];
	_ =	sdelay $0x2  }
0xad: {  	v0 =	vadd.f32 v1, v0;
	_ =	sdelay $0x1  }
0xae: {  	v0 =	vadd.f32 v2, v0;
	_ =	sdelay $0x1  }
0xaf: {  	v0 =	vadd.f32 v3, v0;
	_ =	sdelay $0x1  }
.Ltmp0:
0xb0: {  	[tilespmem:s11+$0x20] =	vst v0;
	(pc) =	sbr.rel @p1 .LBB2_3-.Ltmp0, $4  }
0xb1: {  	v0 =	vld [tilespmem:s9+$0x30]  }
0xb2: {  	v3 =	vld [tilespmem:s9+$0x70]  }
0xb3: {  	v2 =	vld [tilespmem:s9+$0xB0]  }
0xb4: {  	v1 =	vld [tilespmem:s9+$0xF0]  }
0xb5: {  	_ =	sdelay $0x1  }
0xb6: {  	v0 =	vadd.f32 v3, v0;
	_ =	sdelay $0x1  }
0xb7: {  	v0 =	vadd.f32 v2, v0  }
0xb8: {  	s1 =	sshll.u32 s10, $0xF  }
0xb9: {  	s1 =	sadd.s32 s5, s1;
	v0 =	vadd.f32 v1, v0  }
0xba: {  	s1 =	sshrl.u32 s1, $0x3  }
0xbb: {  	s1 =	sadd.s32 s6, s1;
	[tilespmem:s2+$0x30] =	vst v0  }
0xbc: {  	[hbm4b:s1+s3] =	stream.linear.scatter [tilespmem:s31], [sflag:$0x2], $0x4000, $0x38;
	[tilespmem:$0x18400] =	vst v63  }
0xbd: {  	_ =	swait.ge [sflag:s30], $0x2000  }
0xbe: {  	[sflag:s30] =	ssyncset.done $0x0  }
0xbf: {  	[sflag:s30] =	ssyncadd.s32 $0xFFFFE000  }
0xc0: {  	_ =	swait.ge [sflag:s30], $0x2000  }
0xc1: {  	[sflag:s30] =	ssyncset.done $0x0  }
0xc2: {  	[sflag:s30] =	ssyncadd.s32 $0xFFFFE000  }
0xc3: {  	_ =	swait.ge [sflag:s30], $0x2000  }
0xc4: {  	[sflag:s30] =	ssyncset.done $0x0  }
0xc5: {  	[sflag:s30] =	ssyncadd.s32 $0xFFFFE000  }
0xc6: {  	s9 =	sadd.s32 $0x1, s10;
	_ =	swait.ge [sflag:s30], $0x2000  }
0xc7: {  	s8 =	sshll.u32 s9, $0xA;
	[sflag:s30] =	ssyncset.done $0x0  }
0xc8: {  	s1 =	sadd.s32 s7, s8;
	[sflag:s30] =	ssyncadd.s32 $0xFFFFE000  }
0xc9: {  	s1 =	sshrl.u32 s1, $0x3;
	s11 =	rddreg [dreg:$0x0]  }
0xca: {  	s1 =	sadd.s32 s11, s1  }
0xcb: {  	[tilespmem:s3], [sflag:$0x3] =	stream.linear.gather [hbm4b:s1+s3], $0x400, $0x38;
	[tilespmem:$0x18400] =	vst v63  }
0xcc: {  	_ =	swait.ge [sflag:s13], $0x400  }
0xcd: {  	[sflag:s13] =	ssyncset.done $0x0  }
0xce: {  	[sflag:s13] =	ssyncadd.s32 $0xFFFFFC00  }
0xcf: {  	[tilespmem:s15], [sflag:$0x1] =	stream.indirect.gather [hbm4b:s4+s14], $0x40, s3, s14, $0xb8;
	[tilespmem:$0x18400] =	vst v63  }
0xd0: {  	_ = 	snop  }
0xd1: {  	[tilespmem:s16], [sflag:$0x1] =	stream.indirect.gather [hbm4b:s4+s14], $0x40, s14, s14, $0xb8;
	[tilespmem:$0x18400] =	vst v63  }
0xd2: {  	_ = 	snop  }
0xd3: {  	[tilespmem:s18], [sflag:$0x1] =	stream.indirect.gather [hbm4b:s4+s14], $0x40, s17, s14, $0xb8;
	[tilespmem:$0x18400] =	vst v63  }
0xd4: {  	s1 =	simm.s32 @!p0 $0x2  }
0xd5: {  	[tilespmem:s20], [sflag:$0x1] =	stream.indirect.gather [hbm4b:s4+s14], $0x40, s19, s14, $0xb8;
	[tilespmem:$0x18400] =	vst v63  }
0xd6: {  	_ =	swait.ge @!p0 [sflag:s1], $0x4000  }
0xd7: {  	[sflag:s1] =	ssyncset.done @!p0 $0x0  }
0xd8: {  	s11 =	simm.s32 $0x8500;
	[sflag:s1] =	ssyncadd.s32 @!p0 $0xFFFFC000  }
0xd9: {  	v0 =	vld [tilespmem:s11+$0xFFFFFF40]  }
0xda: {  	v1 =	vld [tilespmem:s11+$0xFFFFFF00];
	_ =	sdelay $0x1  }
0xdb: {  	v2 =	vld [tilespmem:s11+$0xFFFFFF80];
	_ =	sdelay $0x1  }
0xdc: {  	v3 =	vld [tilespmem:s11+$0xFFFFFFC0]  }
0xdd: {  	v0 =	vadd.f32 v0, v1;
	_ =	sdelay $0x1  }
0xde: {  	v0 =	vadd.f32 v2, v0;
	_ =	sdelay $0x1  }
0xdf: {  	v0 =	vadd.f32 v3, v0  }
0xe0: {  	s2 =	simm.s32 $0x14480  }
0xe1: {  	[tilespmem:s2+$0xFFFFFF80] =	vst v0  }
0xe2: {  	v0 =	vld [tilespmem:s11+$0xFFFFFF10]  }
0xe3: {  	v1 =	vld [tilespmem:s11+$0xFFFFFF50];
	_ =	sdelay $0x1  }
0xe4: {  	v2 =	vld [tilespmem:s11+$0xFFFFFF90];
	_ =	sdelay $0x1  }
0xe5: {  	v3 =	vld [tilespmem:s11+$0xFFFFFFD0]  }
0xe6: {  	v0 =	vadd.f32 v1, v0;
	_ =	sdelay $0x1  }
0xe7: {  	v0 =	vadd.f32 v2, v0;
	_ =	sdelay $0x1  }
0xe8: {  	v0 =	vadd.f32 v3, v0;
	_ =	sdelay $0x1  }
0xe9: {  	[tilespmem:s2+$0xFFFFFF90] =	vst v0  }
0xea: {  	v0 =	vld [tilespmem:s11+$0xFFFFFF20]  }
0xeb: {  	v1 =	vld [tilespmem:s11+$0xFFFFFF60];
	_ =	sdelay $0x1  }
0xec: {  	v2 =	vld [tilespmem:s11+$0xFFFFFFA0];
	_ =	sdelay $0x1  }
0xed: {  	v3 =	vld [tilespmem:s11+$0xFFFFFFE0]  }
0xee: {  	v0 =	vadd.f32 v1, v0;
	_ =	sdelay $0x1  }
0xef: {  	v0 =	vadd.f32 v2, v0;
	_ =	sdelay $0x1  }
0xf0: {  	v0 =	vadd.f32 v3, v0;
	_ =	sdelay $0x1  }
0xf1: {  	[tilespmem:s2+$0xFFFFFFA0] =	vst v0  }
0xf2: {  	v0 =	vld [tilespmem:s11+$0xFFFFFF30]  }
0xf3: {  	v1 =	vld [tilespmem:s11+$0xFFFFFF70];
	_ =	sdelay $0x1  }
0xf4: {  	v2 =	vld [tilespmem:s11+$0xFFFFFFB0];
	_ =	sdelay $0x1  }
0xf5: {  	v3 =	vld [tilespmem:s11+$0xFFFFFFF0]  }
0xf6: {  	v0 =	vadd.f32 v1, v0;
	_ =	sdelay $0x1  }
0xf7: {  	v0 =	vadd.f32 v2, v0;
	_ =	sdelay $0x1  }
0xf8: {  	v0 =	vadd.f32 v3, v0;
	_ =	sdelay $0x1  }
0xf9: {  	[tilespmem:s2+$0xFFFFFFB0] =	vst v0  }
0xfa: {  	v0 =	vld [tilespmem:s11+$0x0]  }
0xfb: {  	v1 =	vld [tilespmem:s11+$0x40];
	_ =	sdelay $0x1  }
0xfc: {  	v2 =	vld [tilespmem:s11+$0x80];
	_ =	sdelay $0x1  }
0xfd: {  	v3 =	vld [tilespmem:s11+$0xC0]  }
0xfe: {  	v0 =	vadd.f32 v1, v0;
	_ =	sdelay $0x1  }
0xff: {  	v0 =	vadd.f32 v2, v0;
	_ =	sdelay $0x1  }
0x100: {  	v0 =	vadd.f32 v3, v0;
	_ =	sdelay $0x1  }
0x101: {  	[tilespmem:s2+$0x0] =	vst v0  }
0x102: {  	v0 =	vld [tilespmem:s11+$0x10]  }
0x103: {  	v1 =	vld [tilespmem:s11+$0x50];
	_ =	sdelay $0x1  }
0x104: {  	v2 =	vld [tilespmem:s11+$0x90];
	_ =	sdelay $0x1  }
0x105: {  	v3 =	vld [tilespmem:s11+$0xD0]  }
0x106: {  	v0 =	vadd.f32 v1, v0;
	_ =	sdelay $0x1  }
0x107: {  	v0 =	vadd.f32 v2, v0;
	_ =	sdelay $0x1  }
0x108: {  	v0 =	vadd.f32 v3, v0;
	_ =	sdelay $0x1  }
0x109: {  	[tilespmem:s2+$0x10] =	vst v0  }
0x10a: {  	v0 =	vld [tilespmem:s11+$0x20]  }
0x10b: {  	v1 =	vld [tilespmem:s11+$0x60];
	_ =	sdelay $0x1  }
0x10c: {  	v2 =	vld [tilespmem:s11+$0xA0];
	_ =	sdelay $0x1  }
0x10d: {  	v3 =	vld [tilespmem:s11+$0xE0]  }
0x10e: {  	v0 =	vadd.f32 v1, v0;
	_ =	sdelay $0x1  }
0x10f: {  	v0 =	vadd.f32 v2, v0;
	_ =	sdelay $0x1  }
0x110: {  	v0 =	vadd.f32 v3, v0;
	_ =	sdelay $0x1  }
0x111: {  	[tilespmem:s2+$0x20] =	vst v0  }
0x112: {  	v0 =	vld [tilespmem:s11+$0x30]  }
0x113: {  	v3 =	vld [tilespmem:s11+$0x70]  }
0x114: {  	v1 =	vld [tilespmem:s11+$0xB0]  }
0x115: {  	s8 =	simm.s32 $0x14480;
	s1 =	simm.s32 $0x0;
	v2 =	vld [tilespmem:s11+$0xF0]  }
.LBB2_5:
0x116: {  	s1 =	sadd.s32 $0x2, s1;
	s11 =	sadd.s32 $0x200, s11;
	s2 =	sadd.s32 $0x100, s2  }
0x117: {  	p0 =	slt.u32 s1, $0x7E  }
0x118: {  	v0 =	vadd.f32 v3, v0;
	_ =	sdelay $0x1  }
0x119: {  	v0 =	vadd.f32 v1, v0;
	_ =	sdelay $0x1  }
0x11a: {  	v0 =	vadd.f32 v2, v0;
	_ =	sdelay $0x1  }
0x11b: {  	[tilespmem:s8+$0x30] =	vst v0;
	s8 =	smov.u32 s2  }
0x11c: {  	v0 =	vld [tilespmem:s11+$0xFFFFFF40]  }
0x11d: {  	v1 =	vld [tilespmem:s11+$0xFFFFFF00]  }
0x11e: {  	v2 =	vld [tilespmem:s11+$0xFFFFFF80];
	_ =	sdelay $0x2  }
0x11f: {  	v3 =	vld [tilespmem:s11+$0xFFFFFFC0]  }
0x120: {  	v0 =	vadd.f32 v0, v1;
	_ =	sdelay $0x1  }
0x121: {  	v0 =	vadd.f32 v2, v0;
	_ =	sdelay $0x1  }
0x122: {  	v0 =	vadd.f32 v3, v0;
	_ =	sdelay $0x1  }
0x123: {  	[tilespmem:s2+$0xFFFFFF80] =	vst v0  }
0x124: {  	v0 =	vld [tilespmem:s11+$0xFFFFFF10]  }
0x125: {  	v1 =	vld [tilespmem:s11+$0xFFFFFF50];
	_ =	sdelay $0x1  }
0x126: {  	v2 =	vld [tilespmem:s11+$0xFFFFFF90];
	_ =	sdelay $0x1  }
0x127: {  	v3 =	vld [tilespmem:s11+$0xFFFFFFD0]  }
0x128: {  	v0 =	vadd.f32 v1, v0;
	_ =	sdelay $0x1  }
0x129: {  	v0 =	vadd.f32 v2, v0;
	_ =	sdelay $0x1  }
0x12a: {  	v0 =	vadd.f32 v3, v0;
	_ =	sdelay $0x1  }
0x12b: {  	[tilespmem:s2+$0xFFFFFF90] =	vst v0  }
0x12c: {  	v0 =	vld [tilespmem:s11+$0xFFFFFF20]  }
0x12d: {  	v1 =	vld [tilespmem:s11+$0xFFFFFF60];
	_ =	sdelay $0x1  }
0x12e: {  	v2 =	vld [tilespmem:s11+$0xFFFFFFA0];
	_ =	sdelay $0x1  }
0x12f: {  	v3 =	vld [tilespmem:s11+$0xFFFFFFE0]  }
0x130: {  	v0 =	vadd.f32 v1, v0;
	_ =	sdelay $0x1  }
0x131: {  	v0 =	vadd.f32 v2, v0;
	_ =	sdelay $0x1  }
0x132: {  	v0 =	vadd.f32 v3, v0;
	_ =	sdelay $0x1  }
0x133: {  	[tilespmem:s2+$0xFFFFFFA0] =	vst v0  }
0x134: {  	v0 =	vld [tilespmem:s11+$0xFFFFFF30]  }
0x135: {  	v1 =	vld [tilespmem:s11+$0xFFFFFF70]  }
0x136: {  	v2 =	vld [tilespmem:s11+$0xFFFFFFB0];
	_ =	sdelay $0x2  }
0x137: {  	v3 =	vld [tilespmem:s11+$0xFFFFFFF0]  }
0x138: {  	v0 =	vadd.f32 v1, v0;
	_ =	sdelay $0x1  }
0x139: {  	v0 =	vadd.f32 v2, v0;
	_ =	sdelay $0x1  }
0x13a: {  	v0 =	vadd.f32 v3, v0;
	_ =	sdelay $0x1  }
0x13b: {  	[tilespmem:s2+$0xFFFFFFB0] =	vst v0  }
0x13c: {  	v0 =	vld [tilespmem:s11+$0x0]  }
0x13d: {  	v1 =	vld [tilespmem:s11+$0x40];
	_ =	sdelay $0x1  }
0x13e: {  	v2 =	vld [tilespmem:s11+$0x80];
	_ =	sdelay $0x1  }
0x13f: {  	v3 =	vld [tilespmem:s11+$0xC0]  }
0x140: {  	v0 =	vadd.f32 v1, v0;
	_ =	sdelay $0x1  }
0x141: {  	v0 =	vadd.f32 v2, v0;
	_ =	sdelay $0x1  }
0x142: {  	v0 =	vadd.f32 v3, v0;
	_ =	sdelay $0x1  }
0x143: {  	[tilespmem:s2+$0x0] =	vst v0  }
0x144: {  	v0 =	vld [tilespmem:s11+$0x10]  }
0x145: {  	v1 =	vld [tilespmem:s11+$0x50]  }
0x146: {  	v2 =	vld [tilespmem:s11+$0x90]  }
0x147: {  	v3 =	vld [tilespmem:s11+$0xD0];
	_ =	sdelay $0x2  }
0x148: {  	v0 =	vadd.f32 v1, v0;
	_ =	sdelay $0x1  }
0x149: {  	v0 =	vadd.f32 v2, v0;
	_ =	sdelay $0x1  }
0x14a: {  	v0 =	vadd.f32 v3, v0;
	_ =	sdelay $0x1  }
0x14b: {  	[tilespmem:s2+$0x10] =	vst v0  }
0x14c: {  	v0 =	vld [tilespmem:s11+$0x20]  }
0x14d: {  	v1 =	vld [tilespmem:s11+$0x60]  }
0x14e: {  	v2 =	vld [tilespmem:s11+$0xA0]  }
0x14f: {  	v3 =	vld [tilespmem:s11+$0xE0];
	_ =	sdelay $0x2  }
0x150: {  	v0 =	vadd.f32 v1, v0;
	_ =	sdelay $0x1  }
0x151: {  	v0 =	vadd.f32 v2, v0;
	_ =	sdelay $0x1  }
0x152: {  	v0 =	vadd.f32 v3, v0;
	_ =	sdelay $0x1  }
.Ltmp1:
0x153: {  	[tilespmem:s2+$0x20] =	vst v0;
	(pc) =	sbr.rel @p0 .LBB2_5-.Ltmp1, $4  }
0x154: {  	v0 =	vld [tilespmem:s11+$0x30]  }
0x155: {  	v3 =	vld [tilespmem:s11+$0x70]  }
0x156: {  	v1 =	vld [tilespmem:s11+$0xB0]  }
0x157: {  	v2 =	vld [tilespmem:s11+$0xF0]  }
0x158: {  	_ =	sdelay $0x1  }
0x159: {  	v0 =	vadd.f32 v3, v0;
	_ =	sdelay $0x1  }
0x15a: {  	p0 =	sne.s32 s9, $0x18;
	v0 =	vadd.f32 v1, v0  }
.Ltmp2:
0x15b: {  	_ = 	snop;
	(pc) =	sbr.rel @p0 .LBB2_2-.Ltmp2, $4  }
0x15c: {  	v0 =	vadd.f32 v2, v0  }
0x15d: {  	s1 =	sshll.u32 s10, $0xC  }
0x15e: {  	s10 =	smov.u32 s9;
	s1 =	sadd.s32 s12, s1;
	[tilespmem:s8+$0x30] =	vst v0  }
0x15f: {  	[hbm4b:s1+s3] =	stream.linear.scatter [tilespmem:s0], [sflag:$0x2], $0x4000, $0x38;
	[tilespmem:$0x18400] =	vst v63  }
0x160: {  	[tilespmem:s22], [sflag:$0x1] =	stream.indirect.gather [hbm4b:s4+s14], $0x40, s21, s14, $0xb8;
	[tilespmem:$0x18400] =	vst v63  }
0x161: {  	_ = 	snop  }
0x162: {  	[tilespmem:s24], [sflag:$0x1] =	stream.indirect.gather [hbm4b:s4+s14], $0x40, s23, s14, $0xb8;
	[tilespmem:$0x18400] =	vst v63  }
0x163: {  	_ = 	snop  }
0x164: {  	[tilespmem:s26], [sflag:$0x1] =	stream.indirect.gather [hbm4b:s4+s14], $0x40, s25, s14, $0xb8;
	[tilespmem:$0x18400] =	vst v63  }
0x165: {  	_ = 	snop  }
0x166: {  	[tilespmem:s29], [sflag:$0x1] =	stream.indirect.gather [hbm4b:s4+s14], $0x40, s28, s14, $0xb8;
	[tilespmem:$0x18400] =	vst v63  }
0x167: {  	_ =	swait.ge [sflag:s30], $0x2000  }
0x168: {  	[sflag:s30] =	ssyncset.done $0x0  }
0x169: {  	[sflag:s30] =	ssyncadd.s32 $0xFFFFE000  }
0x16a: {  	_ =	swait.ge [sflag:s30], $0x2000  }
0x16b: {  	[sflag:s30] =	ssyncset.done $0x0  }
0x16c: {  	[sflag:s30] =	ssyncadd.s32 $0xFFFFE000  }
0x16d: {  	_ =	swait.ge [sflag:s30], $0x2000  }
0x16e: {  	[sflag:s30] =	ssyncset.done $0x0  }
0x16f: {  	[sflag:s30] =	ssyncadd.s32 $0xFFFFE000  }
0x170: {  	_ =	swait.ge [sflag:s30], $0x2000  }
0x171: {  	[sflag:s30] =	ssyncset.done $0x0  }
0x172: {  	s10 =	simm.s32 $0x2;
	[sflag:s30] =	ssyncadd.s32 $0xFFFFE000  }
0x173: {  	_ =	swait.ge [sflag:s10], $0x4000  }
0x174: {  	[sflag:s10] =	ssyncset.done $0x0  }
0x175: {  	s9 =	simm.s32 $0x500;
	[sflag:s10] =	ssyncadd.s32 $0xFFFFC000  }
0x176: {  	v0 =	vld [tilespmem:s9+$0xFFFFFF40]  }
0x177: {  	v1 =	vld [tilespmem:s9+$0xFFFFFF00];
	_ =	sdelay $0x1  }
0x178: {  	v2 =	vld [tilespmem:s9+$0xFFFFFF80];
	_ =	sdelay $0x1  }
0x179: {  	v3 =	vld [tilespmem:s9+$0xFFFFFFC0]  }
0x17a: {  	v0 =	vadd.f32 v0, v1;
	_ =	sdelay $0x1  }
0x17b: {  	v0 =	vadd.f32 v2, v0;
	_ =	sdelay $0x1  }
0x17c: {  	v0 =	vadd.f32 v3, v0  }
0x17d: {  	s2 =	simm.s32 $0x10480  }
0x17e: {  	[tilespmem:s2+$0xFFFFFF80] =	vst v0  }
0x17f: {  	v0 =	vld [tilespmem:s9+$0xFFFFFF10]  }
0x180: {  	v1 =	vld [tilespmem:s9+$0xFFFFFF50];
	_ =	sdelay $0x1  }
0x181: {  	v2 =	vld [tilespmem:s9+$0xFFFFFF90];
	_ =	sdelay $0x1  }
0x182: {  	v3 =	vld [tilespmem:s9+$0xFFFFFFD0]  }
0x183: {  	v0 =	vadd.f32 v1, v0;
	_ =	sdelay $0x1  }
0x184: {  	v0 =	vadd.f32 v2, v0;
	_ =	sdelay $0x1  }
0x185: {  	v0 =	vadd.f32 v3, v0;
	_ =	sdelay $0x1  }
0x186: {  	[tilespmem:s2+$0xFFFFFF90] =	vst v0  }
0x187: {  	v0 =	vld [tilespmem:s9+$0xFFFFFF20]  }
0x188: {  	v1 =	vld [tilespmem:s9+$0xFFFFFF60];
	_ =	sdelay $0x1  }
0x189: {  	v2 =	vld [tilespmem:s9+$0xFFFFFFA0];
	_ =	sdelay $0x1  }
0x18a: {  	v3 =	vld [tilespmem:s9+$0xFFFFFFE0]  }
0x18b: {  	v0 =	vadd.f32 v1, v0;
	_ =	sdelay $0x1  }
0x18c: {  	v0 =	vadd.f32 v2, v0;
	_ =	sdelay $0x1  }
0x18d: {  	v0 =	vadd.f32 v3, v0;
	_ =	sdelay $0x1  }
0x18e: {  	[tilespmem:s2+$0xFFFFFFA0] =	vst v0  }
0x18f: {  	v0 =	vld [tilespmem:s9+$0xFFFFFF30]  }
0x190: {  	v1 =	vld [tilespmem:s9+$0xFFFFFF70];
	_ =	sdelay $0x1  }
0x191: {  	v2 =	vld [tilespmem:s9+$0xFFFFFFB0];
	_ =	sdelay $0x1  }
0x192: {  	v3 =	vld [tilespmem:s9+$0xFFFFFFF0]  }
0x193: {  	v0 =	vadd.f32 v1, v0;
	_ =	sdelay $0x1  }
0x194: {  	v0 =	vadd.f32 v2, v0;
	_ =	sdelay $0x1  }
0x195: {  	v0 =	vadd.f32 v3, v0;
	_ =	sdelay $0x1  }
0x196: {  	[tilespmem:s2+$0xFFFFFFB0] =	vst v0  }
0x197: {  	v0 =	vld [tilespmem:s9+$0x0]  }
0x198: {  	v1 =	vld [tilespmem:s9+$0x40];
	_ =	sdelay $0x1  }
0x199: {  	v2 =	vld [tilespmem:s9+$0x80];
	_ =	sdelay $0x1  }
0x19a: {  	v3 =	vld [tilespmem:s9+$0xC0]  }
0x19b: {  	v0 =	vadd.f32 v1, v0;
	_ =	sdelay $0x1  }
0x19c: {  	v0 =	vadd.f32 v2, v0;
	_ =	sdelay $0x1  }
0x19d: {  	v0 =	vadd.f32 v3, v0;
	_ =	sdelay $0x1  }
0x19e: {  	[tilespmem:s2+$0x0] =	vst v0  }
0x19f: {  	v0 =	vld [tilespmem:s9+$0x10]  }
0x1a0: {  	v1 =	vld [tilespmem:s9+$0x50];
	_ =	sdelay $0x1  }
0x1a1: {  	v2 =	vld [tilespmem:s9+$0x90];
	_ =	sdelay $0x1  }
0x1a2: {  	v3 =	vld [tilespmem:s9+$0xD0]  }
0x1a3: {  	v0 =	vadd.f32 v1, v0;
	_ =	sdelay $0x1  }
0x1a4: {  	v0 =	vadd.f32 v2, v0;
	_ =	sdelay $0x1  }
0x1a5: {  	v0 =	vadd.f32 v3, v0;
	_ =	sdelay $0x1  }
0x1a6: {  	[tilespmem:s2+$0x10] =	vst v0  }
0x1a7: {  	v0 =	vld [tilespmem:s9+$0x20]  }
0x1a8: {  	v1 =	vld [tilespmem:s9+$0x60];
	_ =	sdelay $0x1  }
0x1a9: {  	v2 =	vld [tilespmem:s9+$0xA0];
	_ =	sdelay $0x1  }
0x1aa: {  	v3 =	vld [tilespmem:s9+$0xE0]  }
0x1ab: {  	v0 =	vadd.f32 v1, v0;
	_ =	sdelay $0x1  }
0x1ac: {  	v0 =	vadd.f32 v2, v0;
	_ =	sdelay $0x1  }
0x1ad: {  	v0 =	vadd.f32 v3, v0;
	_ =	sdelay $0x1  }
0x1ae: {  	[tilespmem:s2+$0x20] =	vst v0  }
0x1af: {  	v0 =	vld [tilespmem:s9+$0x30]  }
0x1b0: {  	v3 =	vld [tilespmem:s9+$0x70]  }
0x1b1: {  	v1 =	vld [tilespmem:s9+$0xB0]  }
0x1b2: {  	s1 =	simm.s32 $0x0;
	s8 =	simm.s32 $0x10480;
	v2 =	vld [tilespmem:s9+$0xF0]  }
.LBB2_8:
0x1b3: {  	s1 =	sadd.s32 $0x2, s1;
	s9 =	sadd.s32 $0x200, s9;
	s2 =	sadd.s32 $0x100, s2  }
0x1b4: {  	p0 =	slt.u32 s1, $0x7E  }
0x1b5: {  	v0 =	vadd.f32 v3, v0;
	_ =	sdelay $0x1  }
0x1b6: {  	v0 =	vadd.f32 v1, v0;
	_ =	sdelay $0x1  }
0x1b7: {  	v0 =	vadd.f32 v2, v0;
	_ =	sdelay $0x1  }
0x1b8: {  	[tilespmem:s8+$0x30] =	vst v0;
	s8 =	smov.u32 s2  }
0x1b9: {  	v0 =	vld [tilespmem:s9+$0xFFFFFF40]  }
0x1ba: {  	v1 =	vld [tilespmem:s9+$0xFFFFFF00]  }
0x1bb: {  	v2 =	vld [tilespmem:s9+$0xFFFFFF80];
	_ =	sdelay $0x2  }
0x1bc: {  	v3 =	vld [tilespmem:s9+$0xFFFFFFC0]  }
0x1bd: {  	v0 =	vadd.f32 v0, v1;
	_ =	sdelay $0x1  }
0x1be: {  	v0 =	vadd.f32 v2, v0;
	_ =	sdelay $0x1  }
0x1bf: {  	v0 =	vadd.f32 v3, v0;
	_ =	sdelay $0x1  }
0x1c0: {  	[tilespmem:s2+$0xFFFFFF80] =	vst v0  }
0x1c1: {  	v0 =	vld [tilespmem:s9+$0xFFFFFF10]  }
0x1c2: {  	v1 =	vld [tilespmem:s9+$0xFFFFFF50];
	_ =	sdelay $0x1  }
0x1c3: {  	v2 =	vld [tilespmem:s9+$0xFFFFFF90];
	_ =	sdelay $0x1  }
0x1c4: {  	v3 =	vld [tilespmem:s9+$0xFFFFFFD0]  }
0x1c5: {  	v0 =	vadd.f32 v1, v0;
	_ =	sdelay $0x1  }
0x1c6: {  	v0 =	vadd.f32 v2, v0;
	_ =	sdelay $0x1  }
0x1c7: {  	v0 =	vadd.f32 v3, v0;
	_ =	sdelay $0x1  }
0x1c8: {  	[tilespmem:s2+$0xFFFFFF90] =	vst v0  }
0x1c9: {  	v0 =	vld [tilespmem:s9+$0xFFFFFF20]  }
0x1ca: {  	v1 =	vld [tilespmem:s9+$0xFFFFFF60];
	_ =	sdelay $0x1  }
0x1cb: {  	v2 =	vld [tilespmem:s9+$0xFFFFFFA0];
	_ =	sdelay $0x1  }
0x1cc: {  	v3 =	vld [tilespmem:s9+$0xFFFFFFE0]  }
0x1cd: {  	v0 =	vadd.f32 v1, v0;
	_ =	sdelay $0x1  }
0x1ce: {  	v0 =	vadd.f32 v2, v0;
	_ =	sdelay $0x1  }
0x1cf: {  	v0 =	vadd.f32 v3, v0;
	_ =	sdelay $0x1  }
0x1d0: {  	[tilespmem:s2+$0xFFFFFFA0] =	vst v0  }
0x1d1: {  	v0 =	vld [tilespmem:s9+$0xFFFFFF30]  }
0x1d2: {  	v1 =	vld [tilespmem:s9+$0xFFFFFF70]  }
0x1d3: {  	v2 =	vld [tilespmem:s9+$0xFFFFFFB0];
	_ =	sdelay $0x2  }
0x1d4: {  	v3 =	vld [tilespmem:s9+$0xFFFFFFF0]  }
0x1d5: {  	v0 =	vadd.f32 v1, v0;
	_ =	sdelay $0x1  }
0x1d6: {  	v0 =	vadd.f32 v2, v0;
	_ =	sdelay $0x1  }
0x1d7: {  	v0 =	vadd.f32 v3, v0;
	_ =	sdelay $0x1  }
0x1d8: {  	[tilespmem:s2+$0xFFFFFFB0] =	vst v0  }
0x1d9: {  	v0 =	vld [tilespmem:s9+$0x0]  }
0x1da: {  	v1 =	vld [tilespmem:s9+$0x40];
	_ =	sdelay $0x1  }
0x1db: {  	v2 =	vld [tilespmem:s9+$0x80];
	_ =	sdelay $0x1  }
0x1dc: {  	v3 =	vld [tilespmem:s9+$0xC0]  }
0x1dd: {  	v0 =	vadd.f32 v1, v0;
	_ =	sdelay $0x1  }
0x1de: {  	v0 =	vadd.f32 v2, v0;
	_ =	sdelay $0x1  }
0x1df: {  	v0 =	vadd.f32 v3, v0;
	_ =	sdelay $0x1  }
0x1e0: {  	[tilespmem:s2+$0x0] =	vst v0  }
0x1e1: {  	v0 =	vld [tilespmem:s9+$0x10]  }
0x1e2: {  	v1 =	vld [tilespmem:s9+$0x50]  }
0x1e3: {  	v2 =	vld [tilespmem:s9+$0x90]  }
0x1e4: {  	v3 =	vld [tilespmem:s9+$0xD0];
	_ =	sdelay $0x2  }
0x1e5: {  	v0 =	vadd.f32 v1, v0;
	_ =	sdelay $0x1  }
0x1e6: {  	v0 =	vadd.f32 v2, v0;
	_ =	sdelay $0x1  }
0x1e7: {  	v0 =	vadd.f32 v3, v0;
	_ =	sdelay $0x1  }
0x1e8: {  	[tilespmem:s2+$0x10] =	vst v0  }
0x1e9: {  	v0 =	vld [tilespmem:s9+$0x20]  }
0x1ea: {  	v1 =	vld [tilespmem:s9+$0x60]  }
0x1eb: {  	v2 =	vld [tilespmem:s9+$0xA0]  }
0x1ec: {  	v3 =	vld [tilespmem:s9+$0xE0];
	_ =	sdelay $0x2  }
0x1ed: {  	v0 =	vadd.f32 v1, v0;
	_ =	sdelay $0x1  }
0x1ee: {  	v0 =	vadd.f32 v2, v0;
	_ =	sdelay $0x1  }
0x1ef: {  	v0 =	vadd.f32 v3, v0;
	_ =	sdelay $0x1  }
.Ltmp3:
0x1f0: {  	[tilespmem:s2+$0x20] =	vst v0;
	(pc) =	sbr.rel @p0 .LBB2_8-.Ltmp3, $4  }
0x1f1: {  	v0 =	vld [tilespmem:s9+$0x30]  }
0x1f2: {  	v3 =	vld [tilespmem:s9+$0x70]  }
0x1f3: {  	v1 =	vld [tilespmem:s9+$0xB0]  }
0x1f4: {  	v2 =	vld [tilespmem:s9+$0xF0]  }
0x1f5: {  	_ =	sdelay $0x1  }
0x1f6: {  	v0 =	vadd.f32 v3, v0;
	_ =	sdelay $0x1  }
0x1f7: {  	v0 =	vadd.f32 v1, v0;
	_ =	sdelay $0x1  }
0x1f8: {  	v0 =	vadd.f32 v2, v0;
	_ =	sdelay $0x1  }
0x1f9: {  	s1 =	rddreg [dreg:$0x4];
	[tilespmem:s8+$0x30] =	vst v0  }
0x1fa: {  	[hbm4b:s1+s3] =	stream.linear.scatter [tilespmem:s31], [sflag:$0x2], $0x4000, $0x38;
	[tilespmem:$0x18400] =	vst v63  }
0x1fb: {  	_ =	swait.ge [sflag:s30], $0x2000  }
0x1fc: {  	[sflag:s30] =	ssyncset.done $0x0  }
0x1fd: {  	[sflag:s30] =	ssyncadd.s32 $0xFFFFE000  }
0x1fe: {  	_ =	swait.ge [sflag:s30], $0x2000  }
0x1ff: {  	[sflag:s30] =	ssyncset.done $0x0  }
0x200: {  	[sflag:s30] =	ssyncadd.s32 $0xFFFFE000  }
0x201: {  	_ =	swait.ge [sflag:s30], $0x2000  }
0x202: {  	[sflag:s30] =	ssyncset.done $0x0  }
0x203: {  	[sflag:s30] =	ssyncadd.s32 $0xFFFFE000  }
0x204: {  	_ =	swait.ge [sflag:s30], $0x2000  }
0x205: {  	[sflag:s30] =	ssyncset.done $0x0  }
0x206: {  	[sflag:s30] =	ssyncadd.s32 $0xFFFFE000  }
0x207: {  	_ =	swait.ge [sflag:s10], $0x4000  }
0x208: {  	[sflag:s10] =	ssyncset.done $0x0  }
0x209: {  	s9 =	simm.s32 $0x8500;
	[sflag:s10] =	ssyncadd.s32 $0xFFFFC000  }
0x20a: {  	v0 =	vld [tilespmem:s9+$0xFFFFFF40]  }
0x20b: {  	v1 =	vld [tilespmem:s9+$0xFFFFFF00];
	_ =	sdelay $0x1  }
0x20c: {  	v2 =	vld [tilespmem:s9+$0xFFFFFF80];
	_ =	sdelay $0x1  }
0x20d: {  	v3 =	vld [tilespmem:s9+$0xFFFFFFC0]  }
0x20e: {  	v0 =	vadd.f32 v0, v1;
	_ =	sdelay $0x1  }
0x20f: {  	v0 =	vadd.f32 v2, v0;
	_ =	sdelay $0x1  }
0x210: {  	v0 =	vadd.f32 v3, v0  }
0x211: {  	s2 =	simm.s32 $0x14480  }
0x212: {  	[tilespmem:s2+$0xFFFFFF80] =	vst v0  }
0x213: {  	v0 =	vld [tilespmem:s9+$0xFFFFFF10]  }
0x214: {  	v1 =	vld [tilespmem:s9+$0xFFFFFF50];
	_ =	sdelay $0x1  }
0x215: {  	v2 =	vld [tilespmem:s9+$0xFFFFFF90];
	_ =	sdelay $0x1  }
0x216: {  	v3 =	vld [tilespmem:s9+$0xFFFFFFD0]  }
0x217: {  	v0 =	vadd.f32 v1, v0;
	_ =	sdelay $0x1  }
0x218: {  	v0 =	vadd.f32 v2, v0;
	_ =	sdelay $0x1  }
0x219: {  	v0 =	vadd.f32 v3, v0;
	_ =	sdelay $0x1  }
0x21a: {  	[tilespmem:s2+$0xFFFFFF90] =	vst v0  }
0x21b: {  	v0 =	vld [tilespmem:s9+$0xFFFFFF20]  }
0x21c: {  	v1 =	vld [tilespmem:s9+$0xFFFFFF60];
	_ =	sdelay $0x1  }
0x21d: {  	v2 =	vld [tilespmem:s9+$0xFFFFFFA0];
	_ =	sdelay $0x1  }
0x21e: {  	v3 =	vld [tilespmem:s9+$0xFFFFFFE0]  }
0x21f: {  	v0 =	vadd.f32 v1, v0;
	_ =	sdelay $0x1  }
0x220: {  	v0 =	vadd.f32 v2, v0;
	_ =	sdelay $0x1  }
0x221: {  	v0 =	vadd.f32 v3, v0;
	_ =	sdelay $0x1  }
0x222: {  	[tilespmem:s2+$0xFFFFFFA0] =	vst v0  }
0x223: {  	v0 =	vld [tilespmem:s9+$0xFFFFFF30]  }
0x224: {  	v1 =	vld [tilespmem:s9+$0xFFFFFF70];
	_ =	sdelay $0x1  }
0x225: {  	v2 =	vld [tilespmem:s9+$0xFFFFFFB0];
	_ =	sdelay $0x1  }
0x226: {  	v3 =	vld [tilespmem:s9+$0xFFFFFFF0]  }
0x227: {  	v0 =	vadd.f32 v1, v0;
	_ =	sdelay $0x1  }
0x228: {  	v0 =	vadd.f32 v2, v0;
	_ =	sdelay $0x1  }
0x229: {  	v0 =	vadd.f32 v3, v0;
	_ =	sdelay $0x1  }
0x22a: {  	[tilespmem:s2+$0xFFFFFFB0] =	vst v0  }
0x22b: {  	v0 =	vld [tilespmem:s9+$0x0]  }
0x22c: {  	v1 =	vld [tilespmem:s9+$0x40];
	_ =	sdelay $0x1  }
0x22d: {  	v2 =	vld [tilespmem:s9+$0x80];
	_ =	sdelay $0x1  }
0x22e: {  	v3 =	vld [tilespmem:s9+$0xC0]  }
0x22f: {  	v0 =	vadd.f32 v1, v0;
	_ =	sdelay $0x1  }
0x230: {  	v0 =	vadd.f32 v2, v0;
	_ =	sdelay $0x1  }
0x231: {  	v0 =	vadd.f32 v3, v0;
	_ =	sdelay $0x1  }
0x232: {  	[tilespmem:s2+$0x0] =	vst v0  }
0x233: {  	v0 =	vld [tilespmem:s9+$0x10]  }
0x234: {  	v1 =	vld [tilespmem:s9+$0x50];
	_ =	sdelay $0x1  }
0x235: {  	v2 =	vld [tilespmem:s9+$0x90];
	_ =	sdelay $0x1  }
0x236: {  	v3 =	vld [tilespmem:s9+$0xD0]  }
0x237: {  	v0 =	vadd.f32 v1, v0;
	_ =	sdelay $0x1  }
0x238: {  	v0 =	vadd.f32 v2, v0;
	_ =	sdelay $0x1  }
0x239: {  	v0 =	vadd.f32 v3, v0;
	_ =	sdelay $0x1  }
0x23a: {  	[tilespmem:s2+$0x10] =	vst v0  }
0x23b: {  	v0 =	vld [tilespmem:s9+$0x20]  }
0x23c: {  	v1 =	vld [tilespmem:s9+$0x60];
	_ =	sdelay $0x1  }
0x23d: {  	v2 =	vld [tilespmem:s9+$0xA0];
	_ =	sdelay $0x1  }
0x23e: {  	v3 =	vld [tilespmem:s9+$0xE0]  }
0x23f: {  	v0 =	vadd.f32 v1, v0;
	_ =	sdelay $0x1  }
0x240: {  	v0 =	vadd.f32 v2, v0;
	_ =	sdelay $0x1  }
0x241: {  	v0 =	vadd.f32 v3, v0;
	_ =	sdelay $0x1  }
0x242: {  	[tilespmem:s2+$0x20] =	vst v0  }
0x243: {  	v0 =	vld [tilespmem:s9+$0x30]  }
0x244: {  	v3 =	vld [tilespmem:s9+$0x70]  }
0x245: {  	v1 =	vld [tilespmem:s9+$0xB0]  }
0x246: {  	s8 =	simm.s32 $0x14480;
	s1 =	simm.s32 $0x0;
	v2 =	vld [tilespmem:s9+$0xF0]  }
.LBB2_10:
0x247: {  	s1 =	sadd.s32 $0x2, s1;
	s9 =	sadd.s32 $0x200, s9;
	s2 =	sadd.s32 $0x100, s2  }
0x248: {  	p0 =	slt.u32 s1, $0x7E  }
0x249: {  	v0 =	vadd.f32 v3, v0;
	_ =	sdelay $0x1  }
0x24a: {  	v0 =	vadd.f32 v1, v0;
	_ =	sdelay $0x1  }
0x24b: {  	v0 =	vadd.f32 v2, v0;
	_ =	sdelay $0x1  }
0x24c: {  	[tilespmem:s8+$0x30] =	vst v0;
	s8 =	smov.u32 s2  }
0x24d: {  	v0 =	vld [tilespmem:s9+$0xFFFFFF40]  }
0x24e: {  	v1 =	vld [tilespmem:s9+$0xFFFFFF00]  }
0x24f: {  	v2 =	vld [tilespmem:s9+$0xFFFFFF80];
	_ =	sdelay $0x2  }
0x250: {  	v3 =	vld [tilespmem:s9+$0xFFFFFFC0]  }
0x251: {  	v0 =	vadd.f32 v0, v1;
	_ =	sdelay $0x1  }
0x252: {  	v0 =	vadd.f32 v2, v0;
	_ =	sdelay $0x1  }
0x253: {  	v0 =	vadd.f32 v3, v0;
	_ =	sdelay $0x1  }
0x254: {  	[tilespmem:s2+$0xFFFFFF80] =	vst v0  }
0x255: {  	v0 =	vld [tilespmem:s9+$0xFFFFFF10]  }
0x256: {  	v1 =	vld [tilespmem:s9+$0xFFFFFF50];
	_ =	sdelay $0x1  }
0x257: {  	v2 =	vld [tilespmem:s9+$0xFFFFFF90];
	_ =	sdelay $0x1  }
0x258: {  	v3 =	vld [tilespmem:s9+$0xFFFFFFD0]  }
0x259: {  	v0 =	vadd.f32 v1, v0;
	_ =	sdelay $0x1  }
0x25a: {  	v0 =	vadd.f32 v2, v0;
	_ =	sdelay $0x1  }
0x25b: {  	v0 =	vadd.f32 v3, v0;
	_ =	sdelay $0x1  }
0x25c: {  	[tilespmem:s2+$0xFFFFFF90] =	vst v0  }
0x25d: {  	v0 =	vld [tilespmem:s9+$0xFFFFFF20]  }
0x25e: {  	v1 =	vld [tilespmem:s9+$0xFFFFFF60];
	_ =	sdelay $0x1  }
0x25f: {  	v2 =	vld [tilespmem:s9+$0xFFFFFFA0];
	_ =	sdelay $0x1  }
0x260: {  	v3 =	vld [tilespmem:s9+$0xFFFFFFE0]  }
0x261: {  	v0 =	vadd.f32 v1, v0;
	_ =	sdelay $0x1  }
0x262: {  	v0 =	vadd.f32 v2, v0;
	_ =	sdelay $0x1  }
0x263: {  	v0 =	vadd.f32 v3, v0;
	_ =	sdelay $0x1  }
0x264: {  	[tilespmem:s2+$0xFFFFFFA0] =	vst v0  }
0x265: {  	v0 =	vld [tilespmem:s9+$0xFFFFFF30]  }
0x266: {  	v1 =	vld [tilespmem:s9+$0xFFFFFF70]  }
0x267: {  	v2 =	vld [tilespmem:s9+$0xFFFFFFB0];
	_ =	sdelay $0x2  }
0x268: {  	v3 =	vld [tilespmem:s9+$0xFFFFFFF0]  }
0x269: {  	v0 =	vadd.f32 v1, v0;
	_ =	sdelay $0x1  }
0x26a: {  	v0 =	vadd.f32 v2, v0;
	_ =	sdelay $0x1  }
0x26b: {  	v0 =	vadd.f32 v3, v0;
	_ =	sdelay $0x1  }
0x26c: {  	[tilespmem:s2+$0xFFFFFFB0] =	vst v0  }
0x26d: {  	v0 =	vld [tilespmem:s9+$0x0]  }
0x26e: {  	v1 =	vld [tilespmem:s9+$0x40];
	_ =	sdelay $0x1  }
0x26f: {  	v2 =	vld [tilespmem:s9+$0x80];
	_ =	sdelay $0x1  }
0x270: {  	v3 =	vld [tilespmem:s9+$0xC0]  }
0x271: {  	v0 =	vadd.f32 v1, v0;
	_ =	sdelay $0x1  }
0x272: {  	v0 =	vadd.f32 v2, v0;
	_ =	sdelay $0x1  }
0x273: {  	v0 =	vadd.f32 v3, v0;
	_ =	sdelay $0x1  }
0x274: {  	[tilespmem:s2+$0x0] =	vst v0  }
0x275: {  	v0 =	vld [tilespmem:s9+$0x10]  }
0x276: {  	v1 =	vld [tilespmem:s9+$0x50]  }
0x277: {  	v2 =	vld [tilespmem:s9+$0x90]  }
0x278: {  	v3 =	vld [tilespmem:s9+$0xD0];
	_ =	sdelay $0x2  }
0x279: {  	v0 =	vadd.f32 v1, v0;
	_ =	sdelay $0x1  }
0x27a: {  	v0 =	vadd.f32 v2, v0;
	_ =	sdelay $0x1  }
0x27b: {  	v0 =	vadd.f32 v3, v0;
	_ =	sdelay $0x1  }
0x27c: {  	[tilespmem:s2+$0x10] =	vst v0  }
0x27d: {  	v0 =	vld [tilespmem:s9+$0x20]  }
0x27e: {  	v1 =	vld [tilespmem:s9+$0x60]  }
0x27f: {  	v2 =	vld [tilespmem:s9+$0xA0]  }
0x280: {  	v3 =	vld [tilespmem:s9+$0xE0];
	_ =	sdelay $0x2  }
0x281: {  	v0 =	vadd.f32 v1, v0;
	_ =	sdelay $0x1  }
0x282: {  	v0 =	vadd.f32 v2, v0;
	_ =	sdelay $0x1  }
0x283: {  	v0 =	vadd.f32 v3, v0;
	_ =	sdelay $0x1  }
.Ltmp4:
0x284: {  	[tilespmem:s2+$0x20] =	vst v0;
	(pc) =	sbr.rel @p0 .LBB2_10-.Ltmp4, $4  }
0x285: {  	v0 =	vld [tilespmem:s9+$0x30]  }
0x286: {  	v3 =	vld [tilespmem:s9+$0x70]  }
0x287: {  	v1 =	vld [tilespmem:s9+$0xB0]  }
0x288: {  	v2 =	vld [tilespmem:s9+$0xF0]  }
0x289: {  	_ =	sdelay $0x1  }
0x28a: {  	v0 =	vadd.f32 v3, v0;
	_ =	sdelay $0x1  }
0x28b: {  	v0 =	vadd.f32 v1, v0;
	_ =	sdelay $0x1  }
0x28c: {  	v0 =	vadd.f32 v2, v0;
	_ =	sdelay $0x1  }
0x28d: {  	s1 =	rddreg [dreg:$0x5];
	[tilespmem:s8+$0x30] =	vst v0  }
0x28e: {  	[hbm4b:s1+s3] =	stream.linear.scatter [tilespmem:s0], [sflag:$0x2], $0x4000, $0x38;
	[tilespmem:$0x18400] =	vst v63  }
0x28f: {  	_ =	swait.ge [sflag:s10], $0x4000  }
0x290: {  	[sflag:s10] =	ssyncset.done $0x0  }
0x291: {  	[sflag:s10] =	ssyncadd.s32 $0xFFFFC000  }
0x292: {  	_ =	swait.ge [sflag:s10], $0x4000  }
0x293: {  	s2 =	rddreg [dreg:$0x7]  }
0x294: {  	s11 =	rddreg [dreg:$0x6];
	s2 =	sadd.s32 $0x1, s2  }
0x295: {  	p0 =	sne.s32 s2, s11  }
.Ltmp5:
0x296: {  	_ = 	snop;
	(pc) =	sbr.rel @p0 .LBB2_1-.Ltmp5, $3  }
0x297: {  	_ =	sdelay $0x1  }
0x298: {  	[sflag:s10] =	ssyncset.done $0x0  }
0x299: {  	[sflag:s10] =	ssyncadd.s32 $0xFFFFC000  }
0x29a: {  	_ =	sfence.sel $0x180000  }
0x29b: {  	[bflag:$0x0] =	sbarrier.arrive $0xFFFF  }
0x29c: {  	_ =	strace $0x90000047  }
0x29d: {  	s0 =	stileid.u32;
	[bflag:$0x2] =	sbarrier.arrive $0xFFFF  }
0x29e: {  	p0 =	sne.s32 s0, $0x0;
	s0 =	rddreg [dreg:$0x2]  }
0x29f: {  	s0 =	sadd.s32 @!p0 $0x100000, s0  }
0x2a0: {  	[sflag:s0] =	ssyncadd.tile.s32 @!p0 $0x1;
	_ =	shalt  }
.Lfunc_end2:
_tile_overlayer_lowered:
.L_overlay_start_2:
0x2a1: {  	(tag) =	ssettag $0x2  }
0x2a2: {  	s0 =	rddreg [dreg:$0x0];
	s2 =	stileid.u32  }
0x2a3: {  	s1 =	rddreg [dreg:$0x1];
	p0 =	sne.s32 s2, $0x0  }
0x2a4: {  	s3 =	rddreg [dreg:$0x2];
	[bflag:$0x3] =	sbarrier.arrive $0xFFFF;
	s2 =	simm.s32 @!p0 $0x1C03  }
0x2a5: {  	[timem:s3], [sflag:s2] =	dma.local @!p0 [hbm:s0], s1  }
0x2a6: {  	s0 =	simm.s32 @!p0 $0x3  }
0x2a7: {  	_ =	swait.ge @!p0 [sflag:s0], s1  }
0x2a8: {  	s1 =	ssub.s32 @!p0 $0x0, s1;
	[sflag:s0] =	ssyncset.done @!p0 $0x0  }
0x2a9: {  	[sflag:s0] =	ssyncadd.s32 @!p0 s1  }
0x2aa: {  	[bflag:$0x3] =	sbarrier.arrive $0xFFFF  }
0x2ab: {  	_ =	shalt  }

// kernel: sparse-core-data-format-call.cloned.1.call-start
scs
called_computation_lowered:
.L_overlay_start_0:
0x0: {  	s2 =	sld [smem:$0x3FD9]  }
0x1: {  	s3 =	sld [smem:$0x3FFE];
	_ =	sdelay $0x1  }
0x2: {  	s1 =	srdreg.scid  }
0x3: {  	s0 =	sand.u32 $0x1, s1  }
0x4: {  	s18 =	sshll.u32 s0, $0xA;
	s2 =	sadd.s32 s3, s2  }
0x5: {  	s2 =	sadd.s32 s2, s18  }
0x6: {  	[smem:$0x3FC6] =	sst s2  }
0x7: {  	_ = 	snop  }
0x8: {  	s2 =	sld [smem:$0x3FD0];
	(tm) =	ssettm $0x1  }
0x9: {  	s19 =	sld [smem:$0x3FFB];
	_ =	sdelay $0x3  }
0xa: {  	_ =	strace s19  }
0xb: {  	s3 =	sld [smem:$0x3FFC];
	_ =	sdelay $0x3  }
0xc: {  	_ =	strace s3  }
0xd: {  	s3 =	sld [smem:$0x3FFD];
	_ =	sdelay $0x3  }
0xe: {  	_ =	strace s3  }
0xf: {  	_ =	strace $0x8FFFFFFF  }
0x10: {  	s20 =	sld [smem:$0x3FDB];
	_ =	sdelay $0x1  }
0x11: {  	s4 =	simm.s32 $_scs_section_size  }
0x12: {  	s5 =	simm.s32 $_size__tile_overlayer_lowered;
	s6 =	simm.s32 $_tile_overlayer_lowered  }
0x13: {  	s23 =	simm.s32 $0x1BFF;
	s22 =	sshll.u32 s6, $0x1;
	s3 =	sadd.s32 s4, s20  }
0x14: {  	s7 =	simm.s32 $0x0;
	s21 =	sshll.u32 s5, $0x1;
	s5 =	sadd.s32 s22, s3  }
0x15: {  	[timem:s7], [sflag:s23] =	dma.local [hbm:s5], s21  }
0x16: {  	_ =	swait.ge [sflag:s23], s21  }
0x17: {  	s4 =	ssub.s32 $0x0, s21;
	[sflag:s23] =	ssyncset.done $0x0  }
0x18: {  	[sflag:s23] =	ssyncadd.s32 s4;
	_ =	sdelay $0x1  }
0x19: {  	s24 =	simm.s32 $0x1B8B  }
0x1a: {  	_ =	swait.ge [sflag:s24], $0x1  }
0x1b: {  	[sflag:s24] =	ssyncset.done $0x0  }
0x1c: {  	s26 =	simm.s32 $0x1B8E;
	s25 =	sld [smem:$0x3FFE];
	[sflag:s24] =	ssyncadd.s32 $0xFFFFFFFF  }
0x1d: {  	s27 =	simm.s32 $execute0_lowered;
	[smem:$0x3FD2] =	sst s26  }
0x1e: {  	s5 =	sshll.u32 s27, $0x1;
	_ =	strace $0x80000049;
	[dreg:$0x1] =	wrdreg $0xFFFFFFFF  }
0x1f: {  	s28 =	simm.s32 $_size_execute0_lowered;
	s3 =	sadd.s32 s3, s5;
	[dreg:$0x0] =	wrdreg $0x0  }
0x20: {  	s5 =	sshll.u32 s28, $0x1;
	[dreg:$0x2] =	wrdreg s3  }
0x21: {  	[dreg:$0x3] =	wrdreg s5  }
0x22: {  	[dreg:$0x4] =	wrdreg $0xC0  }
0x23: {  	_ =	task [dreg:s7], $0x5FFFF  }
0x24: {  	[dreg:$0x1] =	wrdreg $0xFFFFFFFF  }
0x25: {  	[dreg:$0x0] =	wrdreg $0x60  }
0x26: {  	[dreg:$0x2] =	wrdreg s25  }
0x27: {  	[dreg:$0x3] =	wrdreg s2  }
0x28: {  	[dreg:$0x4] =	wrdreg $0x9  }
0x29: {  	_ =	task.clear_ibuf [dreg:s7], $0x5FFFF;
	_ =	strace $0x90000049  }
0x2a: {  	s29 =	simm.s32 $0x9;
	_ =	strace $0x8000004B  }
0x2b: {  	_ =	swait.ge [sflag:s29], $0x1  }
0x2c: {  	[sflag:s29] =	ssyncadd.s32 $0xFFFFFFFF  }
0x2d: {  	_ =	strace $0x9000004B  }
0x2e: {  	_ =	sfence  }
0x2f: {  	s30 =	sld [smem:$0x0];
	_ =	sdelay $0x2  }
0x30: {  	s31 =	sshll.u32 s1, $0xD;
	s1 =	sshrl.u32 s1, $0x2  }
0x31: {  	s3 =	sand.u32 $0x4000, s31;
	s1 =	sadd.s32 s1, s30  }
0x32: {  	s0 =	sor.u32 s3, s0;
	s1 =	sshll.u32 s1, $0x11  }
0x33: {  	s0 =	sor.u32 s1, s0  }
0x34: {  	s0 =	sadd.s32 $0x8F2B, s0  }
0x35: {  	[sflag:s0] =	ssyncadd.remote.s32 $0x1  }
0x36: {  	_ =	sfence.sel $0xFFFF  }
0x37: {  	[dreg:$0x0] =	wrdreg $0xFFFFFFFF;
	(pc) =	sbr.abs _section_cstart, $3  }
0x38: {  	[dreg:$0x1] =	wrdreg $0xFFFFFFFF  }
0x39: {  	_ =	task.clear_ibuf [dreg:s7], $0x2FFFF;
	_ =	strace $0x9FFFFFFF  }
0x3a: {  	(tm) =	ssettm $0x7FFFFFFF  }
0x3b: {  	_ =	shalt  }
tec
execute0_lowered:
.L_overlay_start_1:
0x0: {  	(tag) =	ssettag $0x1  }
0x1: {  	s0 =	stileid.u32;
	s6 =	rddreg [dreg:$0x0]  }
0x2: {  	s2 =	rddreg [dreg:$0x1];
	s5 =	srdreg.scid  }
0x3: {  	s31 =	simm.s32 $0x2;
	s13 =	simm.s32 $0x0;
	s1 =	sshll.u32 s0, $0x7  }
0x4: {  	s14 =	simm.s32 $0x0;
	s12 =	simm.s32 $0x0;
	s3 =	sand.u32 $0x380, s1  }
0x5: {  	s5 =	sshll.u32 s5, $0x4;
	s6 =	sadd.s32 $0xA00, s6;
	s4 =	ssub.s32 $0x400, s3  }
0x6: {  	s1 =	rddreg [dreg:$0x2];
	_ =	strace $0x8000004A;
	s7 =	sand.u32 $0x380, s4  }
0x7: {  	s5 =	sand.u32 $0x10, s5;
	p0 =	sne.s32 s7, $0x0;
	s7 =	simm.s32 $0x1  }
.Ltmp0:
0x8: {  	s8 =	sshrl.u32 s4, $0xA;
	s7 =	simm.s32 @!p0 $0x0;
	(pc) =	sbr.rel .LBB1_1-.Ltmp0, $4  }
0x9: {  	s9 =	sor.u32 s0, s5;
	s4 =	simm.s32 $0x1;
	s30 =	sadd.s32 s7, s8  }
0xa: {  	s11 =	smov.u32 s3;
	[sflag:s4] =	ssyncpa.u1 $0x0;
	s5 =	smul.u32 $0x32, s30  }
0xb: {  	[sflag:s31] =	ssyncpa.u1 $0x0;
	p0 =	por $0x0, $0x0;
	s7 =	sshrl.u32 s9, $0x3  }
0xc: {  	s9 =	simm.s32 $0x2000;
	s10 =	smov.u32 s7;
	s8 =	sor.u32 $0x1, s5  }
.LBB1_4:
0xd: {  	s17 =	sand.u32 $0x1F80, s14;
	s13 =	sshll.u32 s13, $0xD  }
0xe: {  	[tilespmem:s16+$0x810 ss:$0x81] =	vst.msk $0xffff, v2;
	s18 =	sshrl.u32 s14, $0x3;
	s31 =	sand.u32 $0x7, s14;
	s17 =	sadd.s32 s2, s17  }
0xf: {  	[tilespmem:s16+$0x1020 ss:$0x81] =	vst.msk $0xffff, v0;
	s18 =	sand.u32 $0xF, s18;
	s14 =	sshll.u32 s31, $0x12;
	s13 =	sadd.s32 s13, s17  }
0x10: {  	[tilespmem:s16+$0x0 ss:$0x81] =	vst.msk $0xffff, v1;
	s14 =	sor.u32 $0x400, s14;
	s13 =	sadd.s32 s18, s13  }
0x11: {  	[hbm4b:s13+s14] =	stream.strided.scatter [tilespmem:s15], [sflag:$0x2], $0x2000, s9, s14, $0x20;
	[tilespmem:$0x8080] =	vst v63  }
.LBB1_5:
0x12: {  	s15 =	sadd.s32 $0x4, s10  }
0x13: {  	s13 =	sadd.s32 $0x400, s11;
	s17 =	smov.u32 s11;
	p2 =	sgt.s32 s15, $0xC7  }
0x14: {  	s17 =	smov.u32 @p2 s13  }
0x15: {  	s15 =	smov.u32 @p2 s7;
	p2 =	sgt.s32 s17, $0x3FF  }
0x16: {  	s17 =	smov.u32 @p2 s3;
	p2 =	sne.s32 s12, s8  }
.Ltmp1:
0x17: {  	p1 =	slt.u32 s12, $0x2;
	(pc) =	sbr.rel @!p2 .LBB1_6-.Ltmp1, $4  }
0x18: {  	s16 =	simm.s32 @!p1 $0x2  }
0x19: {  	s14 =	smov.u32 s11;
	p0 =	por !p0, !p0;
	_ =	swait.ge @!p1 [sflag:s16], $0x2000  }
0x1a: {  	s13 =	smov.u32 s10;
	[sflag:s16] =	ssyncset.done @!p1 $0x0;
	s10 =	smov.u32 s15  }
0x1b: {  	s12 =	sadd.s32 $0x1, s12;
	[sflag:s16] =	ssyncadd.s32 @!p1 $0xFFFFE000;
	s11 =	smov.u32 s17  }
.LBB1_1:
0x1c: {  	p1 =	sge.u32 s12, s5  }
0x1d: {  	s15 =	sand.u32 @!p1 $0x1FFFFFF, s10  }
0x1e: {  	s16 =	smulhi.u32 @!p1 $0x147AE15, s15;
	_ =	sdelay $0x1  }
0x1f: {  	s16 =	smul.u32 @!p1 $0xC8, s16  }
0x20: {  	s17 =	sxor.u32 @!p1 $0xFFFFFFFF, s12;
	s18 =	smul.u32 @!p1 $0xC80, s11  }
0x21: {  	s31 =	sadd.s32 $0xFFFFFFFF, s12;
	s17 =	sshll.u32 @!p1 s17, $0xD;
	s15 =	ssub.s32 @!p1 s15, s16  }
0x22: {  	s16 =	sand.u32 @!p1 $0x2000, s17;
	s17 =	sadd.s32 @!p1 s6, s18;
	s15 =	sshll.u32 @!p1 s15, $0x4  }
0x23: {  	s18 =	simm.s32 @!p1 $0x6400;
	s15 =	sadd.s32 @!p1 s15, s17;
	s17 =	simm.s32 @!p1 $0x40  }
0x24: {  	[tilespmem:s16], [sflag:$0x1] =	stream.strided.gather @!p1 [hbm4b:s15+s17], $0x2000, s18, s17, $0x38;
	[tilespmem:$0x8080] =	vst v63  }
0x25: {  	p1 =	sge.u32 s31, s5  }
.Ltmp2:
0x26: {  	_ = 	snop;
	(pc) =	sbr.rel @p1 .LBB1_5-.Ltmp2, $1  }
0x27: {  	_ =	sdelay $0x3  }
0x28: {  	s15 =	simm.s32 $0x1  }
0x29: {  	_ =	swait.ge [sflag:s4], $0x2000;
	s15 =	simm.s32 @!p0 $0x0  }
0x2a: {  	[sflag:s4] =	ssyncset.done $0x0;
	s16 =	sshll.u32 s15, $0xD  }
0x2b: {  	[sflag:s4] =	ssyncadd.s32 $0xFFFFE000;
	s19 =	sor.u32 $0x20, s16  }
0x2c: {  	s15 =	smul.u32 $0x8100, s15;
	v3 =	vld [tilespmem:s19+$0x10]  }
0x2d: {  	s30 =	sand.u32 $0x1, s12;
	v2 =	vld [tilespmem:s19+$0xFFFFFFF0]  }
0x2e: {  	s16 =	smul.u32 $0x8100, s30;
	s15 =	sshrl.u32 s15, $0x2;
	v0 =	vld [tilespmem:s19+$0x0]  }
0x2f: {  	v1 =	vld [tilespmem:s19+$0xFFFFFFE0];
	s17 =	sor.u32 $0x4000, s15  }
0x30: {  	s31 =	sshrl.u32 s16, $0x2;
	s16 =	sadd.s32 $0x0, s17  }
0x31: {  	s18 =	simm.s32 $0x4;
	s19 =	sadd.s32 $0x40, s19;
	s15 =	sor.u32 $0x4000, s31;
	[tilespmem:s16+$0x1830 ss:$0x81] =	vst.msk $0xffff, v3  }
.LBB1_3:
0x32: {  	v3 =	vld [tilespmem:s19+$0x10];
	p1 =	sne.s32 s18, $0x1FC;
	[tilespmem:s16+$0x810 ss:$0x81] =	vst.msk $0xffff, v2;
	s20 =	smov.u32 s18;
	s18 =	sadd.s32 $0x4, s18  }
.Ltmp3:
0x33: {  	v2 =	vld [tilespmem:s19+$0xFFFFFFF0];
	[tilespmem:s16+$0x1020 ss:$0x81] =	vst.msk $0xffff, v0;
	(pc) =	sbr.rel @p1 .LBB1_3-.Ltmp3, $4  }
0x34: {  	v0 =	vld [tilespmem:s19+$0x0];
	[tilespmem:s16+$0x0 ss:$0x81] =	vst.msk $0xffff, v1  }
0x35: {  	s16 =	sshra.s32 s20, $0x2;
	v1 =	vld [tilespmem:s19+$0xFFFFFFE0]  }
0x36: {  	s16 =	sadd.s32 s16, s17  }
0x37: {  	s19 =	sadd.s32 $0x40, s19;
	[tilespmem:s16+$0x1830 ss:$0x81] =	vst.msk $0xffff, v3  }
.Ltmp4:
0x38: {  	_ = 	snop;
	(pc) =	sbr.rel .LBB1_4-.Ltmp4, $1  }
0x39: {  	_ =	sdelay $0x3  }
.LBB1_6:
0x3a: {  	_ =	sfence.sel $0x180000  }
0x3b: {  	s2 =	simm.s32 $0x1;
	[bflag:$0x0] =	sbarrier.arrive $0xFFFF  }
0x3c: {  	s31 =	simm.s32 $0x2;
	[sflag:s2] =	ssyncpa.u1 $0x1  }
0x3d: {  	[sflag:s31] =	ssyncpa.u1 $0x1  }
0x3e: {  	p0 =	sne.s32 s0, $0x0;
	_ =	strace $0x9000004A  }
0x3f: {  	s0 =	sadd.s32 @!p0 $0x100000, s1;
	[bflag:$0x2] =	sbarrier.arrive $0xFFFF  }
0x40: {  	[sflag:s0] =	ssyncadd.tile.s32 @!p0 $0x1;
	_ =	shalt  }
.Lfunc_end1:
_tile_overlayer_lowered:
.L_overlay_start_2:
0x41: {  	(tag) =	ssettag $0x2  }
0x42: {  	s0 =	rddreg [dreg:$0x0];
	s2 =	stileid.u32  }
0x43: {  	s1 =	rddreg [dreg:$0x1];
	p0 =	sne.s32 s2, $0x0  }
0x44: {  	s3 =	rddreg [dreg:$0x2];
	[bflag:$0x3] =	sbarrier.arrive $0xFFFF;
	s2 =	simm.s32 @!p0 $0x1C01  }
0x45: {  	[timem:s3], [sflag:s2] =	dma.local @!p0 [hbm:s0], s1  }
0x46: {  	s0 =	simm.s32 @!p0 $0x1  }
0x47: {  	_ =	swait.ge @!p0 [sflag:s0], s1  }
0x48: {  	s1 =	ssub.s32 @!p0 $0x0, s1;
	[sflag:s0] =	ssyncset.done @!p0 $0x0  }
0x49: {  	[sflag:s0] =	ssyncadd.s32 @!p0 s1  }
0x4a: {  	[bflag:$0x3] =	sbarrier.arrive $0xFFFF  }
0x4b: {  	_ =	shalt  }

</sc_bundles>
